<compile_context>
chip_gen: v7x
topology: tpu7x:2x2x1
jax: 0.10.2.dev20260603
libtpu: 0.0.44.dev20260713+nightly
codegen_flags: <defaults>
</compile_context>

<pallas_src>
import functools

import jax
import jax.numpy as jnp
from jax import lax
from jax.experimental import pallas as pl
from jax.experimental.pallas import tpu as pltpu
from jax.experimental.pallas import tpu_sc as plsc

_MESH = plsc.ScalarSubcoreMesh(axis_name="c", num_cores=1)

_PERM = [(i + 4 * (i % 4)) % 16 for i in range(16)]


def _xt(x):
    return ((x << 1) ^ ((x >> 7) & 1) * 27) & 255


@functools.partial(
    pl.kernel,
    mesh=_MESH,
    compiler_params=pltpu.CompilerParams(
        needs_layout_passes=False,
        disable_bounds_checks=True,
    ),
    out_type=jax.ShapeDtypeStruct((16,), jnp.int32),
    scratch_types=[
        pltpu.SMEM((256,), jnp.int32),
        pltpu.SMEM((10,), jnp.int32),
        pltpu.SMEM((16,), jnp.int32),
        pltpu.SMEM((16,), jnp.int32),
        pltpu.SemaphoreType.DMA,
    ],
)
def _aes_scs(pt_hbm, key_hbm, sbox_hbm, rcon_hbm, out_hbm,
             sbox_s, rcon_s, io_s, key_s, sem):
    c1 = pltpu.async_copy(sbox_hbm, sbox_s, sem)
    c2 = pltpu.async_copy(rcon_hbm, rcon_s, sem)
    c3 = pltpu.async_copy(pt_hbm, io_s, sem)
    c4 = pltpu.async_copy(key_hbm, key_s, sem)
    c1.wait()
    c2.wait()
    c3.wait()
    c4.wait()

    rk = [key_s[i] for i in range(16)]
    st = [io_s[i] ^ rk[i] for i in range(16)]

    def _next_round_key(rk, rc):
        t = [sbox_s[rk[13]] ^ rc, sbox_s[rk[14]], sbox_s[rk[15]], sbox_s[rk[12]]]
        out = list(rk)
        for i in range(4):
            out[i] = rk[i] ^ t[i]
        for i in range(4, 16):
            out[i] = out[i - 4] ^ rk[i]
        return out

    def _round(r, carry):
        st = list(carry[:16])
        rk = _next_round_key(list(carry[16:]), rcon_s[r - 1])
        sb = [sbox_s[st[_PERM[i]]] for i in range(16)]
        for c in range(4):
            a0, a1, a2, a3 = sb[4 * c:4 * c + 4]
            t = a0 ^ a1 ^ a2 ^ a3
            st[4 * c] = a0 ^ t ^ _xt(a0 ^ a1) ^ rk[4 * c]
            st[4 * c + 1] = a1 ^ t ^ _xt(a1 ^ a2) ^ rk[4 * c + 1]
            st[4 * c + 2] = a2 ^ t ^ _xt(a2 ^ a3) ^ rk[4 * c + 2]
            st[4 * c + 3] = a3 ^ t ^ _xt(a3 ^ a0) ^ rk[4 * c + 3]
        return tuple(st) + tuple(rk)

    carry = tuple(st) + tuple(rk)
    for r in range(1, 10):
        carry = _round(r, carry)
    st = list(carry[:16])
    rk = _next_round_key(list(carry[16:]), rcon_s[9])
    for i in range(16):
        io_s[i] = sbox_s[st[_PERM[i]]] ^ rk[i]
    pltpu.sync_copy(io_s, out_hbm)


def kernel(plaintext, key, sbox, rcon):
    return _aes_scs(plaintext, key, sbox, rcon)

# --- scband reference (transcript-rebuilt; emitter-appended) ---
"""Pipeline reference for scband-model-15307263443707 (READ-ONLY COPY).

The authoritative reference and input builder live on the scoring server;
editing this copy changes nothing except your own understanding.
"""

import jax, jax.numpy as jnp
import numpy as np

SBOX = [99, 124, 119, 123, 242, 107, 111, 197, 48, 1, 103, 43, 254, 215, 171, 118, 202, 130, 201, 125, 250, 89, 71, 240, 173, 212, 162, 175, 156, 164, 114, 192, 183, 253, 147, 38, 54, 63, 247, 204, 52, 165, 229, 241, 113, 216, 49, 21, 4, 199, 35, 195, 24, 150, 5, 154, 7, 18, 128, 226, 235, 39, 178, 117, 9, 131, 44, 26, 27, 110, 90, 160, 82, 59, 214, 179, 41, 227, 47, 132, 83, 209, 0, 237, 32, 252, 177, 91, 106, 203, 190, 57, 74, 76, 88, 207, 208, 239, 170, 251, 67, 77, 51, 133, 69, 249, 2, 127, 80, 60, 159, 168, 81, 163, 64, 143, 146, 157, 56, 245, 188, 182, 218, 33, 16, 255, 243, 210, 205, 12, 19, 236, 95, 151, 68, 23, 196, 167, 126, 61, 100, 93, 25, 115, 96, 129, 79, 220, 34, 42, 144, 136, 70, 238, 184, 20, 222, 94, 11, 219, 224, 50, 58, 10, 73, 6, 36, 92, 194, 211, 172, 98, 145, 149, 228, 121, 231, 200, 55, 109, 141, 213, 78, 169, 108, 86, 244, 234, 101, 122, 174, 8, 186, 120, 37, 46, 28, 166, 180, 198, 232, 221, 116, 31, 75, 189, 139, 138, 112, 62, 181, 102, 72, 3, 246, 14, 97, 53, 87, 185, 134, 193, 29, 158, 225, 248, 152, 17, 105, 217, 142, 148, 155, 30, 135, 233, 206, 85, 40, 223, 140, 161, 137, 13, 191, 230, 66, 104, 65, 153, 45, 15, 176, 84, 187, 22]
RCON = [1, 2, 4, 8, 16, 32, 64, 128, 27, 54]


def setup_inputs(seed: int = 0) -> dict:
    key = jax.random.key(seed)
    k1, k2 = jax.random.split(key)
    plaintext = jax.random.randint(k1, (16,), 0, 256, dtype=jnp.int32)
    aes_key = jax.random.randint(k2, (16,), 0, 256, dtype=jnp.int32)
    sbox = jnp.asarray(SBOX, dtype=jnp.int32)
    rcon = jnp.asarray(RCON, dtype=jnp.int32)
    return {"plaintext": plaintext, "key": aes_key, "sbox": sbox, "rcon": rcon}


def _xtime(x):
    return ((x << 1) ^ ((x >> 7) & 1) * 27) & 255


def _mix_column(col):
    t = col[0] ^ col[1] ^ col[2] ^ col[3]
    r0 = (col[0] ^ t ^ _xtime(col[0] ^ col[1])) & 255
    r1 = (col[1] ^ t ^ _xtime(col[1] ^ col[2])) & 255
    r2 = (col[2] ^ t ^ _xtime(col[2] ^ col[3])) & 255
    r3 = (col[3] ^ t ^ _xtime(col[3] ^ col[0])) & 255
    return jnp.stack([r0, r1, r2, r3])


def _mix_columns(state):
    return jnp.stack([_mix_column(state[:, i]) for i in range(4)], axis=1)


def _shift_rows(state):
    return jnp.stack([
        state[0],
        jnp.roll(state[1], -1),
        jnp.roll(state[2], -2),
        jnp.roll(state[3], -3),
    ], axis=0)


def _sub_bytes(state, sbox):
    # gather / embedding-style table lookup
    return jnp.take(sbox, state, axis=0)


def _expand_key(aes_key, sbox, rcon):
    rks = [aes_key.reshape(4, 4).T]
    for i in range(1, 11):
        prev = rks[-1]
        temp = jnp.roll(prev[:, 3], -1)
        temp = jnp.take(sbox, temp, axis=0)
        temp = temp.at[0].set(temp[0] ^ rcon[i - 1])
        cols = [prev[:, 0] ^ temp]
        for j in range(1, 4):
            cols.append(cols[-1] ^ prev[:, j])
        rks.append(jnp.stack(cols, axis=1))
    return rks


def reference(plaintext, key, sbox, rcon):
    round_keys = _expand_key(key, sbox, rcon)
    state = plaintext.reshape(4, 4).T
    state = state ^ round_keys[0]
    for r in range(1, 10):
        state = _sub_bytes(state, sbox)
        state = _shift_rows(state)
        state = _mix_columns(state)
        state = state ^ round_keys[r]
    state = _sub_bytes(state, sbox)
    state = _shift_rows(state)
    state = state ^ round_keys[10]
    return state.T.flatten()

if __name__ == "__main__":
    import jax
    _d = setup_inputs()
    print(jax.jit(kernel)(*tuple(_d.values())))

</pallas_src>

<mosaic_0001>
#map = affine_map<(d0) -> (0)>
module attributes {stable_mosaic.version = 14 : i64} {
  func.func @_aes_scs(%arg0: i32, %arg1: memref<16xi32, #tpu.memory_space<hbm>>, %arg2: memref<16xi32, #tpu.memory_space<hbm>>, %arg3: memref<256xi32, #tpu.memory_space<hbm>>, %arg4: memref<10xi32, #tpu.memory_space<hbm>>, %arg5: memref<16xi32, #tpu.memory_space<hbm>>, %arg6: memref<256xi32, #tpu.memory_space<smem>>, %arg7: memref<10xi32, #tpu.memory_space<smem>>, %arg8: memref<16xi32, #tpu.memory_space<smem>>, %arg9: memref<16xi32, #tpu.memory_space<smem>>, %arg10: memref<!tpu.dma_semaphore, #tpu.memory_space<semaphore_mem>>) attributes {dimension_semantics = [#tpu.dimension_semantics<core_parallel>], iteration_bounds = array<i64: 1>, scalar_prefetch = 0 : i64, scratch_operands = 5 : i64, tpu.core_type = #tpu.core_type<sc_scalar_subcore>, window_params = [{transform_indices = #map}, {transform_indices = #map}, {transform_indices = #map}, {transform_indices = #map}, {transform_indices = #map}]} {
    tpu.enqueue_dma source(%arg3 : memref<256xi32, #tpu.memory_space<hbm>>) target(%arg6 : memref<256xi32, #tpu.memory_space<smem>>) target_semaphore(%arg10 : memref<!tpu.dma_semaphore, #tpu.memory_space<semaphore_mem>>)
    tpu.enqueue_dma source(%arg4 : memref<10xi32, #tpu.memory_space<hbm>>) target(%arg7 : memref<10xi32, #tpu.memory_space<smem>>) target_semaphore(%arg10 : memref<!tpu.dma_semaphore, #tpu.memory_space<semaphore_mem>>)
    tpu.enqueue_dma source(%arg1 : memref<16xi32, #tpu.memory_space<hbm>>) target(%arg8 : memref<16xi32, #tpu.memory_space<smem>>) target_semaphore(%arg10 : memref<!tpu.dma_semaphore, #tpu.memory_space<semaphore_mem>>)
    tpu.enqueue_dma source(%arg2 : memref<16xi32, #tpu.memory_space<hbm>>) target(%arg9 : memref<16xi32, #tpu.memory_space<smem>>) target_semaphore(%arg10 : memref<!tpu.dma_semaphore, #tpu.memory_space<semaphore_mem>>)
    tpu.wait_dma2 semaphore(%arg10 : memref<!tpu.dma_semaphore, #tpu.memory_space<semaphore_mem>>) src(%arg3 : memref<256xi32, #tpu.memory_space<hbm>>) dst(%arg6 : memref<256xi32, #tpu.memory_space<smem>>)
    tpu.wait_dma2 semaphore(%arg10 : memref<!tpu.dma_semaphore, #tpu.memory_space<semaphore_mem>>) src(%arg4 : memref<10xi32, #tpu.memory_space<hbm>>) dst(%arg7 : memref<10xi32, #tpu.memory_space<smem>>)
    tpu.wait_dma2 semaphore(%arg10 : memref<!tpu.dma_semaphore, #tpu.memory_space<semaphore_mem>>) src(%arg1 : memref<16xi32, #tpu.memory_space<hbm>>) dst(%arg8 : memref<16xi32, #tpu.memory_space<smem>>)
    tpu.wait_dma2 semaphore(%arg10 : memref<!tpu.dma_semaphore, #tpu.memory_space<semaphore_mem>>) src(%arg2 : memref<16xi32, #tpu.memory_space<hbm>>) dst(%arg9 : memref<16xi32, #tpu.memory_space<smem>>)
    %get3A = arith.constant 0 : i32
    %get3A_0 = arith.index_cast %get3A : i32 to index
    %get3A_1 = memref.load %arg9[%get3A_0] : memref<16xi32, #tpu.memory_space<smem>>
    %get3A_2 = arith.constant 1 : i32
    %get3A_3 = arith.index_cast %get3A_2 : i32 to index
    %get3A_4 = memref.load %arg9[%get3A_3] : memref<16xi32, #tpu.memory_space<smem>>
    %get3A_5 = arith.constant 2 : i32
    %get3A_6 = arith.index_cast %get3A_5 : i32 to index
    %get3A_7 = memref.load %arg9[%get3A_6] : memref<16xi32, #tpu.memory_space<smem>>
    %get3A_8 = arith.constant 3 : i32
    %get3A_9 = arith.index_cast %get3A_8 : i32 to index
    %get3A_10 = memref.load %arg9[%get3A_9] : memref<16xi32, #tpu.memory_space<smem>>
    %get3A_11 = arith.constant 4 : i32
    %get3A_12 = arith.index_cast %get3A_11 : i32 to index
    %get3A_13 = memref.load %arg9[%get3A_12] : memref<16xi32, #tpu.memory_space<smem>>
    %get3A_14 = arith.constant 5 : i32
    %get3A_15 = arith.index_cast %get3A_14 : i32 to index
    %get3A_16 = memref.load %arg9[%get3A_15] : memref<16xi32, #tpu.memory_space<smem>>
    %get3A_17 = arith.constant 6 : i32
    %get3A_18 = arith.index_cast %get3A_17 : i32 to index
    %get3A_19 = memref.load %arg9[%get3A_18] : memref<16xi32, #tpu.memory_space<smem>>
    %get3A_20 = arith.constant 7 : i32
    %get3A_21 = arith.index_cast %get3A_20 : i32 to index
    %get3A_22 = memref.load %arg9[%get3A_21] : memref<16xi32, #tpu.memory_space<smem>>
    %get3A_23 = arith.constant 8 : i32
    %get3A_24 = arith.index_cast %get3A_23 : i32 to index
    %get3A_25 = memref.load %arg9[%get3A_24] : memref<16xi32, #tpu.memory_space<smem>>
    %get3A_26 = arith.constant 9 : i32
    %get3A_27 = arith.index_cast %get3A_26 : i32 to index
    %get3A_28 = memref.load %arg9[%get3A_27] : memref<16xi32, #tpu.memory_space<smem>>
    %get3A_29 = arith.constant 10 : i32
    %get3A_30 = arith.index_cast %get3A_29 : i32 to index
    %get3A_31 = memref.load %arg9[%get3A_30] : memref<16xi32, #tpu.memory_space<smem>>
    %get3A_32 = arith.constant 11 : i32
    %get3A_33 = arith.index_cast %get3A_32 : i32 to index
    %get3A_34 = memref.load %arg9[%get3A_33] : memref<16xi32, #tpu.memory_space<smem>>
    %get3A_35 = arith.constant 12 : i32
    %get3A_36 = arith.index_cast %get3A_35 : i32 to index
    %get3A_37 = memref.load %arg9[%get3A_36] : memref<16xi32, #tpu.memory_space<smem>>
    %get3A_38 = arith.constant 13 : i32
    %get3A_39 = arith.index_cast %get3A_38 : i32 to index
    %get3A_40 = memref.load %arg9[%get3A_39] : memref<16xi32, #tpu.memory_space<smem>>
    %get3A_41 = arith.constant 14 : i32
    %get3A_42 = arith.index_cast %get3A_41 : i32 to index
    %get3A_43 = memref.load %arg9[%get3A_42] : memref<16xi32, #tpu.memory_space<smem>>
    %get3A_44 = arith.constant 15 : i32
    %get3A_45 = arith.index_cast %get3A_44 : i32 to index
    %get3A_46 = memref.load %arg9[%get3A_45] : memref<16xi32, #tpu.memory_space<smem>>
    %get3A_47 = arith.constant 0 : i32
    %get3A_48 = arith.index_cast %get3A_47 : i32 to index
    %get3A_49 = memref.load %arg8[%get3A_48] : memref<16xi32, #tpu.memory_space<smem>>
    %xor3A = arith.xori %get3A_49, %get3A_1 : i32
    %get3A_50 = arith.constant 1 : i32
    %get3A_51 = arith.index_cast %get3A_50 : i32 to index
    %get3A_52 = memref.load %arg8[%get3A_51] : memref<16xi32, #tpu.memory_space<smem>>
    %xor3A_53 = arith.xori %get3A_52, %get3A_4 : i32
    %get3A_54 = arith.constant 2 : i32
    %get3A_55 = arith.index_cast %get3A_54 : i32 to index
    %get3A_56 = memref.load %arg8[%get3A_55] : memref<16xi32, #tpu.memory_space<smem>>
    %xor3A_57 = arith.xori %get3A_56, %get3A_7 : i32
    %get3A_58 = arith.constant 3 : i32
    %get3A_59 = arith.index_cast %get3A_58 : i32 to index
    %get3A_60 = memref.load %arg8[%get3A_59] : memref<16xi32, #tpu.memory_space<smem>>
    %xor3A_61 = arith.xori %get3A_60, %get3A_10 : i32
    %get3A_62 = arith.constant 4 : i32
    %get3A_63 = arith.index_cast %get3A_62 : i32 to index
    %get3A_64 = memref.load %arg8[%get3A_63] : memref<16xi32, #tpu.memory_space<smem>>
    %xor3A_65 = arith.xori %get3A_64, %get3A_13 : i32
    %get3A_66 = arith.constant 5 : i32
    %get3A_67 = arith.index_cast %get3A_66 : i32 to index
    %get3A_68 = memref.load %arg8[%get3A_67] : memref<16xi32, #tpu.memory_space<smem>>
    %xor3A_69 = arith.xori %get3A_68, %get3A_16 : i32
    %get3A_70 = arith.constant 6 : i32
    %get3A_71 = arith.index_cast %get3A_70 : i32 to index
    %get3A_72 = memref.load %arg8[%get3A_71] : memref<16xi32, #tpu.memory_space<smem>>
    %xor3A_73 = arith.xori %get3A_72, %get3A_19 : i32
    %get3A_74 = arith.constant 7 : i32
    %get3A_75 = arith.index_cast %get3A_74 : i32 to index
    %get3A_76 = memref.load %arg8[%get3A_75] : memref<16xi32, #tpu.memory_space<smem>>
    %xor3A_77 = arith.xori %get3A_76, %get3A_22 : i32
    %get3A_78 = arith.constant 8 : i32
    %get3A_79 = arith.index_cast %get3A_78 : i32 to index
    %get3A_80 = memref.load %arg8[%get3A_79] : memref<16xi32, #tpu.memory_space<smem>>
    %xor3A_81 = arith.xori %get3A_80, %get3A_25 : i32
    %get3A_82 = arith.constant 9 : i32
    %get3A_83 = arith.index_cast %get3A_82 : i32 to index
    %get3A_84 = memref.load %arg8[%get3A_83] : memref<16xi32, #tpu.memory_space<smem>>
    %xor3A_85 = arith.xori %get3A_84, %get3A_28 : i32
    %get3A_86 = arith.constant 10 : i32
    %get3A_87 = arith.index_cast %get3A_86 : i32 to index
    %get3A_88 = memref.load %arg8[%get3A_87] : memref<16xi32, #tpu.memory_space<smem>>
    %xor3A_89 = arith.xori %get3A_88, %get3A_31 : i32
    %get3A_90 = arith.constant 11 : i32
    %get3A_91 = arith.index_cast %get3A_90 : i32 to index
    %get3A_92 = memref.load %arg8[%get3A_91] : memref<16xi32, #tpu.memory_space<smem>>
    %xor3A_93 = arith.xori %get3A_92, %get3A_34 : i32
    %get3A_94 = arith.constant 12 : i32
    %get3A_95 = arith.index_cast %get3A_94 : i32 to index
    %get3A_96 = memref.load %arg8[%get3A_95] : memref<16xi32, #tpu.memory_space<smem>>
    %xor3A_97 = arith.xori %get3A_96, %get3A_37 : i32
    %get3A_98 = arith.constant 13 : i32
    %get3A_99 = arith.index_cast %get3A_98 : i32 to index
    %get3A_100 = memref.load %arg8[%get3A_99] : memref<16xi32, #tpu.memory_space<smem>>
    %xor3A_101 = arith.xori %get3A_100, %get3A_40 : i32
    %get3A_102 = arith.constant 14 : i32
    %get3A_103 = arith.index_cast %get3A_102 : i32 to index
    %get3A_104 = memref.load %arg8[%get3A_103] : memref<16xi32, #tpu.memory_space<smem>>
    %xor3A_105 = arith.xori %get3A_104, %get3A_43 : i32
    %get3A_106 = arith.constant 15 : i32
    %get3A_107 = arith.index_cast %get3A_106 : i32 to index
    %get3A_108 = memref.load %arg8[%get3A_107] : memref<16xi32, #tpu.memory_space<smem>>
    %xor3A_109 = arith.xori %get3A_108, %get3A_46 : i32
    %get3A_110 = arith.constant 0 : i32
    %get3A_111 = arith.index_cast %get3A_110 : i32 to index
    %get3A_112 = memref.load %arg7[%get3A_111] : memref<10xi32, #tpu.memory_space<smem>>
    %get3A_113 = arith.index_cast %get3A_40 : i32 to index
    %get3A_114 = memref.load %arg6[%get3A_113] : memref<256xi32, #tpu.memory_space<smem>>
    %xor3A_115 = arith.xori %get3A_114, %get3A_112 : i32
    %get3A_116 = arith.index_cast %get3A_43 : i32 to index
    %get3A_117 = memref.load %arg6[%get3A_116] : memref<256xi32, #tpu.memory_space<smem>>
    %get3A_118 = arith.index_cast %get3A_46 : i32 to index
    %get3A_119 = memref.load %arg6[%get3A_118] : memref<256xi32, #tpu.memory_space<smem>>
    %get3A_120 = arith.index_cast %get3A_37 : i32 to index
    %get3A_121 = memref.load %arg6[%get3A_120] : memref<256xi32, #tpu.memory_space<smem>>
    %xor3A_122 = arith.xori %get3A_1, %xor3A_115 : i32
    %xor3A_123 = arith.xori %get3A_4, %get3A_117 : i32
    %xor3A_124 = arith.xori %get3A_7, %get3A_119 : i32
    %xor3A_125 = arith.xori %get3A_10, %get3A_121 : i32
    %xor3A_126 = arith.xori %xor3A_122, %get3A_13 : i32
    %xor3A_127 = arith.xori %xor3A_123, %get3A_16 : i32
    %xor3A_128 = arith.xori %xor3A_124, %get3A_19 : i32
    %xor3A_129 = arith.xori %xor3A_125, %get3A_22 : i32
    %xor3A_130 = arith.xori %xor3A_126, %get3A_25 : i32
    %xor3A_131 = arith.xori %xor3A_127, %get3A_28 : i32
    %xor3A_132 = arith.xori %xor3A_128, %get3A_31 : i32
    %xor3A_133 = arith.xori %xor3A_129, %get3A_34 : i32
    %xor3A_134 = arith.xori %xor3A_130, %get3A_37 : i32
    %xor3A_135 = arith.xori %xor3A_131, %get3A_40 : i32
    %xor3A_136 = arith.xori %xor3A_132, %get3A_43 : i32
    %xor3A_137 = arith.xori %xor3A_133, %get3A_46 : i32
    %get3A_138 = arith.index_cast %xor3A : i32 to index
    %get3A_139 = memref.load %arg6[%get3A_138] : memref<256xi32, #tpu.memory_space<smem>>
    %get3A_140 = arith.index_cast %xor3A_69 : i32 to index
    %get3A_141 = memref.load %arg6[%get3A_140] : memref<256xi32, #tpu.memory_space<smem>>
    %get3A_142 = arith.index_cast %xor3A_89 : i32 to index
    %get3A_143 = memref.load %arg6[%get3A_142] : memref<256xi32, #tpu.memory_space<smem>>
    %get3A_144 = arith.index_cast %xor3A_109 : i32 to index
    %get3A_145 = memref.load %arg6[%get3A_144] : memref<256xi32, #tpu.memory_space<smem>>
    %get3A_146 = arith.index_cast %xor3A_65 : i32 to index
    %get3A_147 = memref.load %arg6[%get3A_146] : memref<256xi32, #tpu.memory_space<smem>>
    %get3A_148 = arith.index_cast %xor3A_85 : i32 to index
    %get3A_149 = memref.load %arg6[%get3A_148] : memref<256xi32, #tpu.memory_space<smem>>
    %get3A_150 = arith.index_cast %xor3A_105 : i32 to index
    %get3A_151 = memref.load %arg6[%get3A_150] : memref<256xi32, #tpu.memory_space<smem>>
    %get3A_152 = arith.index_cast %xor3A_61 : i32 to index
    %get3A_153 = memref.load %arg6[%get3A_152] : memref<256xi32, #tpu.memory_space<smem>>
    %get3A_154 = arith.index_cast %xor3A_81 : i32 to index
    %get3A_155 = memref.load %arg6[%get3A_154] : memref<256xi32, #tpu.memory_space<smem>>
    %get3A_156 = arith.index_cast %xor3A_101 : i32 to index
    %get3A_157 = memref.load %arg6[%get3A_156] : memref<256xi32, #tpu.memory_space<smem>>
    %get3A_158 = arith.index_cast %xor3A_57 : i32 to index
    %get3A_159 = memref.load %arg6[%get3A_158] : memref<256xi32, #tpu.memory_space<smem>>
    %get3A_160 = arith.index_cast %xor3A_77 : i32 to index
    %get3A_161 = memref.load %arg6[%get3A_160] : memref<256xi32, #tpu.memory_space<smem>>
    %get3A_162 = arith.index_cast %xor3A_97 : i32 to index
    %get3A_163 = memref.load %arg6[%get3A_162] : memref<256xi32, #tpu.memory_space<smem>>
    %get3A_164 = arith.index_cast %xor3A_53 : i32 to index
    %get3A_165 = memref.load %arg6[%get3A_164] : memref<256xi32, #tpu.memory_space<smem>>
    %get3A_166 = arith.index_cast %xor3A_73 : i32 to index
    %get3A_167 = memref.load %arg6[%get3A_166] : memref<256xi32, #tpu.memory_space<smem>>
    %get3A_168 = arith.index_cast %xor3A_93 : i32 to index
    %get3A_169 = memref.load %arg6[%get3A_168] : memref<256xi32, #tpu.memory_space<smem>>
    %xor3A_170 = arith.xori %get3A_139, %get3A_141 : i32
    %xor3A_171 = arith.xori %xor3A_170, %get3A_143 : i32
    %xor3A_172 = arith.xori %xor3A_171, %get3A_145 : i32
    %xor3A_173 = arith.xori %get3A_139, %xor3A_172 : i32
    %xor3A_174 = arith.xori %get3A_139, %get3A_141 : i32
    %shift_left3A = arith.constant 1 : i32
    %shift_left3A_175 = arith.shli %xor3A_174, %shift_left3A : i32
    %shift_right_arithmetic3A = arith.constant 7 : i32
    %shift_right_arithmetic3A_176 = arith.shrsi %xor3A_174, %shift_right_arithmetic3A : i32
    %and3A = arith.constant 1 : i32
    %and3A_177 = arith.andi %shift_right_arithmetic3A_176, %and3A : i32
    %mul3A = arith.constant 27 : i32
    %mul3A_178 = arith.muli %and3A_177, %mul3A : i32
    %xor3A_179 = arith.xori %shift_left3A_175, %mul3A_178 : i32
    %and3A_180 = arith.constant 255 : i32
    %and3A_181 = arith.andi %xor3A_179, %and3A_180 : i32
    %xor3A_182 = arith.xori %xor3A_173, %and3A_181 : i32
    %xor3A_183 = arith.xori %xor3A_182, %xor3A_122 : i32
    %xor3A_184 = arith.xori %get3A_141, %xor3A_172 : i32
    %xor3A_185 = arith.xori %get3A_141, %get3A_143 : i32
    %shift_left3A_186 = arith.constant 1 : i32
    %shift_left3A_187 = arith.shli %xor3A_185, %shift_left3A_186 : i32
    %shift_right_arithmetic3A_188 = arith.constant 7 : i32
    %shift_right_arithmetic3A_189 = arith.shrsi %xor3A_185, %shift_right_arithmetic3A_188 : i32
    %and3A_190 = arith.constant 1 : i32
    %and3A_191 = arith.andi %shift_right_arithmetic3A_189, %and3A_190 : i32
    %mul3A_192 = arith.constant 27 : i32
    %mul3A_193 = arith.muli %and3A_191, %mul3A_192 : i32
    %xor3A_194 = arith.xori %shift_left3A_187, %mul3A_193 : i32
    %and3A_195 = arith.constant 255 : i32
    %and3A_196 = arith.andi %xor3A_194, %and3A_195 : i32
    %xor3A_197 = arith.xori %xor3A_184, %and3A_196 : i32
    %xor3A_198 = arith.xori %xor3A_197, %xor3A_123 : i32
    %xor3A_199 = arith.xori %get3A_143, %xor3A_172 : i32
    %xor3A_200 = arith.xori %get3A_143, %get3A_145 : i32
    %shift_left3A_201 = arith.constant 1 : i32
    %shift_left3A_202 = arith.shli %xor3A_200, %shift_left3A_201 : i32
    %shift_right_arithmetic3A_203 = arith.constant 7 : i32
    %shift_right_arithmetic3A_204 = arith.shrsi %xor3A_200, %shift_right_arithmetic3A_203 : i32
    %and3A_205 = arith.constant 1 : i32
    %and3A_206 = arith.andi %shift_right_arithmetic3A_204, %and3A_205 : i32
    %mul3A_207 = arith.constant 27 : i32
    %mul3A_208 = arith.muli %and3A_206, %mul3A_207 : i32
    %xor3A_209 = arith.xori %shift_left3A_202, %mul3A_208 : i32
    %and3A_210 = arith.constant 255 : i32
    %and3A_211 = arith.andi %xor3A_209, %and3A_210 : i32
    %xor3A_212 = arith.xori %xor3A_199, %and3A_211 : i32
    %xor3A_213 = arith.xori %xor3A_212, %xor3A_124 : i32
    %xor3A_214 = arith.xori %get3A_145, %xor3A_172 : i32
    %xor3A_215 = arith.xori %get3A_145, %get3A_139 : i32
    %shift_left3A_216 = arith.constant 1 : i32
    %shift_left3A_217 = arith.shli %xor3A_215, %shift_left3A_216 : i32
    %shift_right_arithmetic3A_218 = arith.constant 7 : i32
    %shift_right_arithmetic3A_219 = arith.shrsi %xor3A_215, %shift_right_arithmetic3A_218 : i32
    %and3A_220 = arith.constant 1 : i32
    %and3A_221 = arith.andi %shift_right_arithmetic3A_219, %and3A_220 : i32
    %mul3A_222 = arith.constant 27 : i32
    %mul3A_223 = arith.muli %and3A_221, %mul3A_222 : i32
    %xor3A_224 = arith.xori %shift_left3A_217, %mul3A_223 : i32
    %and3A_225 = arith.constant 255 : i32
    %and3A_226 = arith.andi %xor3A_224, %and3A_225 : i32
    %xor3A_227 = arith.xori %xor3A_214, %and3A_226 : i32
    %xor3A_228 = arith.xori %xor3A_227, %xor3A_125 : i32
    %xor3A_229 = arith.xori %get3A_147, %get3A_149 : i32
    %xor3A_230 = arith.xori %xor3A_229, %get3A_151 : i32
    %xor3A_231 = arith.xori %xor3A_230, %get3A_153 : i32
    %xor3A_232 = arith.xori %get3A_147, %xor3A_231 : i32
    %xor3A_233 = arith.xori %get3A_147, %get3A_149 : i32
    %shift_left3A_234 = arith.constant 1 : i32
    %shift_left3A_235 = arith.shli %xor3A_233, %shift_left3A_234 : i32
    %shift_right_arithmetic3A_236 = arith.constant 7 : i32
    %shift_right_arithmetic3A_237 = arith.shrsi %xor3A_233, %shift_right_arithmetic3A_236 : i32
    %and3A_238 = arith.constant 1 : i32
    %and3A_239 = arith.andi %shift_right_arithmetic3A_237, %and3A_238 : i32
    %mul3A_240 = arith.constant 27 : i32
    %mul3A_241 = arith.muli %and3A_239, %mul3A_240 : i32
    %xor3A_242 = arith.xori %shift_left3A_235, %mul3A_241 : i32
    %and3A_243 = arith.constant 255 : i32
    %and3A_244 = arith.andi %xor3A_242, %and3A_243 : i32
    %xor3A_245 = arith.xori %xor3A_232, %and3A_244 : i32
    %xor3A_246 = arith.xori %xor3A_245, %xor3A_126 : i32
    %xor3A_247 = arith.xori %get3A_149, %xor3A_231 : i32
    %xor3A_248 = arith.xori %get3A_149, %get3A_151 : i32
    %shift_left3A_249 = arith.constant 1 : i32
    %shift_left3A_250 = arith.shli %xor3A_248, %shift_left3A_249 : i32
    %shift_right_arithmetic3A_251 = arith.constant 7 : i32
    %shift_right_arithmetic3A_252 = arith.shrsi %xor3A_248, %shift_right_arithmetic3A_251 : i32
    %and3A_253 = arith.constant 1 : i32
    %and3A_254 = arith.andi %shift_right_arithmetic3A_252, %and3A_253 : i32
    %mul3A_255 = arith.constant 27 : i32
    %mul3A_256 = arith.muli %and3A_254, %mul3A_255 : i32
    %xor3A_257 = arith.xori %shift_left3A_250, %mul3A_256 : i32
    %and3A_258 = arith.constant 255 : i32
    %and3A_259 = arith.andi %xor3A_257, %and3A_258 : i32
    %xor3A_260 = arith.xori %xor3A_247, %and3A_259 : i32
    %xor3A_261 = arith.xori %xor3A_260, %xor3A_127 : i32
    %xor3A_262 = arith.xori %get3A_151, %xor3A_231 : i32
    %xor3A_263 = arith.xori %get3A_151, %get3A_153 : i32
    %shift_left3A_264 = arith.constant 1 : i32
    %shift_left3A_265 = arith.shli %xor3A_263, %shift_left3A_264 : i32
    %shift_right_arithmetic3A_266 = arith.constant 7 : i32
    %shift_right_arithmetic3A_267 = arith.shrsi %xor3A_263, %shift_right_arithmetic3A_266 : i32
    %and3A_268 = arith.constant 1 : i32
    %and3A_269 = arith.andi %shift_right_arithmetic3A_267, %and3A_268 : i32
    %mul3A_270 = arith.constant 27 : i32
    %mul3A_271 = arith.muli %and3A_269, %mul3A_270 : i32
    %xor3A_272 = arith.xori %shift_left3A_265, %mul3A_271 : i32
    %and3A_273 = arith.constant 255 : i32
    %and3A_274 = arith.andi %xor3A_272, %and3A_273 : i32
    %xor3A_275 = arith.xori %xor3A_262, %and3A_274 : i32
    %xor3A_276 = arith.xori %xor3A_275, %xor3A_128 : i32
    %xor3A_277 = arith.xori %get3A_153, %xor3A_231 : i32
    %xor3A_278 = arith.xori %get3A_153, %get3A_147 : i32
    %shift_left3A_279 = arith.constant 1 : i32
    %shift_left3A_280 = arith.shli %xor3A_278, %shift_left3A_279 : i32
    %shift_right_arithmetic3A_281 = arith.constant 7 : i32
    %shift_right_arithmetic3A_282 = arith.shrsi %xor3A_278, %shift_right_arithmetic3A_281 : i32
    %and3A_283 = arith.constant 1 : i32
    %and3A_284 = arith.andi %shift_right_arithmetic3A_282, %and3A_283 : i32
    %mul3A_285 = arith.constant 27 : i32
    %mul3A_286 = arith.muli %and3A_284, %mul3A_285 : i32
    %xor3A_287 = arith.xori %shift_left3A_280, %mul3A_286 : i32
    %and3A_288 = arith.constant 255 : i32
    %and3A_289 = arith.andi %xor3A_287, %and3A_288 : i32
    %xor3A_290 = arith.xori %xor3A_277, %and3A_289 : i32
    %xor3A_291 = arith.xori %xor3A_290, %xor3A_129 : i32
    %xor3A_292 = arith.xori %get3A_155, %get3A_157 : i32
    %xor3A_293 = arith.xori %xor3A_292, %get3A_159 : i32
    %xor3A_294 = arith.xori %xor3A_293, %get3A_161 : i32
    %xor3A_295 = arith.xori %get3A_155, %xor3A_294 : i32
    %xor3A_296 = arith.xori %get3A_155, %get3A_157 : i32
    %shift_left3A_297 = arith.constant 1 : i32
    %shift_left3A_298 = arith.shli %xor3A_296, %shift_left3A_297 : i32
    %shift_right_arithmetic3A_299 = arith.constant 7 : i32
    %shift_right_arithmetic3A_300 = arith.shrsi %xor3A_296, %shift_right_arithmetic3A_299 : i32
    %and3A_301 = arith.constant 1 : i32
    %and3A_302 = arith.andi %shift_right_arithmetic3A_300, %and3A_301 : i32
    %mul3A_303 = arith.constant 27 : i32
    %mul3A_304 = arith.muli %and3A_302, %mul3A_303 : i32
    %xor3A_305 = arith.xori %shift_left3A_298, %mul3A_304 : i32
    %and3A_306 = arith.constant 255 : i32
    %and3A_307 = arith.andi %xor3A_305, %and3A_306 : i32
    %xor3A_308 = arith.xori %xor3A_295, %and3A_307 : i32
    %xor3A_309 = arith.xori %xor3A_308, %xor3A_130 : i32
    %xor3A_310 = arith.xori %get3A_157, %xor3A_294 : i32
    %xor3A_311 = arith.xori %get3A_157, %get3A_159 : i32
    %shift_left3A_312 = arith.constant 1 : i32
    %shift_left3A_313 = arith.shli %xor3A_311, %shift_left3A_312 : i32
    %shift_right_arithmetic3A_314 = arith.constant 7 : i32
    %shift_right_arithmetic3A_315 = arith.shrsi %xor3A_311, %shift_right_arithmetic3A_314 : i32
    %and3A_316 = arith.constant 1 : i32
    %and3A_317 = arith.andi %shift_right_arithmetic3A_315, %and3A_316 : i32
    %mul3A_318 = arith.constant 27 : i32
    %mul3A_319 = arith.muli %and3A_317, %mul3A_318 : i32
    %xor3A_320 = arith.xori %shift_left3A_313, %mul3A_319 : i32
    %and3A_321 = arith.constant 255 : i32
    %and3A_322 = arith.andi %xor3A_320, %and3A_321 : i32
    %xor3A_323 = arith.xori %xor3A_310, %and3A_322 : i32
    %xor3A_324 = arith.xori %xor3A_323, %xor3A_131 : i32
    %xor3A_325 = arith.xori %get3A_159, %xor3A_294 : i32
    %xor3A_326 = arith.xori %get3A_159, %get3A_161 : i32
    %shift_left3A_327 = arith.constant 1 : i32
    %shift_left3A_328 = arith.shli %xor3A_326, %shift_left3A_327 : i32
    %shift_right_arithmetic3A_329 = arith.constant 7 : i32
    %shift_right_arithmetic3A_330 = arith.shrsi %xor3A_326, %shift_right_arithmetic3A_329 : i32
    %and3A_331 = arith.constant 1 : i32
    %and3A_332 = arith.andi %shift_right_arithmetic3A_330, %and3A_331 : i32
    %mul3A_333 = arith.constant 27 : i32
    %mul3A_334 = arith.muli %and3A_332, %mul3A_333 : i32
    %xor3A_335 = arith.xori %shift_left3A_328, %mul3A_334 : i32
    %and3A_336 = arith.constant 255 : i32
    %and3A_337 = arith.andi %xor3A_335, %and3A_336 : i32
    %xor3A_338 = arith.xori %xor3A_325, %and3A_337 : i32
    %xor3A_339 = arith.xori %xor3A_338, %xor3A_132 : i32
    %xor3A_340 = arith.xori %get3A_161, %xor3A_294 : i32
    %xor3A_341 = arith.xori %get3A_161, %get3A_155 : i32
    %shift_left3A_342 = arith.constant 1 : i32
    %shift_left3A_343 = arith.shli %xor3A_341, %shift_left3A_342 : i32
    %shift_right_arithmetic3A_344 = arith.constant 7 : i32
    %shift_right_arithmetic3A_345 = arith.shrsi %xor3A_341, %shift_right_arithmetic3A_344 : i32
    %and3A_346 = arith.constant 1 : i32
    %and3A_347 = arith.andi %shift_right_arithmetic3A_345, %and3A_346 : i32
    %mul3A_348 = arith.constant 27 : i32
    %mul3A_349 = arith.muli %and3A_347, %mul3A_348 : i32
    %xor3A_350 = arith.xori %shift_left3A_343, %mul3A_349 : i32
    %and3A_351 = arith.constant 255 : i32
    %and3A_352 = arith.andi %xor3A_350, %and3A_351 : i32
    %xor3A_353 = arith.xori %xor3A_340, %and3A_352 : i32
    %xor3A_354 = arith.xori %xor3A_353, %xor3A_133 : i32
    %xor3A_355 = arith.xori %get3A_163, %get3A_165 : i32
    %xor3A_356 = arith.xori %xor3A_355, %get3A_167 : i32
    %xor3A_357 = arith.xori %xor3A_356, %get3A_169 : i32
    %xor3A_358 = arith.xori %get3A_163, %xor3A_357 : i32
    %xor3A_359 = arith.xori %get3A_163, %get3A_165 : i32
    %shift_left3A_360 = arith.constant 1 : i32
    %shift_left3A_361 = arith.shli %xor3A_359, %shift_left3A_360 : i32
    %shift_right_arithmetic3A_362 = arith.constant 7 : i32
    %shift_right_arithmetic3A_363 = arith.shrsi %xor3A_359, %shift_right_arithmetic3A_362 : i32
    %and3A_364 = arith.constant 1 : i32
    %and3A_365 = arith.andi %shift_right_arithmetic3A_363, %and3A_364 : i32
    %mul3A_366 = arith.constant 27 : i32
    %mul3A_367 = arith.muli %and3A_365, %mul3A_366 : i32
    %xor3A_368 = arith.xori %shift_left3A_361, %mul3A_367 : i32
    %and3A_369 = arith.constant 255 : i32
    %and3A_370 = arith.andi %xor3A_368, %and3A_369 : i32
    %xor3A_371 = arith.xori %xor3A_358, %and3A_370 : i32
    %xor3A_372 = arith.xori %xor3A_371, %xor3A_134 : i32
    %xor3A_373 = arith.xori %get3A_165, %xor3A_357 : i32
    %xor3A_374 = arith.xori %get3A_165, %get3A_167 : i32
    %shift_left3A_375 = arith.constant 1 : i32
    %shift_left3A_376 = arith.shli %xor3A_374, %shift_left3A_375 : i32
    %shift_right_arithmetic3A_377 = arith.constant 7 : i32
    %shift_right_arithmetic3A_378 = arith.shrsi %xor3A_374, %shift_right_arithmetic3A_377 : i32
    %and3A_379 = arith.constant 1 : i32
    %and3A_380 = arith.andi %shift_right_arithmetic3A_378, %and3A_379 : i32
    %mul3A_381 = arith.constant 27 : i32
    %mul3A_382 = arith.muli %and3A_380, %mul3A_381 : i32
    %xor3A_383 = arith.xori %shift_left3A_376, %mul3A_382 : i32
    %and3A_384 = arith.constant 255 : i32
    %and3A_385 = arith.andi %xor3A_383, %and3A_384 : i32
    %xor3A_386 = arith.xori %xor3A_373, %and3A_385 : i32
    %xor3A_387 = arith.xori %xor3A_386, %xor3A_135 : i32
    %xor3A_388 = arith.xori %get3A_167, %xor3A_357 : i32
    %xor3A_389 = arith.xori %get3A_167, %get3A_169 : i32
    %shift_left3A_390 = arith.constant 1 : i32
    %shift_left3A_391 = arith.shli %xor3A_389, %shift_left3A_390 : i32
    %shift_right_arithmetic3A_392 = arith.constant 7 : i32
    %shift_right_arithmetic3A_393 = arith.shrsi %xor3A_389, %shift_right_arithmetic3A_392 : i32
    %and3A_394 = arith.constant 1 : i32
    %and3A_395 = arith.andi %shift_right_arithmetic3A_393, %and3A_394 : i32
    %mul3A_396 = arith.constant 27 : i32
    %mul3A_397 = arith.muli %and3A_395, %mul3A_396 : i32
    %xor3A_398 = arith.xori %shift_left3A_391, %mul3A_397 : i32
    %and3A_399 = arith.constant 255 : i32
    %and3A_400 = arith.andi %xor3A_398, %and3A_399 : i32
    %xor3A_401 = arith.xori %xor3A_388, %and3A_400 : i32
    %xor3A_402 = arith.xori %xor3A_401, %xor3A_136 : i32
    %xor3A_403 = arith.xori %get3A_169, %xor3A_357 : i32
    %xor3A_404 = arith.xori %get3A_169, %get3A_163 : i32
    %shift_left3A_405 = arith.constant 1 : i32
    %shift_left3A_406 = arith.shli %xor3A_404, %shift_left3A_405 : i32
    %shift_right_arithmetic3A_407 = arith.constant 7 : i32
    %shift_right_arithmetic3A_408 = arith.shrsi %xor3A_404, %shift_right_arithmetic3A_407 : i32
    %and3A_409 = arith.constant 1 : i32
    %and3A_410 = arith.andi %shift_right_arithmetic3A_408, %and3A_409 : i32
    %mul3A_411 = arith.constant 27 : i32
    %mul3A_412 = arith.muli %and3A_410, %mul3A_411 : i32
    %xor3A_413 = arith.xori %shift_left3A_406, %mul3A_412 : i32
    %and3A_414 = arith.constant 255 : i32
    %and3A_415 = arith.andi %xor3A_413, %and3A_414 : i32
    %xor3A_416 = arith.xori %xor3A_403, %and3A_415 : i32
    %xor3A_417 = arith.xori %xor3A_416, %xor3A_137 : i32
    %get3A_418 = arith.constant 1 : i32
    %get3A_419 = arith.index_cast %get3A_418 : i32 to index
    %get3A_420 = memref.load %arg7[%get3A_419] : memref<10xi32, #tpu.memory_space<smem>>
    %get3A_421 = arith.index_cast %xor3A_135 : i32 to index
    %get3A_422 = memref.load %arg6[%get3A_421] : memref<256xi32, #tpu.memory_space<smem>>
    %xor3A_423 = arith.xori %get3A_422, %get3A_420 : i32
    %get3A_424 = arith.index_cast %xor3A_136 : i32 to index
    %get3A_425 = memref.load %arg6[%get3A_424] : memref<256xi32, #tpu.memory_space<smem>>
    %get3A_426 = arith.index_cast %xor3A_137 : i32 to index
    %get3A_427 = memref.load %arg6[%get3A_426] : memref<256xi32, #tpu.memory_space<smem>>
    %get3A_428 = arith.index_cast %xor3A_134 : i32 to index
    %get3A_429 = memref.load %arg6[%get3A_428] : memref<256xi32, #tpu.memory_space<smem>>
    %xor3A_430 = arith.xori %xor3A_122, %xor3A_423 : i32
    %xor3A_431 = arith.xori %xor3A_123, %get3A_425 : i32
    %xor3A_432 = arith.xori %xor3A_124, %get3A_427 : i32
    %xor3A_433 = arith.xori %xor3A_125, %get3A_429 : i32
    %xor3A_434 = arith.xori %xor3A_430, %xor3A_126 : i32
    %xor3A_435 = arith.xori %xor3A_431, %xor3A_127 : i32
    %xor3A_436 = arith.xori %xor3A_432, %xor3A_128 : i32
    %xor3A_437 = arith.xori %xor3A_433, %xor3A_129 : i32
    %xor3A_438 = arith.xori %xor3A_434, %xor3A_130 : i32
    %xor3A_439 = arith.xori %xor3A_435, %xor3A_131 : i32
    %xor3A_440 = arith.xori %xor3A_436, %xor3A_132 : i32
    %xor3A_441 = arith.xori %xor3A_437, %xor3A_133 : i32
    %xor3A_442 = arith.xori %xor3A_438, %xor3A_134 : i32
    %xor3A_443 = arith.xori %xor3A_439, %xor3A_135 : i32
    %xor3A_444 = arith.xori %xor3A_440, %xor3A_136 : i32
    %xor3A_445 = arith.xori %xor3A_441, %xor3A_137 : i32
    %get3A_446 = arith.index_cast %xor3A_183 : i32 to index
    %get3A_447 = memref.load %arg6[%get3A_446] : memref<256xi32, #tpu.memory_space<smem>>
    %get3A_448 = arith.index_cast %xor3A_261 : i32 to index
    %get3A_449 = memref.load %arg6[%get3A_448] : memref<256xi32, #tpu.memory_space<smem>>
    %get3A_450 = arith.index_cast %xor3A_339 : i32 to index
    %get3A_451 = memref.load %arg6[%get3A_450] : memref<256xi32, #tpu.memory_space<smem>>
    %get3A_452 = arith.index_cast %xor3A_417 : i32 to index
    %get3A_453 = memref.load %arg6[%get3A_452] : memref<256xi32, #tpu.memory_space<smem>>
    %get3A_454 = arith.index_cast %xor3A_246 : i32 to index
    %get3A_455 = memref.load %arg6[%get3A_454] : memref<256xi32, #tpu.memory_space<smem>>
    %get3A_456 = arith.index_cast %xor3A_324 : i32 to index
    %get3A_457 = memref.load %arg6[%get3A_456] : memref<256xi32, #tpu.memory_space<smem>>
    %get3A_458 = arith.index_cast %xor3A_402 : i32 to index
    %get3A_459 = memref.load %arg6[%get3A_458] : memref<256xi32, #tpu.memory_space<smem>>
    %get3A_460 = arith.index_cast %xor3A_228 : i32 to index
    %get3A_461 = memref.load %arg6[%get3A_460] : memref<256xi32, #tpu.memory_space<smem>>
    %get3A_462 = arith.index_cast %xor3A_309 : i32 to index
    %get3A_463 = memref.load %arg6[%get3A_462] : memref<256xi32, #tpu.memory_space<smem>>
    %get3A_464 = arith.index_cast %xor3A_387 : i32 to index
    %get3A_465 = memref.load %arg6[%get3A_464] : memref<256xi32, #tpu.memory_space<smem>>
    %get3A_466 = arith.index_cast %xor3A_213 : i32 to index
    %get3A_467 = memref.load %arg6[%get3A_466] : memref<256xi32, #tpu.memory_space<smem>>
    %get3A_468 = arith.index_cast %xor3A_291 : i32 to index
    %get3A_469 = memref.load %arg6[%get3A_468] : memref<256xi32, #tpu.memory_space<smem>>
    %get3A_470 = arith.index_cast %xor3A_372 : i32 to index
    %get3A_471 = memref.load %arg6[%get3A_470] : memref<256xi32, #tpu.memory_space<smem>>
    %get3A_472 = arith.index_cast %xor3A_198 : i32 to index
    %get3A_473 = memref.load %arg6[%get3A_472] : memref<256xi32, #tpu.memory_space<smem>>
    %get3A_474 = arith.index_cast %xor3A_276 : i32 to index
    %get3A_475 = memref.load %arg6[%get3A_474] : memref<256xi32, #tpu.memory_space<smem>>
    %get3A_476 = arith.index_cast %xor3A_354 : i32 to index
    %get3A_477 = memref.load %arg6[%get3A_476] : memref<256xi32, #tpu.memory_space<smem>>
    %xor3A_478 = arith.xori %get3A_447, %get3A_449 : i32
    %xor3A_479 = arith.xori %xor3A_478, %get3A_451 : i32
    %xor3A_480 = arith.xori %xor3A_479, %get3A_453 : i32
    %xor3A_481 = arith.xori %get3A_447, %xor3A_480 : i32
    %xor3A_482 = arith.xori %get3A_447, %get3A_449 : i32
    %shift_left3A_483 = arith.constant 1 : i32
    %shift_left3A_484 = arith.shli %xor3A_482, %shift_left3A_483 : i32
    %shift_right_arithmetic3A_485 = arith.constant 7 : i32
    %shift_right_arithmetic3A_486 = arith.shrsi %xor3A_482, %shift_right_arithmetic3A_485 : i32
    %and3A_487 = arith.constant 1 : i32
    %and3A_488 = arith.andi %shift_right_arithmetic3A_486, %and3A_487 : i32
    %mul3A_489 = arith.constant 27 : i32
    %mul3A_490 = arith.muli %and3A_488, %mul3A_489 : i32
    %xor3A_491 = arith.xori %shift_left3A_484, %mul3A_490 : i32
    %and3A_492 = arith.constant 255 : i32
    %and3A_493 = arith.andi %xor3A_491, %and3A_492 : i32
    %xor3A_494 = arith.xori %xor3A_481, %and3A_493 : i32
    %xor3A_495 = arith.xori %xor3A_494, %xor3A_430 : i32
    %xor3A_496 = arith.xori %get3A_449, %xor3A_480 : i32
    %xor3A_497 = arith.xori %get3A_449, %get3A_451 : i32
    %shift_left3A_498 = arith.constant 1 : i32
    %shift_left3A_499 = arith.shli %xor3A_497, %shift_left3A_498 : i32
    %shift_right_arithmetic3A_500 = arith.constant 7 : i32
    %shift_right_arithmetic3A_501 = arith.shrsi %xor3A_497, %shift_right_arithmetic3A_500 : i32
    %and3A_502 = arith.constant 1 : i32
    %and3A_503 = arith.andi %shift_right_arithmetic3A_501, %and3A_502 : i32
    %mul3A_504 = arith.constant 27 : i32
    %mul3A_505 = arith.muli %and3A_503, %mul3A_504 : i32
    %xor3A_506 = arith.xori %shift_left3A_499, %mul3A_505 : i32
    %and3A_507 = arith.constant 255 : i32
    %and3A_508 = arith.andi %xor3A_506, %and3A_507 : i32
    %xor3A_509 = arith.xori %xor3A_496, %and3A_508 : i32
    %xor3A_510 = arith.xori %xor3A_509, %xor3A_431 : i32
    %xor3A_511 = arith.xori %get3A_451, %xor3A_480 : i32
    %xor3A_512 = arith.xori %get3A_451, %get3A_453 : i32
    %shift_left3A_513 = arith.constant 1 : i32
    %shift_left3A_514 = arith.shli %xor3A_512, %shift_left3A_513 : i32
    %shift_right_arithmetic3A_515 = arith.constant 7 : i32
    %shift_right_arithmetic3A_516 = arith.shrsi %xor3A_512, %shift_right_arithmetic3A_515 : i32
    %and3A_517 = arith.constant 1 : i32
    %and3A_518 = arith.andi %shift_right_arithmetic3A_516, %and3A_517 : i32
    %mul3A_519 = arith.constant 27 : i32
    %mul3A_520 = arith.muli %and3A_518, %mul3A_519 : i32
    %xor3A_521 = arith.xori %shift_left3A_514, %mul3A_520 : i32
    %and3A_522 = arith.constant 255 : i32
    %and3A_523 = arith.andi %xor3A_521, %and3A_522 : i32
    %xor3A_524 = arith.xori %xor3A_511, %and3A_523 : i32
    %xor3A_525 = arith.xori %xor3A_524, %xor3A_432 : i32
    %xor3A_526 = arith.xori %get3A_453, %xor3A_480 : i32
    %xor3A_527 = arith.xori %get3A_453, %get3A_447 : i32
    %shift_left3A_528 = arith.constant 1 : i32
    %shift_left3A_529 = arith.shli %xor3A_527, %shift_left3A_528 : i32
    %shift_right_arithmetic3A_530 = arith.constant 7 : i32
    %shift_right_arithmetic3A_531 = arith.shrsi %xor3A_527, %shift_right_arithmetic3A_530 : i32
    %and3A_532 = arith.constant 1 : i32
    %and3A_533 = arith.andi %shift_right_arithmetic3A_531, %and3A_532 : i32
    %mul3A_534 = arith.constant 27 : i32
    %mul3A_535 = arith.muli %and3A_533, %mul3A_534 : i32
    %xor3A_536 = arith.xori %shift_left3A_529, %mul3A_535 : i32
    %and3A_537 = arith.constant 255 : i32
    %and3A_538 = arith.andi %xor3A_536, %and3A_537 : i32
    %xor3A_539 = arith.xori %xor3A_526, %and3A_538 : i32
    %xor3A_540 = arith.xori %xor3A_539, %xor3A_433 : i32
    %xor3A_541 = arith.xori %get3A_455, %get3A_457 : i32
    %xor3A_542 = arith.xori %xor3A_541, %get3A_459 : i32
    %xor3A_543 = arith.xori %xor3A_542, %get3A_461 : i32
    %xor3A_544 = arith.xori %get3A_455, %xor3A_543 : i32
    %xor3A_545 = arith.xori %get3A_455, %get3A_457 : i32
    %shift_left3A_546 = arith.constant 1 : i32
    %shift_left3A_547 = arith.shli %xor3A_545, %shift_left3A_546 : i32
    %shift_right_arithmetic3A_548 = arith.constant 7 : i32
    %shift_right_arithmetic3A_549 = arith.shrsi %xor3A_545, %shift_right_arithmetic3A_548 : i32
    %and3A_550 = arith.constant 1 : i32
    %and3A_551 = arith.andi %shift_right_arithmetic3A_549, %and3A_550 : i32
    %mul3A_552 = arith.constant 27 : i32
    %mul3A_553 = arith.muli %and3A_551, %mul3A_552 : i32
    %xor3A_554 = arith.xori %shift_left3A_547, %mul3A_553 : i32
    %and3A_555 = arith.constant 255 : i32
    %and3A_556 = arith.andi %xor3A_554, %and3A_555 : i32
    %xor3A_557 = arith.xori %xor3A_544, %and3A_556 : i32
    %xor3A_558 = arith.xori %xor3A_557, %xor3A_434 : i32
    %xor3A_559 = arith.xori %get3A_457, %xor3A_543 : i32
    %xor3A_560 = arith.xori %get3A_457, %get3A_459 : i32
    %shift_left3A_561 = arith.constant 1 : i32
    %shift_left3A_562 = arith.shli %xor3A_560, %shift_left3A_561 : i32
    %shift_right_arithmetic3A_563 = arith.constant 7 : i32
    %shift_right_arithmetic3A_564 = arith.shrsi %xor3A_560, %shift_right_arithmetic3A_563 : i32
    %and3A_565 = arith.constant 1 : i32
    %and3A_566 = arith.andi %shift_right_arithmetic3A_564, %and3A_565 : i32
    %mul3A_567 = arith.constant 27 : i32
    %mul3A_568 = arith.muli %and3A_566, %mul3A_567 : i32
    %xor3A_569 = arith.xori %shift_left3A_562, %mul3A_568 : i32
    %and3A_570 = arith.constant 255 : i32
    %and3A_571 = arith.andi %xor3A_569, %and3A_570 : i32
    %xor3A_572 = arith.xori %xor3A_559, %and3A_571 : i32
    %xor3A_573 = arith.xori %xor3A_572, %xor3A_435 : i32
    %xor3A_574 = arith.xori %get3A_459, %xor3A_543 : i32
    %xor3A_575 = arith.xori %get3A_459, %get3A_461 : i32
    %shift_left3A_576 = arith.constant 1 : i32
    %shift_left3A_577 = arith.shli %xor3A_575, %shift_left3A_576 : i32
    %shift_right_arithmetic3A_578 = arith.constant 7 : i32
    %shift_right_arithmetic3A_579 = arith.shrsi %xor3A_575, %shift_right_arithmetic3A_578 : i32
    %and3A_580 = arith.constant 1 : i32
    %and3A_581 = arith.andi %shift_right_arithmetic3A_579, %and3A_580 : i32
    %mul3A_582 = arith.constant 27 : i32
    %mul3A_583 = arith.muli %and3A_581, %mul3A_582 : i32
    %xor3A_584 = arith.xori %shift_left3A_577, %mul3A_583 : i32
    %and3A_585 = arith.constant 255 : i32
    %and3A_586 = arith.andi %xor3A_584, %and3A_585 : i32
    %xor3A_587 = arith.xori %xor3A_574, %and3A_586 : i32
    %xor3A_588 = arith.xori %xor3A_587, %xor3A_436 : i32
    %xor3A_589 = arith.xori %get3A_461, %xor3A_543 : i32
    %xor3A_590 = arith.xori %get3A_461, %get3A_455 : i32
    %shift_left3A_591 = arith.constant 1 : i32
    %shift_left3A_592 = arith.shli %xor3A_590, %shift_left3A_591 : i32
    %shift_right_arithmetic3A_593 = arith.constant 7 : i32
    %shift_right_arithmetic3A_594 = arith.shrsi %xor3A_590, %shift_right_arithmetic3A_593 : i32
    %and3A_595 = arith.constant 1 : i32
    %and3A_596 = arith.andi %shift_right_arithmetic3A_594, %and3A_595 : i32
    %mul3A_597 = arith.constant 27 : i32
    %mul3A_598 = arith.muli %and3A_596, %mul3A_597 : i32
    %xor3A_599 = arith.xori %shift_left3A_592, %mul3A_598 : i32
    %and3A_600 = arith.constant 255 : i32
    %and3A_601 = arith.andi %xor3A_599, %and3A_600 : i32
    %xor3A_602 = arith.xori %xor3A_589, %and3A_601 : i32
    %xor3A_603 = arith.xori %xor3A_602, %xor3A_437 : i32
    %xor3A_604 = arith.xori %get3A_463, %get3A_465 : i32
    %xor3A_605 = arith.xori %xor3A_604, %get3A_467 : i32
    %xor3A_606 = arith.xori %xor3A_605, %get3A_469 : i32
    %xor3A_607 = arith.xori %get3A_463, %xor3A_606 : i32
    %xor3A_608 = arith.xori %get3A_463, %get3A_465 : i32
    %shift_left3A_609 = arith.constant 1 : i32
    %shift_left3A_610 = arith.shli %xor3A_608, %shift_left3A_609 : i32
    %shift_right_arithmetic3A_611 = arith.constant 7 : i32
    %shift_right_arithmetic3A_612 = arith.shrsi %xor3A_608, %shift_right_arithmetic3A_611 : i32
    %and3A_613 = arith.constant 1 : i32
    %and3A_614 = arith.andi %shift_right_arithmetic3A_612, %and3A_613 : i32
    %mul3A_615 = arith.constant 27 : i32
    %mul3A_616 = arith.muli %and3A_614, %mul3A_615 : i32
    %xor3A_617 = arith.xori %shift_left3A_610, %mul3A_616 : i32
    %and3A_618 = arith.constant 255 : i32
    %and3A_619 = arith.andi %xor3A_617, %and3A_618 : i32
    %xor3A_620 = arith.xori %xor3A_607, %and3A_619 : i32
    %xor3A_621 = arith.xori %xor3A_620, %xor3A_438 : i32
    %xor3A_622 = arith.xori %get3A_465, %xor3A_606 : i32
    %xor3A_623 = arith.xori %get3A_465, %get3A_467 : i32
    %shift_left3A_624 = arith.constant 1 : i32
    %shift_left3A_625 = arith.shli %xor3A_623, %shift_left3A_624 : i32
    %shift_right_arithmetic3A_626 = arith.constant 7 : i32
    %shift_right_arithmetic3A_627 = arith.shrsi %xor3A_623, %shift_right_arithmetic3A_626 : i32
    %and3A_628 = arith.constant 1 : i32
    %and3A_629 = arith.andi %shift_right_arithmetic3A_627, %and3A_628 : i32
    %mul3A_630 = arith.constant 27 : i32
    %mul3A_631 = arith.muli %and3A_629, %mul3A_630 : i32
    %xor3A_632 = arith.xori %shift_left3A_625, %mul3A_631 : i32
    %and3A_633 = arith.constant 255 : i32
    %and3A_634 = arith.andi %xor3A_632, %and3A_633 : i32
    %xor3A_635 = arith.xori %xor3A_622, %and3A_634 : i32
    %xor3A_636 = arith.xori %xor3A_635, %xor3A_439 : i32
    %xor3A_637 = arith.xori %get3A_467, %xor3A_606 : i32
    %xor3A_638 = arith.xori %get3A_467, %get3A_469 : i32
    %shift_left3A_639 = arith.constant 1 : i32
    %shift_left3A_640 = arith.shli %xor3A_638, %shift_left3A_639 : i32
    %shift_right_arithmetic3A_641 = arith.constant 7 : i32
    %shift_right_arithmetic3A_642 = arith.shrsi %xor3A_638, %shift_right_arithmetic3A_641 : i32
    %and3A_643 = arith.constant 1 : i32
    %and3A_644 = arith.andi %shift_right_arithmetic3A_642, %and3A_643 : i32
    %mul3A_645 = arith.constant 27 : i32
    %mul3A_646 = arith.muli %and3A_644, %mul3A_645 : i32
    %xor3A_647 = arith.xori %shift_left3A_640, %mul3A_646 : i32
    %and3A_648 = arith.constant 255 : i32
    %and3A_649 = arith.andi %xor3A_647, %and3A_648 : i32
    %xor3A_650 = arith.xori %xor3A_637, %and3A_649 : i32
    %xor3A_651 = arith.xori %xor3A_650, %xor3A_440 : i32
    %xor3A_652 = arith.xori %get3A_469, %xor3A_606 : i32
    %xor3A_653 = arith.xori %get3A_469, %get3A_463 : i32
    %shift_left3A_654 = arith.constant 1 : i32
    %shift_left3A_655 = arith.shli %xor3A_653, %shift_left3A_654 : i32
    %shift_right_arithmetic3A_656 = arith.constant 7 : i32
    %shift_right_arithmetic3A_657 = arith.shrsi %xor3A_653, %shift_right_arithmetic3A_656 : i32
    %and3A_658 = arith.constant 1 : i32
    %and3A_659 = arith.andi %shift_right_arithmetic3A_657, %and3A_658 : i32
    %mul3A_660 = arith.constant 27 : i32
    %mul3A_661 = arith.muli %and3A_659, %mul3A_660 : i32
    %xor3A_662 = arith.xori %shift_left3A_655, %mul3A_661 : i32
    %and3A_663 = arith.constant 255 : i32
    %and3A_664 = arith.andi %xor3A_662, %and3A_663 : i32
    %xor3A_665 = arith.xori %xor3A_652, %and3A_664 : i32
    %xor3A_666 = arith.xori %xor3A_665, %xor3A_441 : i32
    %xor3A_667 = arith.xori %get3A_471, %get3A_473 : i32
    %xor3A_668 = arith.xori %xor3A_667, %get3A_475 : i32
    %xor3A_669 = arith.xori %xor3A_668, %get3A_477 : i32
    %xor3A_670 = arith.xori %get3A_471, %xor3A_669 : i32
    %xor3A_671 = arith.xori %get3A_471, %get3A_473 : i32
    %shift_left3A_672 = arith.constant 1 : i32
    %shift_left3A_673 = arith.shli %xor3A_671, %shift_left3A_672 : i32
    %shift_right_arithmetic3A_674 = arith.constant 7 : i32
    %shift_right_arithmetic3A_675 = arith.shrsi %xor3A_671, %shift_right_arithmetic3A_674 : i32
    %and3A_676 = arith.constant 1 : i32
    %and3A_677 = arith.andi %shift_right_arithmetic3A_675, %and3A_676 : i32
    %mul3A_678 = arith.constant 27 : i32
    %mul3A_679 = arith.muli %and3A_677, %mul3A_678 : i32
    %xor3A_680 = arith.xori %shift_left3A_673, %mul3A_679 : i32
    %and3A_681 = arith.constant 255 : i32
    %and3A_682 = arith.andi %xor3A_680, %and3A_681 : i32
    %xor3A_683 = arith.xori %xor3A_670, %and3A_682 : i32
    %xor3A_684 = arith.xori %xor3A_683, %xor3A_442 : i32
    %xor3A_685 = arith.xori %get3A_473, %xor3A_669 : i32
    %xor3A_686 = arith.xori %get3A_473, %get3A_475 : i32
    %shift_left3A_687 = arith.constant 1 : i32
    %shift_left3A_688 = arith.shli %xor3A_686, %shift_left3A_687 : i32
    %shift_right_arithmetic3A_689 = arith.constant 7 : i32
    %shift_right_arithmetic3A_690 = arith.shrsi %xor3A_686, %shift_right_arithmetic3A_689 : i32
    %and3A_691 = arith.constant 1 : i32
    %and3A_692 = arith.andi %shift_right_arithmetic3A_690, %and3A_691 : i32
    %mul3A_693 = arith.constant 27 : i32
    %mul3A_694 = arith.muli %and3A_692, %mul3A_693 : i32
    %xor3A_695 = arith.xori %shift_left3A_688, %mul3A_694 : i32
    %and3A_696 = arith.constant 255 : i32
    %and3A_697 = arith.andi %xor3A_695, %and3A_696 : i32
    %xor3A_698 = arith.xori %xor3A_685, %and3A_697 : i32
    %xor3A_699 = arith.xori %xor3A_698, %xor3A_443 : i32
    %xor3A_700 = arith.xori %get3A_475, %xor3A_669 : i32
    %xor3A_701 = arith.xori %get3A_475, %get3A_477 : i32
    %shift_left3A_702 = arith.constant 1 : i32
    %shift_left3A_703 = arith.shli %xor3A_701, %shift_left3A_702 : i32
    %shift_right_arithmetic3A_704 = arith.constant 7 : i32
    %shift_right_arithmetic3A_705 = arith.shrsi %xor3A_701, %shift_right_arithmetic3A_704 : i32
    %and3A_706 = arith.constant 1 : i32
    %and3A_707 = arith.andi %shift_right_arithmetic3A_705, %and3A_706 : i32
    %mul3A_708 = arith.constant 27 : i32
    %mul3A_709 = arith.muli %and3A_707, %mul3A_708 : i32
    %xor3A_710 = arith.xori %shift_left3A_703, %mul3A_709 : i32
    %and3A_711 = arith.constant 255 : i32
    %and3A_712 = arith.andi %xor3A_710, %and3A_711 : i32
    %xor3A_713 = arith.xori %xor3A_700, %and3A_712 : i32
    %xor3A_714 = arith.xori %xor3A_713, %xor3A_444 : i32
    %xor3A_715 = arith.xori %get3A_477, %xor3A_669 : i32
    %xor3A_716 = arith.xori %get3A_477, %get3A_471 : i32
    %shift_left3A_717 = arith.constant 1 : i32
    %shift_left3A_718 = arith.shli %xor3A_716, %shift_left3A_717 : i32
    %shift_right_arithmetic3A_719 = arith.constant 7 : i32
    %shift_right_arithmetic3A_720 = arith.shrsi %xor3A_716, %shift_right_arithmetic3A_719 : i32
    %and3A_721 = arith.constant 1 : i32
    %and3A_722 = arith.andi %shift_right_arithmetic3A_720, %and3A_721 : i32
    %mul3A_723 = arith.constant 27 : i32
    %mul3A_724 = arith.muli %and3A_722, %mul3A_723 : i32
    %xor3A_725 = arith.xori %shift_left3A_718, %mul3A_724 : i32
    %and3A_726 = arith.constant 255 : i32
    %and3A_727 = arith.andi %xor3A_725, %and3A_726 : i32
    %xor3A_728 = arith.xori %xor3A_715, %and3A_727 : i32
    %xor3A_729 = arith.xori %xor3A_728, %xor3A_445 : i32
    %get3A_730 = arith.constant 2 : i32
    %get3A_731 = arith.index_cast %get3A_730 : i32 to index
    %get3A_732 = memref.load %arg7[%get3A_731] : memref<10xi32, #tpu.memory_space<smem>>
    %get3A_733 = arith.index_cast %xor3A_443 : i32 to index
    %get3A_734 = memref.load %arg6[%get3A_733] : memref<256xi32, #tpu.memory_space<smem>>
    %xor3A_735 = arith.xori %get3A_734, %get3A_732 : i32
    %get3A_736 = arith.index_cast %xor3A_444 : i32 to index
    %get3A_737 = memref.load %arg6[%get3A_736] : memref<256xi32, #tpu.memory_space<smem>>
    %get3A_738 = arith.index_cast %xor3A_445 : i32 to index
    %get3A_739 = memref.load %arg6[%get3A_738] : memref<256xi32, #tpu.memory_space<smem>>
    %get3A_740 = arith.index_cast %xor3A_442 : i32 to index
    %get3A_741 = memref.load %arg6[%get3A_740] : memref<256xi32, #tpu.memory_space<smem>>
    %xor3A_742 = arith.xori %xor3A_430, %xor3A_735 : i32
    %xor3A_743 = arith.xori %xor3A_431, %get3A_737 : i32
    %xor3A_744 = arith.xori %xor3A_432, %get3A_739 : i32
    %xor3A_745 = arith.xori %xor3A_433, %get3A_741 : i32
    %xor3A_746 = arith.xori %xor3A_742, %xor3A_434 : i32
    %xor3A_747 = arith.xori %xor3A_743, %xor3A_435 : i32
    %xor3A_748 = arith.xori %xor3A_744, %xor3A_436 : i32
    %xor3A_749 = arith.xori %xor3A_745, %xor3A_437 : i32
    %xor3A_750 = arith.xori %xor3A_746, %xor3A_438 : i32
    %xor3A_751 = arith.xori %xor3A_747, %xor3A_439 : i32
    %xor3A_752 = arith.xori %xor3A_748, %xor3A_440 : i32
    %xor3A_753 = arith.xori %xor3A_749, %xor3A_441 : i32
    %xor3A_754 = arith.xori %xor3A_750, %xor3A_442 : i32
    %xor3A_755 = arith.xori %xor3A_751, %xor3A_443 : i32
    %xor3A_756 = arith.xori %xor3A_752, %xor3A_444 : i32
    %xor3A_757 = arith.xori %xor3A_753, %xor3A_445 : i32
    %get3A_758 = arith.index_cast %xor3A_495 : i32 to index
    %get3A_759 = memref.load %arg6[%get3A_758] : memref<256xi32, #tpu.memory_space<smem>>
    %get3A_760 = arith.index_cast %xor3A_573 : i32 to index
    %get3A_761 = memref.load %arg6[%get3A_760] : memref<256xi32, #tpu.memory_space<smem>>
    %get3A_762 = arith.index_cast %xor3A_651 : i32 to index
    %get3A_763 = memref.load %arg6[%get3A_762] : memref<256xi32, #tpu.memory_space<smem>>
    %get3A_764 = arith.index_cast %xor3A_729 : i32 to index
    %get3A_765 = memref.load %arg6[%get3A_764] : memref<256xi32, #tpu.memory_space<smem>>
    %get3A_766 = arith.index_cast %xor3A_558 : i32 to index
    %get3A_767 = memref.load %arg6[%get3A_766] : memref<256xi32, #tpu.memory_space<smem>>
    %get3A_768 = arith.index_cast %xor3A_636 : i32 to index
    %get3A_769 = memref.load %arg6[%get3A_768] : memref<256xi32, #tpu.memory_space<smem>>
    %get3A_770 = arith.index_cast %xor3A_714 : i32 to index
    %get3A_771 = memref.load %arg6[%get3A_770] : memref<256xi32, #tpu.memory_space<smem>>
    %get3A_772 = arith.index_cast %xor3A_540 : i32 to index
    %get3A_773 = memref.load %arg6[%get3A_772] : memref<256xi32, #tpu.memory_space<smem>>
    %get3A_774 = arith.index_cast %xor3A_621 : i32 to index
    %get3A_775 = memref.load %arg6[%get3A_774] : memref<256xi32, #tpu.memory_space<smem>>
    %get3A_776 = arith.index_cast %xor3A_699 : i32 to index
    %get3A_777 = memref.load %arg6[%get3A_776] : memref<256xi32, #tpu.memory_space<smem>>
    %get3A_778 = arith.index_cast %xor3A_525 : i32 to index
    %get3A_779 = memref.load %arg6[%get3A_778] : memref<256xi32, #tpu.memory_space<smem>>
    %get3A_780 = arith.index_cast %xor3A_603 : i32 to index
    %get3A_781 = memref.load %arg6[%get3A_780] : memref<256xi32, #tpu.memory_space<smem>>
    %get3A_782 = arith.index_cast %xor3A_684 : i32 to index
    %get3A_783 = memref.load %arg6[%get3A_782] : memref<256xi32, #tpu.memory_space<smem>>
    %get3A_784 = arith.index_cast %xor3A_510 : i32 to index
    %get3A_785 = memref.load %arg6[%get3A_784] : memref<256xi32, #tpu.memory_space<smem>>
    %get3A_786 = arith.index_cast %xor3A_588 : i32 to index
    %get3A_787 = memref.load %arg6[%get3A_786] : memref<256xi32, #tpu.memory_space<smem>>
    %get3A_788 = arith.index_cast %xor3A_666 : i32 to index
    %get3A_789 = memref.load %arg6[%get3A_788] : memref<256xi32, #tpu.memory_space<smem>>
    %xor3A_790 = arith.xori %get3A_759, %get3A_761 : i32
    %xor3A_791 = arith.xori %xor3A_790, %get3A_763 : i32
    %xor3A_792 = arith.xori %xor3A_791, %get3A_765 : i32
    %xor3A_793 = arith.xori %get3A_759, %xor3A_792 : i32
    %xor3A_794 = arith.xori %get3A_759, %get3A_761 : i32
    %shift_left3A_795 = arith.constant 1 : i32
    %shift_left3A_796 = arith.shli %xor3A_794, %shift_left3A_795 : i32
    %shift_right_arithmetic3A_797 = arith.constant 7 : i32
    %shift_right_arithmetic3A_798 = arith.shrsi %xor3A_794, %shift_right_arithmetic3A_797 : i32
    %and3A_799 = arith.constant 1 : i32
    %and3A_800 = arith.andi %shift_right_arithmetic3A_798, %and3A_799 : i32
    %mul3A_801 = arith.constant 27 : i32
    %mul3A_802 = arith.muli %and3A_800, %mul3A_801 : i32
    %xor3A_803 = arith.xori %shift_left3A_796, %mul3A_802 : i32
    %and3A_804 = arith.constant 255 : i32
    %and3A_805 = arith.andi %xor3A_803, %and3A_804 : i32
    %xor3A_806 = arith.xori %xor3A_793, %and3A_805 : i32
    %xor3A_807 = arith.xori %xor3A_806, %xor3A_742 : i32
    %xor3A_808 = arith.xori %get3A_761, %xor3A_792 : i32
    %xor3A_809 = arith.xori %get3A_761, %get3A_763 : i32
    %shift_left3A_810 = arith.constant 1 : i32
    %shift_left3A_811 = arith.shli %xor3A_809, %shift_left3A_810 : i32
    %shift_right_arithmetic3A_812 = arith.constant 7 : i32
    %shift_right_arithmetic3A_813 = arith.shrsi %xor3A_809, %shift_right_arithmetic3A_812 : i32
    %and3A_814 = arith.constant 1 : i32
    %and3A_815 = arith.andi %shift_right_arithmetic3A_813, %and3A_814 : i32
    %mul3A_816 = arith.constant 27 : i32
    %mul3A_817 = arith.muli %and3A_815, %mul3A_816 : i32
    %xor3A_818 = arith.xori %shift_left3A_811, %mul3A_817 : i32
    %and3A_819 = arith.constant 255 : i32
    %and3A_820 = arith.andi %xor3A_818, %and3A_819 : i32
    %xor3A_821 = arith.xori %xor3A_808, %and3A_820 : i32
    %xor3A_822 = arith.xori %xor3A_821, %xor3A_743 : i32
    %xor3A_823 = arith.xori %get3A_763, %xor3A_792 : i32
    %xor3A_824 = arith.xori %get3A_763, %get3A_765 : i32
    %shift_left3A_825 = arith.constant 1 : i32
    %shift_left3A_826 = arith.shli %xor3A_824, %shift_left3A_825 : i32
    %shift_right_arithmetic3A_827 = arith.constant 7 : i32
    %shift_right_arithmetic3A_828 = arith.shrsi %xor3A_824, %shift_right_arithmetic3A_827 : i32
    %and3A_829 = arith.constant 1 : i32
    %and3A_830 = arith.andi %shift_right_arithmetic3A_828, %and3A_829 : i32
    %mul3A_831 = arith.constant 27 : i32
    %mul3A_832 = arith.muli %and3A_830, %mul3A_831 : i32
    %xor3A_833 = arith.xori %shift_left3A_826, %mul3A_832 : i32
    %and3A_834 = arith.constant 255 : i32
    %and3A_835 = arith.andi %xor3A_833, %and3A_834 : i32
    %xor3A_836 = arith.xori %xor3A_823, %and3A_835 : i32
    %xor3A_837 = arith.xori %xor3A_836, %xor3A_744 : i32
    %xor3A_838 = arith.xori %get3A_765, %xor3A_792 : i32
    %xor3A_839 = arith.xori %get3A_765, %get3A_759 : i32
    %shift_left3A_840 = arith.constant 1 : i32
    %shift_left3A_841 = arith.shli %xor3A_839, %shift_left3A_840 : i32
    %shift_right_arithmetic3A_842 = arith.constant 7 : i32
    %shift_right_arithmetic3A_843 = arith.shrsi %xor3A_839, %shift_right_arithmetic3A_842 : i32
    %and3A_844 = arith.constant 1 : i32
    %and3A_845 = arith.andi %shift_right_arithmetic3A_843, %and3A_844 : i32
    %mul3A_846 = arith.constant 27 : i32
    %mul3A_847 = arith.muli %and3A_845, %mul3A_846 : i32
    %xor3A_848 = arith.xori %shift_left3A_841, %mul3A_847 : i32
    %and3A_849 = arith.constant 255 : i32
    %and3A_850 = arith.andi %xor3A_848, %and3A_849 : i32
    %xor3A_851 = arith.xori %xor3A_838, %and3A_850 : i32
    %xor3A_852 = arith.xori %xor3A_851, %xor3A_745 : i32
    %xor3A_853 = arith.xori %get3A_767, %get3A_769 : i32
    %xor3A_854 = arith.xori %xor3A_853, %get3A_771 : i32
    %xor3A_855 = arith.xori %xor3A_854, %get3A_773 : i32
    %xor3A_856 = arith.xori %get3A_767, %xor3A_855 : i32
    %xor3A_857 = arith.xori %get3A_767, %get3A_769 : i32
    %shift_left3A_858 = arith.constant 1 : i32
    %shift_left3A_859 = arith.shli %xor3A_857, %shift_left3A_858 : i32
    %shift_right_arithmetic3A_860 = arith.constant 7 : i32
    %shift_right_arithmetic3A_861 = arith.shrsi %xor3A_857, %shift_right_arithmetic3A_860 : i32
    %and3A_862 = arith.constant 1 : i32
    %and3A_863 = arith.andi %shift_right_arithmetic3A_861, %and3A_862 : i32
    %mul3A_864 = arith.constant 27 : i32
    %mul3A_865 = arith.muli %and3A_863, %mul3A_864 : i32
    %xor3A_866 = arith.xori %shift_left3A_859, %mul3A_865 : i32
    %and3A_867 = arith.constant 255 : i32
    %and3A_868 = arith.andi %xor3A_866, %and3A_867 : i32
    %xor3A_869 = arith.xori %xor3A_856, %and3A_868 : i32
    %xor3A_870 = arith.xori %xor3A_869, %xor3A_746 : i32
    %xor3A_871 = arith.xori %get3A_769, %xor3A_855 : i32
    %xor3A_872 = arith.xori %get3A_769, %get3A_771 : i32
    %shift_left3A_873 = arith.constant 1 : i32
    %shift_left3A_874 = arith.shli %xor3A_872, %shift_left3A_873 : i32
    %shift_right_arithmetic3A_875 = arith.constant 7 : i32
    %shift_right_arithmetic3A_876 = arith.shrsi %xor3A_872, %shift_right_arithmetic3A_875 : i32
    %and3A_877 = arith.constant 1 : i32
    %and3A_878 = arith.andi %shift_right_arithmetic3A_876, %and3A_877 : i32
    %mul3A_879 = arith.constant 27 : i32
    %mul3A_880 = arith.muli %and3A_878, %mul3A_879 : i32
    %xor3A_881 = arith.xori %shift_left3A_874, %mul3A_880 : i32
    %and3A_882 = arith.constant 255 : i32
    %and3A_883 = arith.andi %xor3A_881, %and3A_882 : i32
    %xor3A_884 = arith.xori %xor3A_871, %and3A_883 : i32
    %xor3A_885 = arith.xori %xor3A_884, %xor3A_747 : i32
    %xor3A_886 = arith.xori %get3A_771, %xor3A_855 : i32
    %xor3A_887 = arith.xori %get3A_771, %get3A_773 : i32
    %shift_left3A_888 = arith.constant 1 : i32
    %shift_left3A_889 = arith.shli %xor3A_887, %shift_left3A_888 : i32
    %shift_right_arithmetic3A_890 = arith.constant 7 : i32
    %shift_right_arithmetic3A_891 = arith.shrsi %xor3A_887, %shift_right_arithmetic3A_890 : i32
    %and3A_892 = arith.constant 1 : i32
    %and3A_893 = arith.andi %shift_right_arithmetic3A_891, %and3A_892 : i32
    %mul3A_894 = arith.constant 27 : i32
    %mul3A_895 = arith.muli %and3A_893, %mul3A_894 : i32
    %xor3A_896 = arith.xori %shift_left3A_889, %mul3A_895 : i32
    %and3A_897 = arith.constant 255 : i32
    %and3A_898 = arith.andi %xor3A_896, %and3A_897 : i32
    %xor3A_899 = arith.xori %xor3A_886, %and3A_898 : i32
    %xor3A_900 = arith.xori %xor3A_899, %xor3A_748 : i32
    %xor3A_901 = arith.xori %get3A_773, %xor3A_855 : i32
    %xor3A_902 = arith.xori %get3A_773, %get3A_767 : i32
    %shift_left3A_903 = arith.constant 1 : i32
    %shift_left3A_904 = arith.shli %xor3A_902, %shift_left3A_903 : i32
    %shift_right_arithmetic3A_905 = arith.constant 7 : i32
    %shift_right_arithmetic3A_906 = arith.shrsi %xor3A_902, %shift_right_arithmetic3A_905 : i32
    %and3A_907 = arith.constant 1 : i32
    %and3A_908 = arith.andi %shift_right_arithmetic3A_906, %and3A_907 : i32
    %mul3A_909 = arith.constant 27 : i32
    %mul3A_910 = arith.muli %and3A_908, %mul3A_909 : i32
    %xor3A_911 = arith.xori %shift_left3A_904, %mul3A_910 : i32
    %and3A_912 = arith.constant 255 : i32
    %and3A_913 = arith.andi %xor3A_911, %and3A_912 : i32
    %xor3A_914 = arith.xori %xor3A_901, %and3A_913 : i32
    %xor3A_915 = arith.xori %xor3A_914, %xor3A_749 : i32
    %xor3A_916 = arith.xori %get3A_775, %get3A_777 : i32
    %xor3A_917 = arith.xori %xor3A_916, %get3A_779 : i32
    %xor3A_918 = arith.xori %xor3A_917, %get3A_781 : i32
    %xor3A_919 = arith.xori %get3A_775, %xor3A_918 : i32
    %xor3A_920 = arith.xori %get3A_775, %get3A_777 : i32
    %shift_left3A_921 = arith.constant 1 : i32
    %shift_left3A_922 = arith.shli %xor3A_920, %shift_left3A_921 : i32
    %shift_right_arithmetic3A_923 = arith.constant 7 : i32
    %shift_right_arithmetic3A_924 = arith.shrsi %xor3A_920, %shift_right_arithmetic3A_923 : i32
    %and3A_925 = arith.constant 1 : i32
    %and3A_926 = arith.andi %shift_right_arithmetic3A_924, %and3A_925 : i32
    %mul3A_927 = arith.constant 27 : i32
    %mul3A_928 = arith.muli %and3A_926, %mul3A_927 : i32
    %xor3A_929 = arith.xori %shift_left3A_922, %mul3A_928 : i32
    %and3A_930 = arith.constant 255 : i32
    %and3A_931 = arith.andi %xor3A_929, %and3A_930 : i32
    %xor3A_932 = arith.xori %xor3A_919, %and3A_931 : i32
    %xor3A_933 = arith.xori %xor3A_932, %xor3A_750 : i32
    %xor3A_934 = arith.xori %get3A_777, %xor3A_918 : i32
    %xor3A_935 = arith.xori %get3A_777, %get3A_779 : i32
    %shift_left3A_936 = arith.constant 1 : i32
    %shift_left3A_937 = arith.shli %xor3A_935, %shift_left3A_936 : i32
    %shift_right_arithmetic3A_938 = arith.constant 7 : i32
    %shift_right_arithmetic3A_939 = arith.shrsi %xor3A_935, %shift_right_arithmetic3A_938 : i32
    %and3A_940 = arith.constant 1 : i32
    %and3A_941 = arith.andi %shift_right_arithmetic3A_939, %and3A_940 : i32
    %mul3A_942 = arith.constant 27 : i32
    %mul3A_943 = arith.muli %and3A_941, %mul3A_942 : i32
    %xor3A_944 = arith.xori %shift_left3A_937, %mul3A_943 : i32
    %and3A_945 = arith.constant 255 : i32
    %and3A_946 = arith.andi %xor3A_944, %and3A_945 : i32
    %xor3A_947 = arith.xori %xor3A_934, %and3A_946 : i32
    %xor3A_948 = arith.xori %xor3A_947, %xor3A_751 : i32
    %xor3A_949 = arith.xori %get3A_779, %xor3A_918 : i32
    %xor3A_950 = arith.xori %get3A_779, %get3A_781 : i32
    %shift_left3A_951 = arith.constant 1 : i32
    %shift_left3A_952 = arith.shli %xor3A_950, %shift_left3A_951 : i32
    %shift_right_arithmetic3A_953 = arith.constant 7 : i32
    %shift_right_arithmetic3A_954 = arith.shrsi %xor3A_950, %shift_right_arithmetic3A_953 : i32
    %and3A_955 = arith.constant 1 : i32
    %and3A_956 = arith.andi %shift_right_arithmetic3A_954, %and3A_955 : i32
    %mul3A_957 = arith.constant 27 : i32
    %mul3A_958 = arith.muli %and3A_956, %mul3A_957 : i32
    %xor3A_959 = arith.xori %shift_left3A_952, %mul3A_958 : i32
    %and3A_960 = arith.constant 255 : i32
    %and3A_961 = arith.andi %xor3A_959, %and3A_960 : i32
    %xor3A_962 = arith.xori %xor3A_949, %and3A_961 : i32
    %xor3A_963 = arith.xori %xor3A_962, %xor3A_752 : i32
    %xor3A_964 = arith.xori %get3A_781, %xor3A_918 : i32
    %xor3A_965 = arith.xori %get3A_781, %get3A_775 : i32
    %shift_left3A_966 = arith.constant 1 : i32
    %shift_left3A_967 = arith.shli %xor3A_965, %shift_left3A_966 : i32
    %shift_right_arithmetic3A_968 = arith.constant 7 : i32
    %shift_right_arithmetic3A_969 = arith.shrsi %xor3A_965, %shift_right_arithmetic3A_968 : i32
    %and3A_970 = arith.constant 1 : i32
    %and3A_971 = arith.andi %shift_right_arithmetic3A_969, %and3A_970 : i32
    %mul3A_972 = arith.constant 27 : i32
    %mul3A_973 = arith.muli %and3A_971, %mul3A_972 : i32
    %xor3A_974 = arith.xori %shift_left3A_967, %mul3A_973 : i32
    %and3A_975 = arith.constant 255 : i32
    %and3A_976 = arith.andi %xor3A_974, %and3A_975 : i32
    %xor3A_977 = arith.xori %xor3A_964, %and3A_976 : i32
    %xor3A_978 = arith.xori %xor3A_977, %xor3A_753 : i32
    %xor3A_979 = arith.xori %get3A_783, %get3A_785 : i32
    %xor3A_980 = arith.xori %xor3A_979, %get3A_787 : i32
    %xor3A_981 = arith.xori %xor3A_980, %get3A_789 : i32
    %xor3A_982 = arith.xori %get3A_783, %xor3A_981 : i32
    %xor3A_983 = arith.xori %get3A_783, %get3A_785 : i32
    %shift_left3A_984 = arith.constant 1 : i32
    %shift_left3A_985 = arith.shli %xor3A_983, %shift_left3A_984 : i32
    %shift_right_arithmetic3A_986 = arith.constant 7 : i32
    %shift_right_arithmetic3A_987 = arith.shrsi %xor3A_983, %shift_right_arithmetic3A_986 : i32
    %and3A_988 = arith.constant 1 : i32
    %and3A_989 = arith.andi %shift_right_arithmetic3A_987, %and3A_988 : i32
    %mul3A_990 = arith.constant 27 : i32
    %mul3A_991 = arith.muli %and3A_989, %mul3A_990 : i32
    %xor3A_992 = arith.xori %shift_left3A_985, %mul3A_991 : i32
    %and3A_993 = arith.constant 255 : i32
    %and3A_994 = arith.andi %xor3A_992, %and3A_993 : i32
    %xor3A_995 = arith.xori %xor3A_982, %and3A_994 : i32
    %xor3A_996 = arith.xori %xor3A_995, %xor3A_754 : i32
    %xor3A_997 = arith.xori %get3A_785, %xor3A_981 : i32
    %xor3A_998 = arith.xori %get3A_785, %get3A_787 : i32
    %shift_left3A_999 = arith.constant 1 : i32
    %shift_left3A_1000 = arith.shli %xor3A_998, %shift_left3A_999 : i32
    %shift_right_arithmetic3A_1001 = arith.constant 7 : i32
    %shift_right_arithmetic3A_1002 = arith.shrsi %xor3A_998, %shift_right_arithmetic3A_1001 : i32
    %and3A_1003 = arith.constant 1 : i32
    %and3A_1004 = arith.andi %shift_right_arithmetic3A_1002, %and3A_1003 : i32
    %mul3A_1005 = arith.constant 27 : i32
    %mul3A_1006 = arith.muli %and3A_1004, %mul3A_1005 : i32
    %xor3A_1007 = arith.xori %shift_left3A_1000, %mul3A_1006 : i32
    %and3A_1008 = arith.constant 255 : i32
    %and3A_1009 = arith.andi %xor3A_1007, %and3A_1008 : i32
    %xor3A_1010 = arith.xori %xor3A_997, %and3A_1009 : i32
    %xor3A_1011 = arith.xori %xor3A_1010, %xor3A_755 : i32
    %xor3A_1012 = arith.xori %get3A_787, %xor3A_981 : i32
    %xor3A_1013 = arith.xori %get3A_787, %get3A_789 : i32
    %shift_left3A_1014 = arith.constant 1 : i32
    %shift_left3A_1015 = arith.shli %xor3A_1013, %shift_left3A_1014 : i32
    %shift_right_arithmetic3A_1016 = arith.constant 7 : i32
    %shift_right_arithmetic3A_1017 = arith.shrsi %xor3A_1013, %shift_right_arithmetic3A_1016 : i32
    %and3A_1018 = arith.constant 1 : i32
    %and3A_1019 = arith.andi %shift_right_arithmetic3A_1017, %and3A_1018 : i32
    %mul3A_1020 = arith.constant 27 : i32
    %mul3A_1021 = arith.muli %and3A_1019, %mul3A_1020 : i32
    %xor3A_1022 = arith.xori %shift_left3A_1015, %mul3A_1021 : i32
    %and3A_1023 = arith.constant 255 : i32
    %and3A_1024 = arith.andi %xor3A_1022, %and3A_1023 : i32
    %xor3A_1025 = arith.xori %xor3A_1012, %and3A_1024 : i32
    %xor3A_1026 = arith.xori %xor3A_1025, %xor3A_756 : i32
    %xor3A_1027 = arith.xori %get3A_789, %xor3A_981 : i32
    %xor3A_1028 = arith.xori %get3A_789, %get3A_783 : i32
    %shift_left3A_1029 = arith.constant 1 : i32
    %shift_left3A_1030 = arith.shli %xor3A_1028, %shift_left3A_1029 : i32
    %shift_right_arithmetic3A_1031 = arith.constant 7 : i32
    %shift_right_arithmetic3A_1032 = arith.shrsi %xor3A_1028, %shift_right_arithmetic3A_1031 : i32
    %and3A_1033 = arith.constant 1 : i32
    %and3A_1034 = arith.andi %shift_right_arithmetic3A_1032, %and3A_1033 : i32
    %mul3A_1035 = arith.constant 27 : i32
    %mul3A_1036 = arith.muli %and3A_1034, %mul3A_1035 : i32
    %xor3A_1037 = arith.xori %shift_left3A_1030, %mul3A_1036 : i32
    %and3A_1038 = arith.constant 255 : i32
    %and3A_1039 = arith.andi %xor3A_1037, %and3A_1038 : i32
    %xor3A_1040 = arith.xori %xor3A_1027, %and3A_1039 : i32
    %xor3A_1041 = arith.xori %xor3A_1040, %xor3A_757 : i32
    %get3A_1042 = arith.constant 3 : i32
    %get3A_1043 = arith.index_cast %get3A_1042 : i32 to index
    %get3A_1044 = memref.load %arg7[%get3A_1043] : memref<10xi32, #tpu.memory_space<smem>>
    %get3A_1045 = arith.index_cast %xor3A_755 : i32 to index
    %get3A_1046 = memref.load %arg6[%get3A_1045] : memref<256xi32, #tpu.memory_space<smem>>
    %xor3A_1047 = arith.xori %get3A_1046, %get3A_1044 : i32
    %get3A_1048 = arith.index_cast %xor3A_756 : i32 to index
    %get3A_1049 = memref.load %arg6[%get3A_1048] : memref<256xi32, #tpu.memory_space<smem>>
    %get3A_1050 = arith.index_cast %xor3A_757 : i32 to index
    %get3A_1051 = memref.load %arg6[%get3A_1050] : memref<256xi32, #tpu.memory_space<smem>>
    %get3A_1052 = arith.index_cast %xor3A_754 : i32 to index
    %get3A_1053 = memref.load %arg6[%get3A_1052] : memref<256xi32, #tpu.memory_space<smem>>
    %xor3A_1054 = arith.xori %xor3A_742, %xor3A_1047 : i32
    %xor3A_1055 = arith.xori %xor3A_743, %get3A_1049 : i32
    %xor3A_1056 = arith.xori %xor3A_744, %get3A_1051 : i32
    %xor3A_1057 = arith.xori %xor3A_745, %get3A_1053 : i32
    %xor3A_1058 = arith.xori %xor3A_1054, %xor3A_746 : i32
    %xor3A_1059 = arith.xori %xor3A_1055, %xor3A_747 : i32
    %xor3A_1060 = arith.xori %xor3A_1056, %xor3A_748 : i32
    %xor3A_1061 = arith.xori %xor3A_1057, %xor3A_749 : i32
    %xor3A_1062 = arith.xori %xor3A_1058, %xor3A_750 : i32
    %xor3A_1063 = arith.xori %xor3A_1059, %xor3A_751 : i32
    %xor3A_1064 = arith.xori %xor3A_1060, %xor3A_752 : i32
    %xor3A_1065 = arith.xori %xor3A_1061, %xor3A_753 : i32
    %xor3A_1066 = arith.xori %xor3A_1062, %xor3A_754 : i32
    %xor3A_1067 = arith.xori %xor3A_1063, %xor3A_755 : i32
    %xor3A_1068 = arith.xori %xor3A_1064, %xor3A_756 : i32
    %xor3A_1069 = arith.xori %xor3A_1065, %xor3A_757 : i32
    %get3A_1070 = arith.index_cast %xor3A_807 : i32 to index
    %get3A_1071 = memref.load %arg6[%get3A_1070] : memref<256xi32, #tpu.memory_space<smem>>
    %get3A_1072 = arith.index_cast %xor3A_885 : i32 to index
    %get3A_1073 = memref.load %arg6[%get3A_1072] : memref<256xi32, #tpu.memory_space<smem>>
    %get3A_1074 = arith.index_cast %xor3A_963 : i32 to index
    %get3A_1075 = memref.load %arg6[%get3A_1074] : memref<256xi32, #tpu.memory_space<smem>>
    %get3A_1076 = arith.index_cast %xor3A_1041 : i32 to index
    %get3A_1077 = memref.load %arg6[%get3A_1076] : memref<256xi32, #tpu.memory_space<smem>>
    %get3A_1078 = arith.index_cast %xor3A_870 : i32 to index
    %get3A_1079 = memref.load %arg6[%get3A_1078] : memref<256xi32, #tpu.memory_space<smem>>
    %get3A_1080 = arith.index_cast %xor3A_948 : i32 to index
    %get3A_1081 = memref.load %arg6[%get3A_1080] : memref<256xi32, #tpu.memory_space<smem>>
    %get3A_1082 = arith.index_cast %xor3A_1026 : i32 to index
    %get3A_1083 = memref.load %arg6[%get3A_1082] : memref<256xi32, #tpu.memory_space<smem>>
    %get3A_1084 = arith.index_cast %xor3A_852 : i32 to index
    %get3A_1085 = memref.load %arg6[%get3A_1084] : memref<256xi32, #tpu.memory_space<smem>>
    %get3A_1086 = arith.index_cast %xor3A_933 : i32 to index
    %get3A_1087 = memref.load %arg6[%get3A_1086] : memref<256xi32, #tpu.memory_space<smem>>
    %get3A_1088 = arith.index_cast %xor3A_1011 : i32 to index
    %get3A_1089 = memref.load %arg6[%get3A_1088] : memref<256xi32, #tpu.memory_space<smem>>
    %get3A_1090 = arith.index_cast %xor3A_837 : i32 to index
    %get3A_1091 = memref.load %arg6[%get3A_1090] : memref<256xi32, #tpu.memory_space<smem>>
    %get3A_1092 = arith.index_cast %xor3A_915 : i32 to index
    %get3A_1093 = memref.load %arg6[%get3A_1092] : memref<256xi32, #tpu.memory_space<smem>>
    %get3A_1094 = arith.index_cast %xor3A_996 : i32 to index
    %get3A_1095 = memref.load %arg6[%get3A_1094] : memref<256xi32, #tpu.memory_space<smem>>
    %get3A_1096 = arith.index_cast %xor3A_822 : i32 to index
    %get3A_1097 = memref.load %arg6[%get3A_1096] : memref<256xi32, #tpu.memory_space<smem>>
    %get3A_1098 = arith.index_cast %xor3A_900 : i32 to index
    %get3A_1099 = memref.load %arg6[%get3A_1098] : memref<256xi32, #tpu.memory_space<smem>>
    %get3A_1100 = arith.index_cast %xor3A_978 : i32 to index
    %get3A_1101 = memref.load %arg6[%get3A_1100] : memref<256xi32, #tpu.memory_space<smem>>
    %xor3A_1102 = arith.xori %get3A_1071, %get3A_1073 : i32
    %xor3A_1103 = arith.xori %xor3A_1102, %get3A_1075 : i32
    %xor3A_1104 = arith.xori %xor3A_1103, %get3A_1077 : i32
    %xor3A_1105 = arith.xori %get3A_1071, %xor3A_1104 : i32
    %xor3A_1106 = arith.xori %get3A_1071, %get3A_1073 : i32
    %shift_left3A_1107 = arith.constant 1 : i32
    %shift_left3A_1108 = arith.shli %xor3A_1106, %shift_left3A_1107 : i32
    %shift_right_arithmetic3A_1109 = arith.constant 7 : i32
    %shift_right_arithmetic3A_1110 = arith.shrsi %xor3A_1106, %shift_right_arithmetic3A_1109 : i32
    %and3A_1111 = arith.constant 1 : i32
    %and3A_1112 = arith.andi %shift_right_arithmetic3A_1110, %and3A_1111 : i32
    %mul3A_1113 = arith.constant 27 : i32
    %mul3A_1114 = arith.muli %and3A_1112, %mul3A_1113 : i32
    %xor3A_1115 = arith.xori %shift_left3A_1108, %mul3A_1114 : i32
    %and3A_1116 = arith.constant 255 : i32
    %and3A_1117 = arith.andi %xor3A_1115, %and3A_1116 : i32
    %xor3A_1118 = arith.xori %xor3A_1105, %and3A_1117 : i32
    %xor3A_1119 = arith.xori %xor3A_1118, %xor3A_1054 : i32
    %xor3A_1120 = arith.xori %get3A_1073, %xor3A_1104 : i32
    %xor3A_1121 = arith.xori %get3A_1073, %get3A_1075 : i32
    %shift_left3A_1122 = arith.constant 1 : i32
    %shift_left3A_1123 = arith.shli %xor3A_1121, %shift_left3A_1122 : i32
    %shift_right_arithmetic3A_1124 = arith.constant 7 : i32
    %shift_right_arithmetic3A_1125 = arith.shrsi %xor3A_1121, %shift_right_arithmetic3A_1124 : i32
    %and3A_1126 = arith.constant 1 : i32
    %and3A_1127 = arith.andi %shift_right_arithmetic3A_1125, %and3A_1126 : i32
    %mul3A_1128 = arith.constant 27 : i32
    %mul3A_1129 = arith.muli %and3A_1127, %mul3A_1128 : i32
    %xor3A_1130 = arith.xori %shift_left3A_1123, %mul3A_1129 : i32
    %and3A_1131 = arith.constant 255 : i32
    %and3A_1132 = arith.andi %xor3A_1130, %and3A_1131 : i32
    %xor3A_1133 = arith.xori %xor3A_1120, %and3A_1132 : i32
    %xor3A_1134 = arith.xori %xor3A_1133, %xor3A_1055 : i32
    %xor3A_1135 = arith.xori %get3A_1075, %xor3A_1104 : i32
    %xor3A_1136 = arith.xori %get3A_1075, %get3A_1077 : i32
    %shift_left3A_1137 = arith.constant 1 : i32
    %shift_left3A_1138 = arith.shli %xor3A_1136, %shift_left3A_1137 : i32
    %shift_right_arithmetic3A_1139 = arith.constant 7 : i32
    %shift_right_arithmetic3A_1140 = arith.shrsi %xor3A_1136, %shift_right_arithmetic3A_1139 : i32
    %and3A_1141 = arith.constant 1 : i32
    %and3A_1142 = arith.andi %shift_right_arithmetic3A_1140, %and3A_1141 : i32
    %mul3A_1143 = arith.constant 27 : i32
    %mul3A_1144 = arith.muli %and3A_1142, %mul3A_1143 : i32
    %xor3A_1145 = arith.xori %shift_left3A_1138, %mul3A_1144 : i32
    %and3A_1146 = arith.constant 255 : i32
    %and3A_1147 = arith.andi %xor3A_1145, %and3A_1146 : i32
    %xor3A_1148 = arith.xori %xor3A_1135, %and3A_1147 : i32
    %xor3A_1149 = arith.xori %xor3A_1148, %xor3A_1056 : i32
    %xor3A_1150 = arith.xori %get3A_1077, %xor3A_1104 : i32
    %xor3A_1151 = arith.xori %get3A_1077, %get3A_1071 : i32
    %shift_left3A_1152 = arith.constant 1 : i32
    %shift_left3A_1153 = arith.shli %xor3A_1151, %shift_left3A_1152 : i32
    %shift_right_arithmetic3A_1154 = arith.constant 7 : i32
    %shift_right_arithmetic3A_1155 = arith.shrsi %xor3A_1151, %shift_right_arithmetic3A_1154 : i32
    %and3A_1156 = arith.constant 1 : i32
    %and3A_1157 = arith.andi %shift_right_arithmetic3A_1155, %and3A_1156 : i32
    %mul3A_1158 = arith.constant 27 : i32
    %mul3A_1159 = arith.muli %and3A_1157, %mul3A_1158 : i32
    %xor3A_1160 = arith.xori %shift_left3A_1153, %mul3A_1159 : i32
    %and3A_1161 = arith.constant 255 : i32
    %and3A_1162 = arith.andi %xor3A_1160, %and3A_1161 : i32
    %xor3A_1163 = arith.xori %xor3A_1150, %and3A_1162 : i32
    %xor3A_1164 = arith.xori %xor3A_1163, %xor3A_1057 : i32
    %xor3A_1165 = arith.xori %get3A_1079, %get3A_1081 : i32
    %xor3A_1166 = arith.xori %xor3A_1165, %get3A_1083 : i32
    %xor3A_1167 = arith.xori %xor3A_1166, %get3A_1085 : i32
    %xor3A_1168 = arith.xori %get3A_1079, %xor3A_1167 : i32
    %xor3A_1169 = arith.xori %get3A_1079, %get3A_1081 : i32
    %shift_left3A_1170 = arith.constant 1 : i32
    %shift_left3A_1171 = arith.shli %xor3A_1169, %shift_left3A_1170 : i32
    %shift_right_arithmetic3A_1172 = arith.constant 7 : i32
    %shift_right_arithmetic3A_1173 = arith.shrsi %xor3A_1169, %shift_right_arithmetic3A_1172 : i32
    %and3A_1174 = arith.constant 1 : i32
    %and3A_1175 = arith.andi %shift_right_arithmetic3A_1173, %and3A_1174 : i32
    %mul3A_1176 = arith.constant 27 : i32
    %mul3A_1177 = arith.muli %and3A_1175, %mul3A_1176 : i32
    %xor3A_1178 = arith.xori %shift_left3A_1171, %mul3A_1177 : i32
    %and3A_1179 = arith.constant 255 : i32
    %and3A_1180 = arith.andi %xor3A_1178, %and3A_1179 : i32
    %xor3A_1181 = arith.xori %xor3A_1168, %and3A_1180 : i32
    %xor3A_1182 = arith.xori %xor3A_1181, %xor3A_1058 : i32
    %xor3A_1183 = arith.xori %get3A_1081, %xor3A_1167 : i32
    %xor3A_1184 = arith.xori %get3A_1081, %get3A_1083 : i32
    %shift_left3A_1185 = arith.constant 1 : i32
    %shift_left3A_1186 = arith.shli %xor3A_1184, %shift_left3A_1185 : i32
    %shift_right_arithmetic3A_1187 = arith.constant 7 : i32
    %shift_right_arithmetic3A_1188 = arith.shrsi %xor3A_1184, %shift_right_arithmetic3A_1187 : i32
    %and3A_1189 = arith.constant 1 : i32
    %and3A_1190 = arith.andi %shift_right_arithmetic3A_1188, %and3A_1189 : i32
    %mul3A_1191 = arith.constant 27 : i32
    %mul3A_1192 = arith.muli %and3A_1190, %mul3A_1191 : i32
    %xor3A_1193 = arith.xori %shift_left3A_1186, %mul3A_1192 : i32
    %and3A_1194 = arith.constant 255 : i32
    %and3A_1195 = arith.andi %xor3A_1193, %and3A_1194 : i32
    %xor3A_1196 = arith.xori %xor3A_1183, %and3A_1195 : i32
    %xor3A_1197 = arith.xori %xor3A_1196, %xor3A_1059 : i32
    %xor3A_1198 = arith.xori %get3A_1083, %xor3A_1167 : i32
    %xor3A_1199 = arith.xori %get3A_1083, %get3A_1085 : i32
    %shift_left3A_1200 = arith.constant 1 : i32
    %shift_left3A_1201 = arith.shli %xor3A_1199, %shift_left3A_1200 : i32
    %shift_right_arithmetic3A_1202 = arith.constant 7 : i32
    %shift_right_arithmetic3A_1203 = arith.shrsi %xor3A_1199, %shift_right_arithmetic3A_1202 : i32
    %and3A_1204 = arith.constant 1 : i32
    %and3A_1205 = arith.andi %shift_right_arithmetic3A_1203, %and3A_1204 : i32
    %mul3A_1206 = arith.constant 27 : i32
    %mul3A_1207 = arith.muli %and3A_1205, %mul3A_1206 : i32
    %xor3A_1208 = arith.xori %shift_left3A_1201, %mul3A_1207 : i32
    %and3A_1209 = arith.constant 255 : i32
    %and3A_1210 = arith.andi %xor3A_1208, %and3A_1209 : i32
    %xor3A_1211 = arith.xori %xor3A_1198, %and3A_1210 : i32
    %xor3A_1212 = arith.xori %xor3A_1211, %xor3A_1060 : i32
    %xor3A_1213 = arith.xori %get3A_1085, %xor3A_1167 : i32
    %xor3A_1214 = arith.xori %get3A_1085, %get3A_1079 : i32
    %shift_left3A_1215 = arith.constant 1 : i32
    %shift_left3A_1216 = arith.shli %xor3A_1214, %shift_left3A_1215 : i32
    %shift_right_arithmetic3A_1217 = arith.constant 7 : i32
    %shift_right_arithmetic3A_1218 = arith.shrsi %xor3A_1214, %shift_right_arithmetic3A_1217 : i32
    %and3A_1219 = arith.constant 1 : i32
    %and3A_1220 = arith.andi %shift_right_arithmetic3A_1218, %and3A_1219 : i32
    %mul3A_1221 = arith.constant 27 : i32
    %mul3A_1222 = arith.muli %and3A_1220, %mul3A_1221 : i32
    %xor3A_1223 = arith.xori %shift_left3A_1216, %mul3A_1222 : i32
    %and3A_1224 = arith.constant 255 : i32
    %and3A_1225 = arith.andi %xor3A_1223, %and3A_1224 : i32
    %xor3A_1226 = arith.xori %xor3A_1213, %and3A_1225 : i32
    %xor3A_1227 = arith.xori %xor3A_1226, %xor3A_1061 : i32
    %xor3A_1228 = arith.xori %get3A_1087, %get3A_1089 : i32
    %xor3A_1229 = arith.xori %xor3A_1228, %get3A_1091 : i32
    %xor3A_1230 = arith.xori %xor3A_1229, %get3A_1093 : i32
    %xor3A_1231 = arith.xori %get3A_1087, %xor3A_1230 : i32
    %xor3A_1232 = arith.xori %get3A_1087, %get3A_1089 : i32
    %shift_left3A_1233 = arith.constant 1 : i32
    %shift_left3A_1234 = arith.shli %xor3A_1232, %shift_left3A_1233 : i32
    %shift_right_arithmetic3A_1235 = arith.constant 7 : i32
    %shift_right_arithmetic3A_1236 = arith.shrsi %xor3A_1232, %shift_right_arithmetic3A_1235 : i32
    %and3A_1237 = arith.constant 1 : i32
    %and3A_1238 = arith.andi %shift_right_arithmetic3A_1236, %and3A_1237 : i32
    %mul3A_1239 = arith.constant 27 : i32
    %mul3A_1240 = arith.muli %and3A_1238, %mul3A_1239 : i32
    %xor3A_1241 = arith.xori %shift_left3A_1234, %mul3A_1240 : i32
    %and3A_1242 = arith.constant 255 : i32
    %and3A_1243 = arith.andi %xor3A_1241, %and3A_1242 : i32
    %xor3A_1244 = arith.xori %xor3A_1231, %and3A_1243 : i32
    %xor3A_1245 = arith.xori %xor3A_1244, %xor3A_1062 : i32
    %xor3A_1246 = arith.xori %get3A_1089, %xor3A_1230 : i32
    %xor3A_1247 = arith.xori %get3A_1089, %get3A_1091 : i32
    %shift_left3A_1248 = arith.constant 1 : i32
    %shift_left3A_1249 = arith.shli %xor3A_1247, %shift_left3A_1248 : i32
    %shift_right_arithmetic3A_1250 = arith.constant 7 : i32
    %shift_right_arithmetic3A_1251 = arith.shrsi %xor3A_1247, %shift_right_arithmetic3A_1250 : i32
    %and3A_1252 = arith.constant 1 : i32
    %and3A_1253 = arith.andi %shift_right_arithmetic3A_1251, %and3A_1252 : i32
    %mul3A_1254 = arith.constant 27 : i32
    %mul3A_1255 = arith.muli %and3A_1253, %mul3A_1254 : i32
    %xor3A_1256 = arith.xori %shift_left3A_1249, %mul3A_1255 : i32
    %and3A_1257 = arith.constant 255 : i32
    %and3A_1258 = arith.andi %xor3A_1256, %and3A_1257 : i32
    %xor3A_1259 = arith.xori %xor3A_1246, %and3A_1258 : i32
    %xor3A_1260 = arith.xori %xor3A_1259, %xor3A_1063 : i32
    %xor3A_1261 = arith.xori %get3A_1091, %xor3A_1230 : i32
    %xor3A_1262 = arith.xori %get3A_1091, %get3A_1093 : i32
    %shift_left3A_1263 = arith.constant 1 : i32
    %shift_left3A_1264 = arith.shli %xor3A_1262, %shift_left3A_1263 : i32
    %shift_right_arithmetic3A_1265 = arith.constant 7 : i32
    %shift_right_arithmetic3A_1266 = arith.shrsi %xor3A_1262, %shift_right_arithmetic3A_1265 : i32
    %and3A_1267 = arith.constant 1 : i32
    %and3A_1268 = arith.andi %shift_right_arithmetic3A_1266, %and3A_1267 : i32
    %mul3A_1269 = arith.constant 27 : i32
    %mul3A_1270 = arith.muli %and3A_1268, %mul3A_1269 : i32
    %xor3A_1271 = arith.xori %shift_left3A_1264, %mul3A_1270 : i32
    %and3A_1272 = arith.constant 255 : i32
    %and3A_1273 = arith.andi %xor3A_1271, %and3A_1272 : i32
    %xor3A_1274 = arith.xori %xor3A_1261, %and3A_1273 : i32
    %xor3A_1275 = arith.xori %xor3A_1274, %xor3A_1064 : i32
    %xor3A_1276 = arith.xori %get3A_1093, %xor3A_1230 : i32
    %xor3A_1277 = arith.xori %get3A_1093, %get3A_1087 : i32
    %shift_left3A_1278 = arith.constant 1 : i32
    %shift_left3A_1279 = arith.shli %xor3A_1277, %shift_left3A_1278 : i32
    %shift_right_arithmetic3A_1280 = arith.constant 7 : i32
    %shift_right_arithmetic3A_1281 = arith.shrsi %xor3A_1277, %shift_right_arithmetic3A_1280 : i32
    %and3A_1282 = arith.constant 1 : i32
    %and3A_1283 = arith.andi %shift_right_arithmetic3A_1281, %and3A_1282 : i32
    %mul3A_1284 = arith.constant 27 : i32
    %mul3A_1285 = arith.muli %and3A_1283, %mul3A_1284 : i32
    %xor3A_1286 = arith.xori %shift_left3A_1279, %mul3A_1285 : i32
    %and3A_1287 = arith.constant 255 : i32
    %and3A_1288 = arith.andi %xor3A_1286, %and3A_1287 : i32
    %xor3A_1289 = arith.xori %xor3A_1276, %and3A_1288 : i32
    %xor3A_1290 = arith.xori %xor3A_1289, %xor3A_1065 : i32
    %xor3A_1291 = arith.xori %get3A_1095, %get3A_1097 : i32
    %xor3A_1292 = arith.xori %xor3A_1291, %get3A_1099 : i32
    %xor3A_1293 = arith.xori %xor3A_1292, %get3A_1101 : i32
    %xor3A_1294 = arith.xori %get3A_1095, %xor3A_1293 : i32
    %xor3A_1295 = arith.xori %get3A_1095, %get3A_1097 : i32
    %shift_left3A_1296 = arith.constant 1 : i32
    %shift_left3A_1297 = arith.shli %xor3A_1295, %shift_left3A_1296 : i32
    %shift_right_arithmetic3A_1298 = arith.constant 7 : i32
    %shift_right_arithmetic3A_1299 = arith.shrsi %xor3A_1295, %shift_right_arithmetic3A_1298 : i32
    %and3A_1300 = arith.constant 1 : i32
    %and3A_1301 = arith.andi %shift_right_arithmetic3A_1299, %and3A_1300 : i32
    %mul3A_1302 = arith.constant 27 : i32
    %mul3A_1303 = arith.muli %and3A_1301, %mul3A_1302 : i32
    %xor3A_1304 = arith.xori %shift_left3A_1297, %mul3A_1303 : i32
    %and3A_1305 = arith.constant 255 : i32
    %and3A_1306 = arith.andi %xor3A_1304, %and3A_1305 : i32
    %xor3A_1307 = arith.xori %xor3A_1294, %and3A_1306 : i32
    %xor3A_1308 = arith.xori %xor3A_1307, %xor3A_1066 : i32
    %xor3A_1309 = arith.xori %get3A_1097, %xor3A_1293 : i32
    %xor3A_1310 = arith.xori %get3A_1097, %get3A_1099 : i32
    %shift_left3A_1311 = arith.constant 1 : i32
    %shift_left3A_1312 = arith.shli %xor3A_1310, %shift_left3A_1311 : i32
    %shift_right_arithmetic3A_1313 = arith.constant 7 : i32
    %shift_right_arithmetic3A_1314 = arith.shrsi %xor3A_1310, %shift_right_arithmetic3A_1313 : i32
    %and3A_1315 = arith.constant 1 : i32
    %and3A_1316 = arith.andi %shift_right_arithmetic3A_1314, %and3A_1315 : i32
    %mul3A_1317 = arith.constant 27 : i32
    %mul3A_1318 = arith.muli %and3A_1316, %mul3A_1317 : i32
    %xor3A_1319 = arith.xori %shift_left3A_1312, %mul3A_1318 : i32
    %and3A_1320 = arith.constant 255 : i32
    %and3A_1321 = arith.andi %xor3A_1319, %and3A_1320 : i32
    %xor3A_1322 = arith.xori %xor3A_1309, %and3A_1321 : i32
    %xor3A_1323 = arith.xori %xor3A_1322, %xor3A_1067 : i32
    %xor3A_1324 = arith.xori %get3A_1099, %xor3A_1293 : i32
    %xor3A_1325 = arith.xori %get3A_1099, %get3A_1101 : i32
    %shift_left3A_1326 = arith.constant 1 : i32
    %shift_left3A_1327 = arith.shli %xor3A_1325, %shift_left3A_1326 : i32
    %shift_right_arithmetic3A_1328 = arith.constant 7 : i32
    %shift_right_arithmetic3A_1329 = arith.shrsi %xor3A_1325, %shift_right_arithmetic3A_1328 : i32
    %and3A_1330 = arith.constant 1 : i32
    %and3A_1331 = arith.andi %shift_right_arithmetic3A_1329, %and3A_1330 : i32
    %mul3A_1332 = arith.constant 27 : i32
    %mul3A_1333 = arith.muli %and3A_1331, %mul3A_1332 : i32
    %xor3A_1334 = arith.xori %shift_left3A_1327, %mul3A_1333 : i32
    %and3A_1335 = arith.constant 255 : i32
    %and3A_1336 = arith.andi %xor3A_1334, %and3A_1335 : i32
    %xor3A_1337 = arith.xori %xor3A_1324, %and3A_1336 : i32
    %xor3A_1338 = arith.xori %xor3A_1337, %xor3A_1068 : i32
    %xor3A_1339 = arith.xori %get3A_1101, %xor3A_1293 : i32
    %xor3A_1340 = arith.xori %get3A_1101, %get3A_1095 : i32
    %shift_left3A_1341 = arith.constant 1 : i32
    %shift_left3A_1342 = arith.shli %xor3A_1340, %shift_left3A_1341 : i32
    %shift_right_arithmetic3A_1343 = arith.constant 7 : i32
    %shift_right_arithmetic3A_1344 = arith.shrsi %xor3A_1340, %shift_right_arithmetic3A_1343 : i32
    %and3A_1345 = arith.constant 1 : i32
    %and3A_1346 = arith.andi %shift_right_arithmetic3A_1344, %and3A_1345 : i32
    %mul3A_1347 = arith.constant 27 : i32
    %mul3A_1348 = arith.muli %and3A_1346, %mul3A_1347 : i32
    %xor3A_1349 = arith.xori %shift_left3A_1342, %mul3A_1348 : i32
    %and3A_1350 = arith.constant 255 : i32
    %and3A_1351 = arith.andi %xor3A_1349, %and3A_1350 : i32
    %xor3A_1352 = arith.xori %xor3A_1339, %and3A_1351 : i32
    %xor3A_1353 = arith.xori %xor3A_1352, %xor3A_1069 : i32
    %get3A_1354 = arith.constant 4 : i32
    %get3A_1355 = arith.index_cast %get3A_1354 : i32 to index
    %get3A_1356 = memref.load %arg7[%get3A_1355] : memref<10xi32, #tpu.memory_space<smem>>
    %get3A_1357 = arith.index_cast %xor3A_1067 : i32 to index
    %get3A_1358 = memref.load %arg6[%get3A_1357] : memref<256xi32, #tpu.memory_space<smem>>
    %xor3A_1359 = arith.xori %get3A_1358, %get3A_1356 : i32
    %get3A_1360 = arith.index_cast %xor3A_1068 : i32 to index
    %get3A_1361 = memref.load %arg6[%get3A_1360] : memref<256xi32, #tpu.memory_space<smem>>
    %get3A_1362 = arith.index_cast %xor3A_1069 : i32 to index
    %get3A_1363 = memref.load %arg6[%get3A_1362] : memref<256xi32, #tpu.memory_space<smem>>
    %get3A_1364 = arith.index_cast %xor3A_1066 : i32 to index
    %get3A_1365 = memref.load %arg6[%get3A_1364] : memref<256xi32, #tpu.memory_space<smem>>
    %xor3A_1366 = arith.xori %xor3A_1054, %xor3A_1359 : i32
    %xor3A_1367 = arith.xori %xor3A_1055, %get3A_1361 : i32
    %xor3A_1368 = arith.xori %xor3A_1056, %get3A_1363 : i32
    %xor3A_1369 = arith.xori %xor3A_1057, %get3A_1365 : i32
    %xor3A_1370 = arith.xori %xor3A_1366, %xor3A_1058 : i32
    %xor3A_1371 = arith.xori %xor3A_1367, %xor3A_1059 : i32
    %xor3A_1372 = arith.xori %xor3A_1368, %xor3A_1060 : i32
    %xor3A_1373 = arith.xori %xor3A_1369, %xor3A_1061 : i32
    %xor3A_1374 = arith.xori %xor3A_1370, %xor3A_1062 : i32
    %xor3A_1375 = arith.xori %xor3A_1371, %xor3A_1063 : i32
    %xor3A_1376 = arith.xori %xor3A_1372, %xor3A_1064 : i32
    %xor3A_1377 = arith.xori %xor3A_1373, %xor3A_1065 : i32
    %xor3A_1378 = arith.xori %xor3A_1374, %xor3A_1066 : i32
    %xor3A_1379 = arith.xori %xor3A_1375, %xor3A_1067 : i32
    %xor3A_1380 = arith.xori %xor3A_1376, %xor3A_1068 : i32
    %xor3A_1381 = arith.xori %xor3A_1377, %xor3A_1069 : i32
    %get3A_1382 = arith.index_cast %xor3A_1119 : i32 to index
    %get3A_1383 = memref.load %arg6[%get3A_1382] : memref<256xi32, #tpu.memory_space<smem>>
    %get3A_1384 = arith.index_cast %xor3A_1197 : i32 to index
    %get3A_1385 = memref.load %arg6[%get3A_1384] : memref<256xi32, #tpu.memory_space<smem>>
    %get3A_1386 = arith.index_cast %xor3A_1275 : i32 to index
    %get3A_1387 = memref.load %arg6[%get3A_1386] : memref<256xi32, #tpu.memory_space<smem>>
    %get3A_1388 = arith.index_cast %xor3A_1353 : i32 to index
    %get3A_1389 = memref.load %arg6[%get3A_1388] : memref<256xi32, #tpu.memory_space<smem>>
    %get3A_1390 = arith.index_cast %xor3A_1182 : i32 to index
    %get3A_1391 = memref.load %arg6[%get3A_1390] : memref<256xi32, #tpu.memory_space<smem>>
    %get3A_1392 = arith.index_cast %xor3A_1260 : i32 to index
    %get3A_1393 = memref.load %arg6[%get3A_1392] : memref<256xi32, #tpu.memory_space<smem>>
    %get3A_1394 = arith.index_cast %xor3A_1338 : i32 to index
    %get3A_1395 = memref.load %arg6[%get3A_1394] : memref<256xi32, #tpu.memory_space<smem>>
    %get3A_1396 = arith.index_cast %xor3A_1164 : i32 to index
    %get3A_1397 = memref.load %arg6[%get3A_1396] : memref<256xi32, #tpu.memory_space<smem>>
    %get3A_1398 = arith.index_cast %xor3A_1245 : i32 to index
    %get3A_1399 = memref.load %arg6[%get3A_1398] : memref<256xi32, #tpu.memory_space<smem>>
    %get3A_1400 = arith.index_cast %xor3A_1323 : i32 to index
    %get3A_1401 = memref.load %arg6[%get3A_1400] : memref<256xi32, #tpu.memory_space<smem>>
    %get3A_1402 = arith.index_cast %xor3A_1149 : i32 to index
    %get3A_1403 = memref.load %arg6[%get3A_1402] : memref<256xi32, #tpu.memory_space<smem>>
    %get3A_1404 = arith.index_cast %xor3A_1227 : i32 to index
    %get3A_1405 = memref.load %arg6[%get3A_1404] : memref<256xi32, #tpu.memory_space<smem>>
    %get3A_1406 = arith.index_cast %xor3A_1308 : i32 to index
    %get3A_1407 = memref.load %arg6[%get3A_1406] : memref<256xi32, #tpu.memory_space<smem>>
    %get3A_1408 = arith.index_cast %xor3A_1134 : i32 to index
    %get3A_1409 = memref.load %arg6[%get3A_1408] : memref<256xi32, #tpu.memory_space<smem>>
    %get3A_1410 = arith.index_cast %xor3A_1212 : i32 to index
    %get3A_1411 = memref.load %arg6[%get3A_1410] : memref<256xi32, #tpu.memory_space<smem>>
    %get3A_1412 = arith.index_cast %xor3A_1290 : i32 to index
    %get3A_1413 = memref.load %arg6[%get3A_1412] : memref<256xi32, #tpu.memory_space<smem>>
    %xor3A_1414 = arith.xori %get3A_1383, %get3A_1385 : i32
    %xor3A_1415 = arith.xori %xor3A_1414, %get3A_1387 : i32
    %xor3A_1416 = arith.xori %xor3A_1415, %get3A_1389 : i32
    %xor3A_1417 = arith.xori %get3A_1383, %xor3A_1416 : i32
    %xor3A_1418 = arith.xori %get3A_1383, %get3A_1385 : i32
    %shift_left3A_1419 = arith.constant 1 : i32
    %shift_left3A_1420 = arith.shli %xor3A_1418, %shift_left3A_1419 : i32
    %shift_right_arithmetic3A_1421 = arith.constant 7 : i32
    %shift_right_arithmetic3A_1422 = arith.shrsi %xor3A_1418, %shift_right_arithmetic3A_1421 : i32
    %and3A_1423 = arith.constant 1 : i32
    %and3A_1424 = arith.andi %shift_right_arithmetic3A_1422, %and3A_1423 : i32
    %mul3A_1425 = arith.constant 27 : i32
    %mul3A_1426 = arith.muli %and3A_1424, %mul3A_1425 : i32
    %xor3A_1427 = arith.xori %shift_left3A_1420, %mul3A_1426 : i32
    %and3A_1428 = arith.constant 255 : i32
    %and3A_1429 = arith.andi %xor3A_1427, %and3A_1428 : i32
    %xor3A_1430 = arith.xori %xor3A_1417, %and3A_1429 : i32
    %xor3A_1431 = arith.xori %xor3A_1430, %xor3A_1366 : i32
    %xor3A_1432 = arith.xori %get3A_1385, %xor3A_1416 : i32
    %xor3A_1433 = arith.xori %get3A_1385, %get3A_1387 : i32
    %shift_left3A_1434 = arith.constant 1 : i32
    %shift_left3A_1435 = arith.shli %xor3A_1433, %shift_left3A_1434 : i32
    %shift_right_arithmetic3A_1436 = arith.constant 7 : i32
    %shift_right_arithmetic3A_1437 = arith.shrsi %xor3A_1433, %shift_right_arithmetic3A_1436 : i32
    %and3A_1438 = arith.constant 1 : i32
    %and3A_1439 = arith.andi %shift_right_arithmetic3A_1437, %and3A_1438 : i32
    %mul3A_1440 = arith.constant 27 : i32
    %mul3A_1441 = arith.muli %and3A_1439, %mul3A_1440 : i32
    %xor3A_1442 = arith.xori %shift_left3A_1435, %mul3A_1441 : i32
    %and3A_1443 = arith.constant 255 : i32
    %and3A_1444 = arith.andi %xor3A_1442, %and3A_1443 : i32
    %xor3A_1445 = arith.xori %xor3A_1432, %and3A_1444 : i32
    %xor3A_1446 = arith.xori %xor3A_1445, %xor3A_1367 : i32
    %xor3A_1447 = arith.xori %get3A_1387, %xor3A_1416 : i32
    %xor3A_1448 = arith.xori %get3A_1387, %get3A_1389 : i32
    %shift_left3A_1449 = arith.constant 1 : i32
    %shift_left3A_1450 = arith.shli %xor3A_1448, %shift_left3A_1449 : i32
    %shift_right_arithmetic3A_1451 = arith.constant 7 : i32
    %shift_right_arithmetic3A_1452 = arith.shrsi %xor3A_1448, %shift_right_arithmetic3A_1451 : i32
    %and3A_1453 = arith.constant 1 : i32
    %and3A_1454 = arith.andi %shift_right_arithmetic3A_1452, %and3A_1453 : i32
    %mul3A_1455 = arith.constant 27 : i32
    %mul3A_1456 = arith.muli %and3A_1454, %mul3A_1455 : i32
    %xor3A_1457 = arith.xori %shift_left3A_1450, %mul3A_1456 : i32
    %and3A_1458 = arith.constant 255 : i32
    %and3A_1459 = arith.andi %xor3A_1457, %and3A_1458 : i32
    %xor3A_1460 = arith.xori %xor3A_1447, %and3A_1459 : i32
    %xor3A_1461 = arith.xori %xor3A_1460, %xor3A_1368 : i32
    %xor3A_1462 = arith.xori %get3A_1389, %xor3A_1416 : i32
    %xor3A_1463 = arith.xori %get3A_1389, %get3A_1383 : i32
    %shift_left3A_1464 = arith.constant 1 : i32
    %shift_left3A_1465 = arith.shli %xor3A_1463, %shift_left3A_1464 : i32
    %shift_right_arithmetic3A_1466 = arith.constant 7 : i32
    %shift_right_arithmetic3A_1467 = arith.shrsi %xor3A_1463, %shift_right_arithmetic3A_1466 : i32
    %and3A_1468 = arith.constant 1 : i32
    %and3A_1469 = arith.andi %shift_right_arithmetic3A_1467, %and3A_1468 : i32
    %mul3A_1470 = arith.constant 27 : i32
    %mul3A_1471 = arith.muli %and3A_1469, %mul3A_1470 : i32
    %xor3A_1472 = arith.xori %shift_left3A_1465, %mul3A_1471 : i32
    %and3A_1473 = arith.constant 255 : i32
    %and3A_1474 = arith.andi %xor3A_1472, %and3A_1473 : i32
    %xor3A_1475 = arith.xori %xor3A_1462, %and3A_1474 : i32
    %xor3A_1476 = arith.xori %xor3A_1475, %xor3A_1369 : i32
    %xor3A_1477 = arith.xori %get3A_1391, %get3A_1393 : i32
    %xor3A_1478 = arith.xori %xor3A_1477, %get3A_1395 : i32
    %xor3A_1479 = arith.xori %xor3A_1478, %get3A_1397 : i32
    %xor3A_1480 = arith.xori %get3A_1391, %xor3A_1479 : i32
    %xor3A_1481 = arith.xori %get3A_1391, %get3A_1393 : i32
    %shift_left3A_1482 = arith.constant 1 : i32
    %shift_left3A_1483 = arith.shli %xor3A_1481, %shift_left3A_1482 : i32
    %shift_right_arithmetic3A_1484 = arith.constant 7 : i32
    %shift_right_arithmetic3A_1485 = arith.shrsi %xor3A_1481, %shift_right_arithmetic3A_1484 : i32
    %and3A_1486 = arith.constant 1 : i32
    %and3A_1487 = arith.andi %shift_right_arithmetic3A_1485, %and3A_1486 : i32
    %mul3A_1488 = arith.constant 27 : i32
    %mul3A_1489 = arith.muli %and3A_1487, %mul3A_1488 : i32
    %xor3A_1490 = arith.xori %shift_left3A_1483, %mul3A_1489 : i32
    %and3A_1491 = arith.constant 255 : i32
    %and3A_1492 = arith.andi %xor3A_1490, %and3A_1491 : i32
    %xor3A_1493 = arith.xori %xor3A_1480, %and3A_1492 : i32
    %xor3A_1494 = arith.xori %xor3A_1493, %xor3A_1370 : i32
    %xor3A_1495 = arith.xori %get3A_1393, %xor3A_1479 : i32
    %xor3A_1496 = arith.xori %get3A_1393, %get3A_1395 : i32
    %shift_left3A_1497 = arith.constant 1 : i32
    %shift_left3A_1498 = arith.shli %xor3A_1496, %shift_left3A_1497 : i32
    %shift_right_arithmetic3A_1499 = arith.constant 7 : i32
    %shift_right_arithmetic3A_1500 = arith.shrsi %xor3A_1496, %shift_right_arithmetic3A_1499 : i32
    %and3A_1501 = arith.constant 1 : i32
    %and3A_1502 = arith.andi %shift_right_arithmetic3A_1500, %and3A_1501 : i32
    %mul3A_1503 = arith.constant 27 : i32
    %mul3A_1504 = arith.muli %and3A_1502, %mul3A_1503 : i32
    %xor3A_1505 = arith.xori %shift_left3A_1498, %mul3A_1504 : i32
    %and3A_1506 = arith.constant 255 : i32
    %and3A_1507 = arith.andi %xor3A_1505, %and3A_1506 : i32
    %xor3A_1508 = arith.xori %xor3A_1495, %and3A_1507 : i32
    %xor3A_1509 = arith.xori %xor3A_1508, %xor3A_1371 : i32
    %xor3A_1510 = arith.xori %get3A_1395, %xor3A_1479 : i32
    %xor3A_1511 = arith.xori %get3A_1395, %get3A_1397 : i32
    %shift_left3A_1512 = arith.constant 1 : i32
    %shift_left3A_1513 = arith.shli %xor3A_1511, %shift_left3A_1512 : i32
    %shift_right_arithmetic3A_1514 = arith.constant 7 : i32
    %shift_right_arithmetic3A_1515 = arith.shrsi %xor3A_1511, %shift_right_arithmetic3A_1514 : i32
    %and3A_1516 = arith.constant 1 : i32
    %and3A_1517 = arith.andi %shift_right_arithmetic3A_1515, %and3A_1516 : i32
    %mul3A_1518 = arith.constant 27 : i32
    %mul3A_1519 = arith.muli %and3A_1517, %mul3A_1518 : i32
    %xor3A_1520 = arith.xori %shift_left3A_1513, %mul3A_1519 : i32
    %and3A_1521 = arith.constant 255 : i32
    %and3A_1522 = arith.andi %xor3A_1520, %and3A_1521 : i32
    %xor3A_1523 = arith.xori %xor3A_1510, %and3A_1522 : i32
    %xor3A_1524 = arith.xori %xor3A_1523, %xor3A_1372 : i32
    %xor3A_1525 = arith.xori %get3A_1397, %xor3A_1479 : i32
    %xor3A_1526 = arith.xori %get3A_1397, %get3A_1391 : i32
    %shift_left3A_1527 = arith.constant 1 : i32
    %shift_left3A_1528 = arith.shli %xor3A_1526, %shift_left3A_1527 : i32
    %shift_right_arithmetic3A_1529 = arith.constant 7 : i32
    %shift_right_arithmetic3A_1530 = arith.shrsi %xor3A_1526, %shift_right_arithmetic3A_1529 : i32
    %and3A_1531 = arith.constant 1 : i32
    %and3A_1532 = arith.andi %shift_right_arithmetic3A_1530, %and3A_1531 : i32
    %mul3A_1533 = arith.constant 27 : i32
    %mul3A_1534 = arith.muli %and3A_1532, %mul3A_1533 : i32
    %xor3A_1535 = arith.xori %shift_left3A_1528, %mul3A_1534 : i32
    %and3A_1536 = arith.constant 255 : i32
    %and3A_1537 = arith.andi %xor3A_1535, %and3A_1536 : i32
    %xor3A_1538 = arith.xori %xor3A_1525, %and3A_1537 : i32
    %xor3A_1539 = arith.xori %xor3A_1538, %xor3A_1373 : i32
    %xor3A_1540 = arith.xori %get3A_1399, %get3A_1401 : i32
    %xor3A_1541 = arith.xori %xor3A_1540, %get3A_1403 : i32
    %xor3A_1542 = arith.xori %xor3A_1541, %get3A_1405 : i32
    %xor3A_1543 = arith.xori %get3A_1399, %xor3A_1542 : i32
    %xor3A_1544 = arith.xori %get3A_1399, %get3A_1401 : i32
    %shift_left3A_1545 = arith.constant 1 : i32
    %shift_left3A_1546 = arith.shli %xor3A_1544, %shift_left3A_1545 : i32
    %shift_right_arithmetic3A_1547 = arith.constant 7 : i32
    %shift_right_arithmetic3A_1548 = arith.shrsi %xor3A_1544, %shift_right_arithmetic3A_1547 : i32
    %and3A_1549 = arith.constant 1 : i32
    %and3A_1550 = arith.andi %shift_right_arithmetic3A_1548, %and3A_1549 : i32
    %mul3A_1551 = arith.constant 27 : i32
    %mul3A_1552 = arith.muli %and3A_1550, %mul3A_1551 : i32
    %xor3A_1553 = arith.xori %shift_left3A_1546, %mul3A_1552 : i32
    %and3A_1554 = arith.constant 255 : i32
    %and3A_1555 = arith.andi %xor3A_1553, %and3A_1554 : i32
    %xor3A_1556 = arith.xori %xor3A_1543, %and3A_1555 : i32
    %xor3A_1557 = arith.xori %xor3A_1556, %xor3A_1374 : i32
    %xor3A_1558 = arith.xori %get3A_1401, %xor3A_1542 : i32
    %xor3A_1559 = arith.xori %get3A_1401, %get3A_1403 : i32
    %shift_left3A_1560 = arith.constant 1 : i32
    %shift_left3A_1561 = arith.shli %xor3A_1559, %shift_left3A_1560 : i32
    %shift_right_arithmetic3A_1562 = arith.constant 7 : i32
    %shift_right_arithmetic3A_1563 = arith.shrsi %xor3A_1559, %shift_right_arithmetic3A_1562 : i32
    %and3A_1564 = arith.constant 1 : i32
    %and3A_1565 = arith.andi %shift_right_arithmetic3A_1563, %and3A_1564 : i32
    %mul3A_1566 = arith.constant 27 : i32
    %mul3A_1567 = arith.muli %and3A_1565, %mul3A_1566 : i32
    %xor3A_1568 = arith.xori %shift_left3A_1561, %mul3A_1567 : i32
    %and3A_1569 = arith.constant 255 : i32
    %and3A_1570 = arith.andi %xor3A_1568, %and3A_1569 : i32
    %xor3A_1571 = arith.xori %xor3A_1558, %and3A_1570 : i32
    %xor3A_1572 = arith.xori %xor3A_1571, %xor3A_1375 : i32
    %xor3A_1573 = arith.xori %get3A_1403, %xor3A_1542 : i32
    %xor3A_1574 = arith.xori %get3A_1403, %get3A_1405 : i32
    %shift_left3A_1575 = arith.constant 1 : i32
    %shift_left3A_1576 = arith.shli %xor3A_1574, %shift_left3A_1575 : i32
    %shift_right_arithmetic3A_1577 = arith.constant 7 : i32
    %shift_right_arithmetic3A_1578 = arith.shrsi %xor3A_1574, %shift_right_arithmetic3A_1577 : i32
    %and3A_1579 = arith.constant 1 : i32
    %and3A_1580 = arith.andi %shift_right_arithmetic3A_1578, %and3A_1579 : i32
    %mul3A_1581 = arith.constant 27 : i32
    %mul3A_1582 = arith.muli %and3A_1580, %mul3A_1581 : i32
    %xor3A_1583 = arith.xori %shift_left3A_1576, %mul3A_1582 : i32
    %and3A_1584 = arith.constant 255 : i32
    %and3A_1585 = arith.andi %xor3A_1583, %and3A_1584 : i32
    %xor3A_1586 = arith.xori %xor3A_1573, %and3A_1585 : i32
    %xor3A_1587 = arith.xori %xor3A_1586, %xor3A_1376 : i32
    %xor3A_1588 = arith.xori %get3A_1405, %xor3A_1542 : i32
    %xor3A_1589 = arith.xori %get3A_1405, %get3A_1399 : i32
    %shift_left3A_1590 = arith.constant 1 : i32
    %shift_left3A_1591 = arith.shli %xor3A_1589, %shift_left3A_1590 : i32
    %shift_right_arithmetic3A_1592 = arith.constant 7 : i32
    %shift_right_arithmetic3A_1593 = arith.shrsi %xor3A_1589, %shift_right_arithmetic3A_1592 : i32
    %and3A_1594 = arith.constant 1 : i32
    %and3A_1595 = arith.andi %shift_right_arithmetic3A_1593, %and3A_1594 : i32
    %mul3A_1596 = arith.constant 27 : i32
    %mul3A_1597 = arith.muli %and3A_1595, %mul3A_1596 : i32
    %xor3A_1598 = arith.xori %shift_left3A_1591, %mul3A_1597 : i32
    %and3A_1599 = arith.constant 255 : i32
    %and3A_1600 = arith.andi %xor3A_1598, %and3A_1599 : i32
    %xor3A_1601 = arith.xori %xor3A_1588, %and3A_1600 : i32
    %xor3A_1602 = arith.xori %xor3A_1601, %xor3A_1377 : i32
    %xor3A_1603 = arith.xori %get3A_1407, %get3A_1409 : i32
    %xor3A_1604 = arith.xori %xor3A_1603, %get3A_1411 : i32
    %xor3A_1605 = arith.xori %xor3A_1604, %get3A_1413 : i32
    %xor3A_1606 = arith.xori %get3A_1407, %xor3A_1605 : i32
    %xor3A_1607 = arith.xori %get3A_1407, %get3A_1409 : i32
    %shift_left3A_1608 = arith.constant 1 : i32
    %shift_left3A_1609 = arith.shli %xor3A_1607, %shift_left3A_1608 : i32
    %shift_right_arithmetic3A_1610 = arith.constant 7 : i32
    %shift_right_arithmetic3A_1611 = arith.shrsi %xor3A_1607, %shift_right_arithmetic3A_1610 : i32
    %and3A_1612 = arith.constant 1 : i32
    %and3A_1613 = arith.andi %shift_right_arithmetic3A_1611, %and3A_1612 : i32
    %mul3A_1614 = arith.constant 27 : i32
    %mul3A_1615 = arith.muli %and3A_1613, %mul3A_1614 : i32
    %xor3A_1616 = arith.xori %shift_left3A_1609, %mul3A_1615 : i32
    %and3A_1617 = arith.constant 255 : i32
    %and3A_1618 = arith.andi %xor3A_1616, %and3A_1617 : i32
    %xor3A_1619 = arith.xori %xor3A_1606, %and3A_1618 : i32
    %xor3A_1620 = arith.xori %xor3A_1619, %xor3A_1378 : i32
    %xor3A_1621 = arith.xori %get3A_1409, %xor3A_1605 : i32
    %xor3A_1622 = arith.xori %get3A_1409, %get3A_1411 : i32
    %shift_left3A_1623 = arith.constant 1 : i32
    %shift_left3A_1624 = arith.shli %xor3A_1622, %shift_left3A_1623 : i32
    %shift_right_arithmetic3A_1625 = arith.constant 7 : i32
    %shift_right_arithmetic3A_1626 = arith.shrsi %xor3A_1622, %shift_right_arithmetic3A_1625 : i32
    %and3A_1627 = arith.constant 1 : i32
    %and3A_1628 = arith.andi %shift_right_arithmetic3A_1626, %and3A_1627 : i32
    %mul3A_1629 = arith.constant 27 : i32
    %mul3A_1630 = arith.muli %and3A_1628, %mul3A_1629 : i32
    %xor3A_1631 = arith.xori %shift_left3A_1624, %mul3A_1630 : i32
    %and3A_1632 = arith.constant 255 : i32
    %and3A_1633 = arith.andi %xor3A_1631, %and3A_1632 : i32
    %xor3A_1634 = arith.xori %xor3A_1621, %and3A_1633 : i32
    %xor3A_1635 = arith.xori %xor3A_1634, %xor3A_1379 : i32
    %xor3A_1636 = arith.xori %get3A_1411, %xor3A_1605 : i32
    %xor3A_1637 = arith.xori %get3A_1411, %get3A_1413 : i32
    %shift_left3A_1638 = arith.constant 1 : i32
    %shift_left3A_1639 = arith.shli %xor3A_1637, %shift_left3A_1638 : i32
    %shift_right_arithmetic3A_1640 = arith.constant 7 : i32
    %shift_right_arithmetic3A_1641 = arith.shrsi %xor3A_1637, %shift_right_arithmetic3A_1640 : i32
    %and3A_1642 = arith.constant 1 : i32
    %and3A_1643 = arith.andi %shift_right_arithmetic3A_1641, %and3A_1642 : i32
    %mul3A_1644 = arith.constant 27 : i32
    %mul3A_1645 = arith.muli %and3A_1643, %mul3A_1644 : i32
    %xor3A_1646 = arith.xori %shift_left3A_1639, %mul3A_1645 : i32
    %and3A_1647 = arith.constant 255 : i32
    %and3A_1648 = arith.andi %xor3A_1646, %and3A_1647 : i32
    %xor3A_1649 = arith.xori %xor3A_1636, %and3A_1648 : i32
    %xor3A_1650 = arith.xori %xor3A_1649, %xor3A_1380 : i32
    %xor3A_1651 = arith.xori %get3A_1413, %xor3A_1605 : i32
    %xor3A_1652 = arith.xori %get3A_1413, %get3A_1407 : i32
    %shift_left3A_1653 = arith.constant 1 : i32
    %shift_left3A_1654 = arith.shli %xor3A_1652, %shift_left3A_1653 : i32
    %shift_right_arithmetic3A_1655 = arith.constant 7 : i32
    %shift_right_arithmetic3A_1656 = arith.shrsi %xor3A_1652, %shift_right_arithmetic3A_1655 : i32
    %and3A_1657 = arith.constant 1 : i32
    %and3A_1658 = arith.andi %shift_right_arithmetic3A_1656, %and3A_1657 : i32
    %mul3A_1659 = arith.constant 27 : i32
    %mul3A_1660 = arith.muli %and3A_1658, %mul3A_1659 : i32
    %xor3A_1661 = arith.xori %shift_left3A_1654, %mul3A_1660 : i32
    %and3A_1662 = arith.constant 255 : i32
    %and3A_1663 = arith.andi %xor3A_1661, %and3A_1662 : i32
    %xor3A_1664 = arith.xori %xor3A_1651, %and3A_1663 : i32
    %xor3A_1665 = arith.xori %xor3A_1664, %xor3A_1381 : i32
    %get3A_1666 = arith.constant 5 : i32
    %get3A_1667 = arith.index_cast %get3A_1666 : i32 to index
    %get3A_1668 = memref.load %arg7[%get3A_1667] : memref<10xi32, #tpu.memory_space<smem>>
    %get3A_1669 = arith.index_cast %xor3A_1379 : i32 to index
    %get3A_1670 = memref.load %arg6[%get3A_1669] : memref<256xi32, #tpu.memory_space<smem>>
    %xor3A_1671 = arith.xori %get3A_1670, %get3A_1668 : i32
    %get3A_1672 = arith.index_cast %xor3A_1380 : i32 to index
    %get3A_1673 = memref.load %arg6[%get3A_1672] : memref<256xi32, #tpu.memory_space<smem>>
    %get3A_1674 = arith.index_cast %xor3A_1381 : i32 to index
    %get3A_1675 = memref.load %arg6[%get3A_1674] : memref<256xi32, #tpu.memory_space<smem>>
    %get3A_1676 = arith.index_cast %xor3A_1378 : i32 to index
    %get3A_1677 = memref.load %arg6[%get3A_1676] : memref<256xi32, #tpu.memory_space<smem>>
    %xor3A_1678 = arith.xori %xor3A_1366, %xor3A_1671 : i32
    %xor3A_1679 = arith.xori %xor3A_1367, %get3A_1673 : i32
    %xor3A_1680 = arith.xori %xor3A_1368, %get3A_1675 : i32
    %xor3A_1681 = arith.xori %xor3A_1369, %get3A_1677 : i32
    %xor3A_1682 = arith.xori %xor3A_1678, %xor3A_1370 : i32
    %xor3A_1683 = arith.xori %xor3A_1679, %xor3A_1371 : i32
    %xor3A_1684 = arith.xori %xor3A_1680, %xor3A_1372 : i32
    %xor3A_1685 = arith.xori %xor3A_1681, %xor3A_1373 : i32
    %xor3A_1686 = arith.xori %xor3A_1682, %xor3A_1374 : i32
    %xor3A_1687 = arith.xori %xor3A_1683, %xor3A_1375 : i32
    %xor3A_1688 = arith.xori %xor3A_1684, %xor3A_1376 : i32
    %xor3A_1689 = arith.xori %xor3A_1685, %xor3A_1377 : i32
    %xor3A_1690 = arith.xori %xor3A_1686, %xor3A_1378 : i32
    %xor3A_1691 = arith.xori %xor3A_1687, %xor3A_1379 : i32
    %xor3A_1692 = arith.xori %xor3A_1688, %xor3A_1380 : i32
    %xor3A_1693 = arith.xori %xor3A_1689, %xor3A_1381 : i32
    %get3A_1694 = arith.index_cast %xor3A_1431 : i32 to index
    %get3A_1695 = memref.load %arg6[%get3A_1694] : memref<256xi32, #tpu.memory_space<smem>>
    %get3A_1696 = arith.index_cast %xor3A_1509 : i32 to index
    %get3A_1697 = memref.load %arg6[%get3A_1696] : memref<256xi32, #tpu.memory_space<smem>>
    %get3A_1698 = arith.index_cast %xor3A_1587 : i32 to index
    %get3A_1699 = memref.load %arg6[%get3A_1698] : memref<256xi32, #tpu.memory_space<smem>>
    %get3A_1700 = arith.index_cast %xor3A_1665 : i32 to index
    %get3A_1701 = memref.load %arg6[%get3A_1700] : memref<256xi32, #tpu.memory_space<smem>>
    %get3A_1702 = arith.index_cast %xor3A_1494 : i32 to index
    %get3A_1703 = memref.load %arg6[%get3A_1702] : memref<256xi32, #tpu.memory_space<smem>>
    %get3A_1704 = arith.index_cast %xor3A_1572 : i32 to index
    %get3A_1705 = memref.load %arg6[%get3A_1704] : memref<256xi32, #tpu.memory_space<smem>>
    %get3A_1706 = arith.index_cast %xor3A_1650 : i32 to index
    %get3A_1707 = memref.load %arg6[%get3A_1706] : memref<256xi32, #tpu.memory_space<smem>>
    %get3A_1708 = arith.index_cast %xor3A_1476 : i32 to index
    %get3A_1709 = memref.load %arg6[%get3A_1708] : memref<256xi32, #tpu.memory_space<smem>>
    %get3A_1710 = arith.index_cast %xor3A_1557 : i32 to index
    %get3A_1711 = memref.load %arg6[%get3A_1710] : memref<256xi32, #tpu.memory_space<smem>>
    %get3A_1712 = arith.index_cast %xor3A_1635 : i32 to index
    %get3A_1713 = memref.load %arg6[%get3A_1712] : memref<256xi32, #tpu.memory_space<smem>>
    %get3A_1714 = arith.index_cast %xor3A_1461 : i32 to index
    %get3A_1715 = memref.load %arg6[%get3A_1714] : memref<256xi32, #tpu.memory_space<smem>>
    %get3A_1716 = arith.index_cast %xor3A_1539 : i32 to index
    %get3A_1717 = memref.load %arg6[%get3A_1716] : memref<256xi32, #tpu.memory_space<smem>>
    %get3A_1718 = arith.index_cast %xor3A_1620 : i32 to index
    %get3A_1719 = memref.load %arg6[%get3A_1718] : memref<256xi32, #tpu.memory_space<smem>>
    %get3A_1720 = arith.index_cast %xor3A_1446 : i32 to index
    %get3A_1721 = memref.load %arg6[%get3A_1720] : memref<256xi32, #tpu.memory_space<smem>>
    %get3A_1722 = arith.index_cast %xor3A_1524 : i32 to index
    %get3A_1723 = memref.load %arg6[%get3A_1722] : memref<256xi32, #tpu.memory_space<smem>>
    %get3A_1724 = arith.index_cast %xor3A_1602 : i32 to index
    %get3A_1725 = memref.load %arg6[%get3A_1724] : memref<256xi32, #tpu.memory_space<smem>>
    %xor3A_1726 = arith.xori %get3A_1695, %get3A_1697 : i32
    %xor3A_1727 = arith.xori %xor3A_1726, %get3A_1699 : i32
    %xor3A_1728 = arith.xori %xor3A_1727, %get3A_1701 : i32
    %xor3A_1729 = arith.xori %get3A_1695, %xor3A_1728 : i32
    %xor3A_1730 = arith.xori %get3A_1695, %get3A_1697 : i32
    %shift_left3A_1731 = arith.constant 1 : i32
    %shift_left3A_1732 = arith.shli %xor3A_1730, %shift_left3A_1731 : i32
    %shift_right_arithmetic3A_1733 = arith.constant 7 : i32
    %shift_right_arithmetic3A_1734 = arith.shrsi %xor3A_1730, %shift_right_arithmetic3A_1733 : i32
    %and3A_1735 = arith.constant 1 : i32
    %and3A_1736 = arith.andi %shift_right_arithmetic3A_1734, %and3A_1735 : i32
    %mul3A_1737 = arith.constant 27 : i32
    %mul3A_1738 = arith.muli %and3A_1736, %mul3A_1737 : i32
    %xor3A_1739 = arith.xori %shift_left3A_1732, %mul3A_1738 : i32
    %and3A_1740 = arith.constant 255 : i32
    %and3A_1741 = arith.andi %xor3A_1739, %and3A_1740 : i32
    %xor3A_1742 = arith.xori %xor3A_1729, %and3A_1741 : i32
    %xor3A_1743 = arith.xori %xor3A_1742, %xor3A_1678 : i32
    %xor3A_1744 = arith.xori %get3A_1697, %xor3A_1728 : i32
    %xor3A_1745 = arith.xori %get3A_1697, %get3A_1699 : i32
    %shift_left3A_1746 = arith.constant 1 : i32
    %shift_left3A_1747 = arith.shli %xor3A_1745, %shift_left3A_1746 : i32
    %shift_right_arithmetic3A_1748 = arith.constant 7 : i32
    %shift_right_arithmetic3A_1749 = arith.shrsi %xor3A_1745, %shift_right_arithmetic3A_1748 : i32
    %and3A_1750 = arith.constant 1 : i32
    %and3A_1751 = arith.andi %shift_right_arithmetic3A_1749, %and3A_1750 : i32
    %mul3A_1752 = arith.constant 27 : i32
    %mul3A_1753 = arith.muli %and3A_1751, %mul3A_1752 : i32
    %xor3A_1754 = arith.xori %shift_left3A_1747, %mul3A_1753 : i32
    %and3A_1755 = arith.constant 255 : i32
    %and3A_1756 = arith.andi %xor3A_1754, %and3A_1755 : i32
    %xor3A_1757 = arith.xori %xor3A_1744, %and3A_1756 : i32
    %xor3A_1758 = arith.xori %xor3A_1757, %xor3A_1679 : i32
    %xor3A_1759 = arith.xori %get3A_1699, %xor3A_1728 : i32
    %xor3A_1760 = arith.xori %get3A_1699, %get3A_1701 : i32
    %shift_left3A_1761 = arith.constant 1 : i32
    %shift_left3A_1762 = arith.shli %xor3A_1760, %shift_left3A_1761 : i32
    %shift_right_arithmetic3A_1763 = arith.constant 7 : i32
    %shift_right_arithmetic3A_1764 = arith.shrsi %xor3A_1760, %shift_right_arithmetic3A_1763 : i32
    %and3A_1765 = arith.constant 1 : i32
    %and3A_1766 = arith.andi %shift_right_arithmetic3A_1764, %and3A_1765 : i32
    %mul3A_1767 = arith.constant 27 : i32
    %mul3A_1768 = arith.muli %and3A_1766, %mul3A_1767 : i32
    %xor3A_1769 = arith.xori %shift_left3A_1762, %mul3A_1768 : i32
    %and3A_1770 = arith.constant 255 : i32
    %and3A_1771 = arith.andi %xor3A_1769, %and3A_1770 : i32
    %xor3A_1772 = arith.xori %xor3A_1759, %and3A_1771 : i32
    %xor3A_1773 = arith.xori %xor3A_1772, %xor3A_1680 : i32
    %xor3A_1774 = arith.xori %get3A_1701, %xor3A_1728 : i32
    %xor3A_1775 = arith.xori %get3A_1701, %get3A_1695 : i32
    %shift_left3A_1776 = arith.constant 1 : i32
    %shift_left3A_1777 = arith.shli %xor3A_1775, %shift_left3A_1776 : i32
    %shift_right_arithmetic3A_1778 = arith.constant 7 : i32
    %shift_right_arithmetic3A_1779 = arith.shrsi %xor3A_1775, %shift_right_arithmetic3A_1778 : i32
    %and3A_1780 = arith.constant 1 : i32
    %and3A_1781 = arith.andi %shift_right_arithmetic3A_1779, %and3A_1780 : i32
    %mul3A_1782 = arith.constant 27 : i32
    %mul3A_1783 = arith.muli %and3A_1781, %mul3A_1782 : i32
    %xor3A_1784 = arith.xori %shift_left3A_1777, %mul3A_1783 : i32
    %and3A_1785 = arith.constant 255 : i32
    %and3A_1786 = arith.andi %xor3A_1784, %and3A_1785 : i32
    %xor3A_1787 = arith.xori %xor3A_1774, %and3A_1786 : i32
    %xor3A_1788 = arith.xori %xor3A_1787, %xor3A_1681 : i32
    %xor3A_1789 = arith.xori %get3A_1703, %get3A_1705 : i32
    %xor3A_1790 = arith.xori %xor3A_1789, %get3A_1707 : i32
    %xor3A_1791 = arith.xori %xor3A_1790, %get3A_1709 : i32
    %xor3A_1792 = arith.xori %get3A_1703, %xor3A_1791 : i32
    %xor3A_1793 = arith.xori %get3A_1703, %get3A_1705 : i32
    %shift_left3A_1794 = arith.constant 1 : i32
    %shift_left3A_1795 = arith.shli %xor3A_1793, %shift_left3A_1794 : i32
    %shift_right_arithmetic3A_1796 = arith.constant 7 : i32
    %shift_right_arithmetic3A_1797 = arith.shrsi %xor3A_1793, %shift_right_arithmetic3A_1796 : i32
    %and3A_1798 = arith.constant 1 : i32
    %and3A_1799 = arith.andi %shift_right_arithmetic3A_1797, %and3A_1798 : i32
    %mul3A_1800 = arith.constant 27 : i32
    %mul3A_1801 = arith.muli %and3A_1799, %mul3A_1800 : i32
    %xor3A_1802 = arith.xori %shift_left3A_1795, %mul3A_1801 : i32
    %and3A_1803 = arith.constant 255 : i32
    %and3A_1804 = arith.andi %xor3A_1802, %and3A_1803 : i32
    %xor3A_1805 = arith.xori %xor3A_1792, %and3A_1804 : i32
    %xor3A_1806 = arith.xori %xor3A_1805, %xor3A_1682 : i32
    %xor3A_1807 = arith.xori %get3A_1705, %xor3A_1791 : i32
    %xor3A_1808 = arith.xori %get3A_1705, %get3A_1707 : i32
    %shift_left3A_1809 = arith.constant 1 : i32
    %shift_left3A_1810 = arith.shli %xor3A_1808, %shift_left3A_1809 : i32
    %shift_right_arithmetic3A_1811 = arith.constant 7 : i32
    %shift_right_arithmetic3A_1812 = arith.shrsi %xor3A_1808, %shift_right_arithmetic3A_1811 : i32
    %and3A_1813 = arith.constant 1 : i32
    %and3A_1814 = arith.andi %shift_right_arithmetic3A_1812, %and3A_1813 : i32
    %mul3A_1815 = arith.constant 27 : i32
    %mul3A_1816 = arith.muli %and3A_1814, %mul3A_1815 : i32
    %xor3A_1817 = arith.xori %shift_left3A_1810, %mul3A_1816 : i32
    %and3A_1818 = arith.constant 255 : i32
    %and3A_1819 = arith.andi %xor3A_1817, %and3A_1818 : i32
    %xor3A_1820 = arith.xori %xor3A_1807, %and3A_1819 : i32
    %xor3A_1821 = arith.xori %xor3A_1820, %xor3A_1683 : i32
    %xor3A_1822 = arith.xori %get3A_1707, %xor3A_1791 : i32
    %xor3A_1823 = arith.xori %get3A_1707, %get3A_1709 : i32
    %shift_left3A_1824 = arith.constant 1 : i32
    %shift_left3A_1825 = arith.shli %xor3A_1823, %shift_left3A_1824 : i32
    %shift_right_arithmetic3A_1826 = arith.constant 7 : i32
    %shift_right_arithmetic3A_1827 = arith.shrsi %xor3A_1823, %shift_right_arithmetic3A_1826 : i32
    %and3A_1828 = arith.constant 1 : i32
    %and3A_1829 = arith.andi %shift_right_arithmetic3A_1827, %and3A_1828 : i32
    %mul3A_1830 = arith.constant 27 : i32
    %mul3A_1831 = arith.muli %and3A_1829, %mul3A_1830 : i32
    %xor3A_1832 = arith.xori %shift_left3A_1825, %mul3A_1831 : i32
    %and3A_1833 = arith.constant 255 : i32
    %and3A_1834 = arith.andi %xor3A_1832, %and3A_1833 : i32
    %xor3A_1835 = arith.xori %xor3A_1822, %and3A_1834 : i32
    %xor3A_1836 = arith.xori %xor3A_1835, %xor3A_1684 : i32
    %xor3A_1837 = arith.xori %get3A_1709, %xor3A_1791 : i32
    %xor3A_1838 = arith.xori %get3A_1709, %get3A_1703 : i32
    %shift_left3A_1839 = arith.constant 1 : i32
    %shift_left3A_1840 = arith.shli %xor3A_1838, %shift_left3A_1839 : i32
    %shift_right_arithmetic3A_1841 = arith.constant 7 : i32
    %shift_right_arithmetic3A_1842 = arith.shrsi %xor3A_1838, %shift_right_arithmetic3A_1841 : i32
    %and3A_1843 = arith.constant 1 : i32
    %and3A_1844 = arith.andi %shift_right_arithmetic3A_1842, %and3A_1843 : i32
    %mul3A_1845 = arith.constant 27 : i32
    %mul3A_1846 = arith.muli %and3A_1844, %mul3A_1845 : i32
    %xor3A_1847 = arith.xori %shift_left3A_1840, %mul3A_1846 : i32
    %and3A_1848 = arith.constant 255 : i32
    %and3A_1849 = arith.andi %xor3A_1847, %and3A_1848 : i32
    %xor3A_1850 = arith.xori %xor3A_1837, %and3A_1849 : i32
    %xor3A_1851 = arith.xori %xor3A_1850, %xor3A_1685 : i32
    %xor3A_1852 = arith.xori %get3A_1711, %get3A_1713 : i32
    %xor3A_1853 = arith.xori %xor3A_1852, %get3A_1715 : i32
    %xor3A_1854 = arith.xori %xor3A_1853, %get3A_1717 : i32
    %xor3A_1855 = arith.xori %get3A_1711, %xor3A_1854 : i32
    %xor3A_1856 = arith.xori %get3A_1711, %get3A_1713 : i32
    %shift_left3A_1857 = arith.constant 1 : i32
    %shift_left3A_1858 = arith.shli %xor3A_1856, %shift_left3A_1857 : i32
    %shift_right_arithmetic3A_1859 = arith.constant 7 : i32
    %shift_right_arithmetic3A_1860 = arith.shrsi %xor3A_1856, %shift_right_arithmetic3A_1859 : i32
    %and3A_1861 = arith.constant 1 : i32
    %and3A_1862 = arith.andi %shift_right_arithmetic3A_1860, %and3A_1861 : i32
    %mul3A_1863 = arith.constant 27 : i32
    %mul3A_1864 = arith.muli %and3A_1862, %mul3A_1863 : i32
    %xor3A_1865 = arith.xori %shift_left3A_1858, %mul3A_1864 : i32
    %and3A_1866 = arith.constant 255 : i32
    %and3A_1867 = arith.andi %xor3A_1865, %and3A_1866 : i32
    %xor3A_1868 = arith.xori %xor3A_1855, %and3A_1867 : i32
    %xor3A_1869 = arith.xori %xor3A_1868, %xor3A_1686 : i32
    %xor3A_1870 = arith.xori %get3A_1713, %xor3A_1854 : i32
    %xor3A_1871 = arith.xori %get3A_1713, %get3A_1715 : i32
    %shift_left3A_1872 = arith.constant 1 : i32
    %shift_left3A_1873 = arith.shli %xor3A_1871, %shift_left3A_1872 : i32
    %shift_right_arithmetic3A_1874 = arith.constant 7 : i32
    %shift_right_arithmetic3A_1875 = arith.shrsi %xor3A_1871, %shift_right_arithmetic3A_1874 : i32
    %and3A_1876 = arith.constant 1 : i32
    %and3A_1877 = arith.andi %shift_right_arithmetic3A_1875, %and3A_1876 : i32
    %mul3A_1878 = arith.constant 27 : i32
    %mul3A_1879 = arith.muli %and3A_1877, %mul3A_1878 : i32
    %xor3A_1880 = arith.xori %shift_left3A_1873, %mul3A_1879 : i32
    %and3A_1881 = arith.constant 255 : i32
    %and3A_1882 = arith.andi %xor3A_1880, %and3A_1881 : i32
    %xor3A_1883 = arith.xori %xor3A_1870, %and3A_1882 : i32
    %xor3A_1884 = arith.xori %xor3A_1883, %xor3A_1687 : i32
    %xor3A_1885 = arith.xori %get3A_1715, %xor3A_1854 : i32
    %xor3A_1886 = arith.xori %get3A_1715, %get3A_1717 : i32
    %shift_left3A_1887 = arith.constant 1 : i32
    %shift_left3A_1888 = arith.shli %xor3A_1886, %shift_left3A_1887 : i32
    %shift_right_arithmetic3A_1889 = arith.constant 7 : i32
    %shift_right_arithmetic3A_1890 = arith.shrsi %xor3A_1886, %shift_right_arithmetic3A_1889 : i32
    %and3A_1891 = arith.constant 1 : i32
    %and3A_1892 = arith.andi %shift_right_arithmetic3A_1890, %and3A_1891 : i32
    %mul3A_1893 = arith.constant 27 : i32
    %mul3A_1894 = arith.muli %and3A_1892, %mul3A_1893 : i32
    %xor3A_1895 = arith.xori %shift_left3A_1888, %mul3A_1894 : i32
    %and3A_1896 = arith.constant 255 : i32
    %and3A_1897 = arith.andi %xor3A_1895, %and3A_1896 : i32
    %xor3A_1898 = arith.xori %xor3A_1885, %and3A_1897 : i32
    %xor3A_1899 = arith.xori %xor3A_1898, %xor3A_1688 : i32
    %xor3A_1900 = arith.xori %get3A_1717, %xor3A_1854 : i32
    %xor3A_1901 = arith.xori %get3A_1717, %get3A_1711 : i32
    %shift_left3A_1902 = arith.constant 1 : i32
    %shift_left3A_1903 = arith.shli %xor3A_1901, %shift_left3A_1902 : i32
    %shift_right_arithmetic3A_1904 = arith.constant 7 : i32
    %shift_right_arithmetic3A_1905 = arith.shrsi %xor3A_1901, %shift_right_arithmetic3A_1904 : i32
    %and3A_1906 = arith.constant 1 : i32
    %and3A_1907 = arith.andi %shift_right_arithmetic3A_1905, %and3A_1906 : i32
    %mul3A_1908 = arith.constant 27 : i32
    %mul3A_1909 = arith.muli %and3A_1907, %mul3A_1908 : i32
    %xor3A_1910 = arith.xori %shift_left3A_1903, %mul3A_1909 : i32
    %and3A_1911 = arith.constant 255 : i32
    %and3A_1912 = arith.andi %xor3A_1910, %and3A_1911 : i32
    %xor3A_1913 = arith.xori %xor3A_1900, %and3A_1912 : i32
    %xor3A_1914 = arith.xori %xor3A_1913, %xor3A_1689 : i32
    %xor3A_1915 = arith.xori %get3A_1719, %get3A_1721 : i32
    %xor3A_1916 = arith.xori %xor3A_1915, %get3A_1723 : i32
    %xor3A_1917 = arith.xori %xor3A_1916, %get3A_1725 : i32
    %xor3A_1918 = arith.xori %get3A_1719, %xor3A_1917 : i32
    %xor3A_1919 = arith.xori %get3A_1719, %get3A_1721 : i32
    %shift_left3A_1920 = arith.constant 1 : i32
    %shift_left3A_1921 = arith.shli %xor3A_1919, %shift_left3A_1920 : i32
    %shift_right_arithmetic3A_1922 = arith.constant 7 : i32
    %shift_right_arithmetic3A_1923 = arith.shrsi %xor3A_1919, %shift_right_arithmetic3A_1922 : i32
    %and3A_1924 = arith.constant 1 : i32
    %and3A_1925 = arith.andi %shift_right_arithmetic3A_1923, %and3A_1924 : i32
    %mul3A_1926 = arith.constant 27 : i32
    %mul3A_1927 = arith.muli %and3A_1925, %mul3A_1926 : i32
    %xor3A_1928 = arith.xori %shift_left3A_1921, %mul3A_1927 : i32
    %and3A_1929 = arith.constant 255 : i32
    %and3A_1930 = arith.andi %xor3A_1928, %and3A_1929 : i32
    %xor3A_1931 = arith.xori %xor3A_1918, %and3A_1930 : i32
    %xor3A_1932 = arith.xori %xor3A_1931, %xor3A_1690 : i32
    %xor3A_1933 = arith.xori %get3A_1721, %xor3A_1917 : i32
    %xor3A_1934 = arith.xori %get3A_1721, %get3A_1723 : i32
    %shift_left3A_1935 = arith.constant 1 : i32
    %shift_left3A_1936 = arith.shli %xor3A_1934, %shift_left3A_1935 : i32
    %shift_right_arithmetic3A_1937 = arith.constant 7 : i32
    %shift_right_arithmetic3A_1938 = arith.shrsi %xor3A_1934, %shift_right_arithmetic3A_1937 : i32
    %and3A_1939 = arith.constant 1 : i32
    %and3A_1940 = arith.andi %shift_right_arithmetic3A_1938, %and3A_1939 : i32
    %mul3A_1941 = arith.constant 27 : i32
    %mul3A_1942 = arith.muli %and3A_1940, %mul3A_1941 : i32
    %xor3A_1943 = arith.xori %shift_left3A_1936, %mul3A_1942 : i32
    %and3A_1944 = arith.constant 255 : i32
    %and3A_1945 = arith.andi %xor3A_1943, %and3A_1944 : i32
    %xor3A_1946 = arith.xori %xor3A_1933, %and3A_1945 : i32
    %xor3A_1947 = arith.xori %xor3A_1946, %xor3A_1691 : i32
    %xor3A_1948 = arith.xori %get3A_1723, %xor3A_1917 : i32
    %xor3A_1949 = arith.xori %get3A_1723, %get3A_1725 : i32
    %shift_left3A_1950 = arith.constant 1 : i32
    %shift_left3A_1951 = arith.shli %xor3A_1949, %shift_left3A_1950 : i32
    %shift_right_arithmetic3A_1952 = arith.constant 7 : i32
    %shift_right_arithmetic3A_1953 = arith.shrsi %xor3A_1949, %shift_right_arithmetic3A_1952 : i32
    %and3A_1954 = arith.constant 1 : i32
    %and3A_1955 = arith.andi %shift_right_arithmetic3A_1953, %and3A_1954 : i32
    %mul3A_1956 = arith.constant 27 : i32
    %mul3A_1957 = arith.muli %and3A_1955, %mul3A_1956 : i32
    %xor3A_1958 = arith.xori %shift_left3A_1951, %mul3A_1957 : i32
    %and3A_1959 = arith.constant 255 : i32
    %and3A_1960 = arith.andi %xor3A_1958, %and3A_1959 : i32
    %xor3A_1961 = arith.xori %xor3A_1948, %and3A_1960 : i32
    %xor3A_1962 = arith.xori %xor3A_1961, %xor3A_1692 : i32
    %xor3A_1963 = arith.xori %get3A_1725, %xor3A_1917 : i32
    %xor3A_1964 = arith.xori %get3A_1725, %get3A_1719 : i32
    %shift_left3A_1965 = arith.constant 1 : i32
    %shift_left3A_1966 = arith.shli %xor3A_1964, %shift_left3A_1965 : i32
    %shift_right_arithmetic3A_1967 = arith.constant 7 : i32
    %shift_right_arithmetic3A_1968 = arith.shrsi %xor3A_1964, %shift_right_arithmetic3A_1967 : i32
    %and3A_1969 = arith.constant 1 : i32
    %and3A_1970 = arith.andi %shift_right_arithmetic3A_1968, %and3A_1969 : i32
    %mul3A_1971 = arith.constant 27 : i32
    %mul3A_1972 = arith.muli %and3A_1970, %mul3A_1971 : i32
    %xor3A_1973 = arith.xori %shift_left3A_1966, %mul3A_1972 : i32
    %and3A_1974 = arith.constant 255 : i32
    %and3A_1975 = arith.andi %xor3A_1973, %and3A_1974 : i32
    %xor3A_1976 = arith.xori %xor3A_1963, %and3A_1975 : i32
    %xor3A_1977 = arith.xori %xor3A_1976, %xor3A_1693 : i32
    %get3A_1978 = arith.constant 6 : i32
    %get3A_1979 = arith.index_cast %get3A_1978 : i32 to index
    %get3A_1980 = memref.load %arg7[%get3A_1979] : memref<10xi32, #tpu.memory_space<smem>>
    %get3A_1981 = arith.index_cast %xor3A_1691 : i32 to index
    %get3A_1982 = memref.load %arg6[%get3A_1981] : memref<256xi32, #tpu.memory_space<smem>>
    %xor3A_1983 = arith.xori %get3A_1982, %get3A_1980 : i32
    %get3A_1984 = arith.index_cast %xor3A_1692 : i32 to index
    %get3A_1985 = memref.load %arg6[%get3A_1984] : memref<256xi32, #tpu.memory_space<smem>>
    %get3A_1986 = arith.index_cast %xor3A_1693 : i32 to index
    %get3A_1987 = memref.load %arg6[%get3A_1986] : memref<256xi32, #tpu.memory_space<smem>>
    %get3A_1988 = arith.index_cast %xor3A_1690 : i32 to index
    %get3A_1989 = memref.load %arg6[%get3A_1988] : memref<256xi32, #tpu.memory_space<smem>>
    %xor3A_1990 = arith.xori %xor3A_1678, %xor3A_1983 : i32
    %xor3A_1991 = arith.xori %xor3A_1679, %get3A_1985 : i32
    %xor3A_1992 = arith.xori %xor3A_1680, %get3A_1987 : i32
    %xor3A_1993 = arith.xori %xor3A_1681, %get3A_1989 : i32
    %xor3A_1994 = arith.xori %xor3A_1990, %xor3A_1682 : i32
    %xor3A_1995 = arith.xori %xor3A_1991, %xor3A_1683 : i32
    %xor3A_1996 = arith.xori %xor3A_1992, %xor3A_1684 : i32
    %xor3A_1997 = arith.xori %xor3A_1993, %xor3A_1685 : i32
    %xor3A_1998 = arith.xori %xor3A_1994, %xor3A_1686 : i32
    %xor3A_1999 = arith.xori %xor3A_1995, %xor3A_1687 : i32
    %xor3A_2000 = arith.xori %xor3A_1996, %xor3A_1688 : i32
    %xor3A_2001 = arith.xori %xor3A_1997, %xor3A_1689 : i32
    %xor3A_2002 = arith.xori %xor3A_1998, %xor3A_1690 : i32
    %xor3A_2003 = arith.xori %xor3A_1999, %xor3A_1691 : i32
    %xor3A_2004 = arith.xori %xor3A_2000, %xor3A_1692 : i32
    %xor3A_2005 = arith.xori %xor3A_2001, %xor3A_1693 : i32
    %get3A_2006 = arith.index_cast %xor3A_1743 : i32 to index
    %get3A_2007 = memref.load %arg6[%get3A_2006] : memref<256xi32, #tpu.memory_space<smem>>
    %get3A_2008 = arith.index_cast %xor3A_1821 : i32 to index
    %get3A_2009 = memref.load %arg6[%get3A_2008] : memref<256xi32, #tpu.memory_space<smem>>
    %get3A_2010 = arith.index_cast %xor3A_1899 : i32 to index
    %get3A_2011 = memref.load %arg6[%get3A_2010] : memref<256xi32, #tpu.memory_space<smem>>
    %get3A_2012 = arith.index_cast %xor3A_1977 : i32 to index
    %get3A_2013 = memref.load %arg6[%get3A_2012] : memref<256xi32, #tpu.memory_space<smem>>
    %get3A_2014 = arith.index_cast %xor3A_1806 : i32 to index
    %get3A_2015 = memref.load %arg6[%get3A_2014] : memref<256xi32, #tpu.memory_space<smem>>
    %get3A_2016 = arith.index_cast %xor3A_1884 : i32 to index
    %get3A_2017 = memref.load %arg6[%get3A_2016] : memref<256xi32, #tpu.memory_space<smem>>
    %get3A_2018 = arith.index_cast %xor3A_1962 : i32 to index
    %get3A_2019 = memref.load %arg6[%get3A_2018] : memref<256xi32, #tpu.memory_space<smem>>
    %get3A_2020 = arith.index_cast %xor3A_1788 : i32 to index
    %get3A_2021 = memref.load %arg6[%get3A_2020] : memref<256xi32, #tpu.memory_space<smem>>
    %get3A_2022 = arith.index_cast %xor3A_1869 : i32 to index
    %get3A_2023 = memref.load %arg6[%get3A_2022] : memref<256xi32, #tpu.memory_space<smem>>
    %get3A_2024 = arith.index_cast %xor3A_1947 : i32 to index
    %get3A_2025 = memref.load %arg6[%get3A_2024] : memref<256xi32, #tpu.memory_space<smem>>
    %get3A_2026 = arith.index_cast %xor3A_1773 : i32 to index
    %get3A_2027 = memref.load %arg6[%get3A_2026] : memref<256xi32, #tpu.memory_space<smem>>
    %get3A_2028 = arith.index_cast %xor3A_1851 : i32 to index
    %get3A_2029 = memref.load %arg6[%get3A_2028] : memref<256xi32, #tpu.memory_space<smem>>
    %get3A_2030 = arith.index_cast %xor3A_1932 : i32 to index
    %get3A_2031 = memref.load %arg6[%get3A_2030] : memref<256xi32, #tpu.memory_space<smem>>
    %get3A_2032 = arith.index_cast %xor3A_1758 : i32 to index
    %get3A_2033 = memref.load %arg6[%get3A_2032] : memref<256xi32, #tpu.memory_space<smem>>
    %get3A_2034 = arith.index_cast %xor3A_1836 : i32 to index
    %get3A_2035 = memref.load %arg6[%get3A_2034] : memref<256xi32, #tpu.memory_space<smem>>
    %get3A_2036 = arith.index_cast %xor3A_1914 : i32 to index
    %get3A_2037 = memref.load %arg6[%get3A_2036] : memref<256xi32, #tpu.memory_space<smem>>
    %xor3A_2038 = arith.xori %get3A_2007, %get3A_2009 : i32
    %xor3A_2039 = arith.xori %xor3A_2038, %get3A_2011 : i32
    %xor3A_2040 = arith.xori %xor3A_2039, %get3A_2013 : i32
    %xor3A_2041 = arith.xori %get3A_2007, %xor3A_2040 : i32
    %xor3A_2042 = arith.xori %get3A_2007, %get3A_2009 : i32
    %shift_left3A_2043 = arith.constant 1 : i32
    %shift_left3A_2044 = arith.shli %xor3A_2042, %shift_left3A_2043 : i32
    %shift_right_arithmetic3A_2045 = arith.constant 7 : i32
    %shift_right_arithmetic3A_2046 = arith.shrsi %xor3A_2042, %shift_right_arithmetic3A_2045 : i32
    %and3A_2047 = arith.constant 1 : i32
    %and3A_2048 = arith.andi %shift_right_arithmetic3A_2046, %and3A_2047 : i32
    %mul3A_2049 = arith.constant 27 : i32
    %mul3A_2050 = arith.muli %and3A_2048, %mul3A_2049 : i32
    %xor3A_2051 = arith.xori %shift_left3A_2044, %mul3A_2050 : i32
    %and3A_2052 = arith.constant 255 : i32
    %and3A_2053 = arith.andi %xor3A_2051, %and3A_2052 : i32
    %xor3A_2054 = arith.xori %xor3A_2041, %and3A_2053 : i32
    %xor3A_2055 = arith.xori %xor3A_2054, %xor3A_1990 : i32
    %xor3A_2056 = arith.xori %get3A_2009, %xor3A_2040 : i32
    %xor3A_2057 = arith.xori %get3A_2009, %get3A_2011 : i32
    %shift_left3A_2058 = arith.constant 1 : i32
    %shift_left3A_2059 = arith.shli %xor3A_2057, %shift_left3A_2058 : i32
    %shift_right_arithmetic3A_2060 = arith.constant 7 : i32
    %shift_right_arithmetic3A_2061 = arith.shrsi %xor3A_2057, %shift_right_arithmetic3A_2060 : i32
    %and3A_2062 = arith.constant 1 : i32
    %and3A_2063 = arith.andi %shift_right_arithmetic3A_2061, %and3A_2062 : i32
    %mul3A_2064 = arith.constant 27 : i32
    %mul3A_2065 = arith.muli %and3A_2063, %mul3A_2064 : i32
    %xor3A_2066 = arith.xori %shift_left3A_2059, %mul3A_2065 : i32
    %and3A_2067 = arith.constant 255 : i32
    %and3A_2068 = arith.andi %xor3A_2066, %and3A_2067 : i32
    %xor3A_2069 = arith.xori %xor3A_2056, %and3A_2068 : i32
    %xor3A_2070 = arith.xori %xor3A_2069, %xor3A_1991 : i32
    %xor3A_2071 = arith.xori %get3A_2011, %xor3A_2040 : i32
    %xor3A_2072 = arith.xori %get3A_2011, %get3A_2013 : i32
    %shift_left3A_2073 = arith.constant 1 : i32
    %shift_left3A_2074 = arith.shli %xor3A_2072, %shift_left3A_2073 : i32
    %shift_right_arithmetic3A_2075 = arith.constant 7 : i32
    %shift_right_arithmetic3A_2076 = arith.shrsi %xor3A_2072, %shift_right_arithmetic3A_2075 : i32
    %and3A_2077 = arith.constant 1 : i32
    %and3A_2078 = arith.andi %shift_right_arithmetic3A_2076, %and3A_2077 : i32
    %mul3A_2079 = arith.constant 27 : i32
    %mul3A_2080 = arith.muli %and3A_2078, %mul3A_2079 : i32
    %xor3A_2081 = arith.xori %shift_left3A_2074, %mul3A_2080 : i32
    %and3A_2082 = arith.constant 255 : i32
    %and3A_2083 = arith.andi %xor3A_2081, %and3A_2082 : i32
    %xor3A_2084 = arith.xori %xor3A_2071, %and3A_2083 : i32
    %xor3A_2085 = arith.xori %xor3A_2084, %xor3A_1992 : i32
    %xor3A_2086 = arith.xori %get3A_2013, %xor3A_2040 : i32
    %xor3A_2087 = arith.xori %get3A_2013, %get3A_2007 : i32
    %shift_left3A_2088 = arith.constant 1 : i32
    %shift_left3A_2089 = arith.shli %xor3A_2087, %shift_left3A_2088 : i32
    %shift_right_arithmetic3A_2090 = arith.constant 7 : i32
    %shift_right_arithmetic3A_2091 = arith.shrsi %xor3A_2087, %shift_right_arithmetic3A_2090 : i32
    %and3A_2092 = arith.constant 1 : i32
    %and3A_2093 = arith.andi %shift_right_arithmetic3A_2091, %and3A_2092 : i32
    %mul3A_2094 = arith.constant 27 : i32
    %mul3A_2095 = arith.muli %and3A_2093, %mul3A_2094 : i32
    %xor3A_2096 = arith.xori %shift_left3A_2089, %mul3A_2095 : i32
    %and3A_2097 = arith.constant 255 : i32
    %and3A_2098 = arith.andi %xor3A_2096, %and3A_2097 : i32
    %xor3A_2099 = arith.xori %xor3A_2086, %and3A_2098 : i32
    %xor3A_2100 = arith.xori %xor3A_2099, %xor3A_1993 : i32
    %xor3A_2101 = arith.xori %get3A_2015, %get3A_2017 : i32
    %xor3A_2102 = arith.xori %xor3A_2101, %get3A_2019 : i32
    %xor3A_2103 = arith.xori %xor3A_2102, %get3A_2021 : i32
    %xor3A_2104 = arith.xori %get3A_2015, %xor3A_2103 : i32
    %xor3A_2105 = arith.xori %get3A_2015, %get3A_2017 : i32
    %shift_left3A_2106 = arith.constant 1 : i32
    %shift_left3A_2107 = arith.shli %xor3A_2105, %shift_left3A_2106 : i32
    %shift_right_arithmetic3A_2108 = arith.constant 7 : i32
    %shift_right_arithmetic3A_2109 = arith.shrsi %xor3A_2105, %shift_right_arithmetic3A_2108 : i32
    %and3A_2110 = arith.constant 1 : i32
    %and3A_2111 = arith.andi %shift_right_arithmetic3A_2109, %and3A_2110 : i32
    %mul3A_2112 = arith.constant 27 : i32
    %mul3A_2113 = arith.muli %and3A_2111, %mul3A_2112 : i32
    %xor3A_2114 = arith.xori %shift_left3A_2107, %mul3A_2113 : i32
    %and3A_2115 = arith.constant 255 : i32
    %and3A_2116 = arith.andi %xor3A_2114, %and3A_2115 : i32
    %xor3A_2117 = arith.xori %xor3A_2104, %and3A_2116 : i32
    %xor3A_2118 = arith.xori %xor3A_2117, %xor3A_1994 : i32
    %xor3A_2119 = arith.xori %get3A_2017, %xor3A_2103 : i32
    %xor3A_2120 = arith.xori %get3A_2017, %get3A_2019 : i32
    %shift_left3A_2121 = arith.constant 1 : i32
    %shift_left3A_2122 = arith.shli %xor3A_2120, %shift_left3A_2121 : i32
    %shift_right_arithmetic3A_2123 = arith.constant 7 : i32
    %shift_right_arithmetic3A_2124 = arith.shrsi %xor3A_2120, %shift_right_arithmetic3A_2123 : i32
    %and3A_2125 = arith.constant 1 : i32
    %and3A_2126 = arith.andi %shift_right_arithmetic3A_2124, %and3A_2125 : i32
    %mul3A_2127 = arith.constant 27 : i32
    %mul3A_2128 = arith.muli %and3A_2126, %mul3A_2127 : i32
    %xor3A_2129 = arith.xori %shift_left3A_2122, %mul3A_2128 : i32
    %and3A_2130 = arith.constant 255 : i32
    %and3A_2131 = arith.andi %xor3A_2129, %and3A_2130 : i32
    %xor3A_2132 = arith.xori %xor3A_2119, %and3A_2131 : i32
    %xor3A_2133 = arith.xori %xor3A_2132, %xor3A_1995 : i32
    %xor3A_2134 = arith.xori %get3A_2019, %xor3A_2103 : i32
    %xor3A_2135 = arith.xori %get3A_2019, %get3A_2021 : i32
    %shift_left3A_2136 = arith.constant 1 : i32
    %shift_left3A_2137 = arith.shli %xor3A_2135, %shift_left3A_2136 : i32
    %shift_right_arithmetic3A_2138 = arith.constant 7 : i32
    %shift_right_arithmetic3A_2139 = arith.shrsi %xor3A_2135, %shift_right_arithmetic3A_2138 : i32
    %and3A_2140 = arith.constant 1 : i32
    %and3A_2141 = arith.andi %shift_right_arithmetic3A_2139, %and3A_2140 : i32
    %mul3A_2142 = arith.constant 27 : i32
    %mul3A_2143 = arith.muli %and3A_2141, %mul3A_2142 : i32
    %xor3A_2144 = arith.xori %shift_left3A_2137, %mul3A_2143 : i32
    %and3A_2145 = arith.constant 255 : i32
    %and3A_2146 = arith.andi %xor3A_2144, %and3A_2145 : i32
    %xor3A_2147 = arith.xori %xor3A_2134, %and3A_2146 : i32
    %xor3A_2148 = arith.xori %xor3A_2147, %xor3A_1996 : i32
    %xor3A_2149 = arith.xori %get3A_2021, %xor3A_2103 : i32
    %xor3A_2150 = arith.xori %get3A_2021, %get3A_2015 : i32
    %shift_left3A_2151 = arith.constant 1 : i32
    %shift_left3A_2152 = arith.shli %xor3A_2150, %shift_left3A_2151 : i32
    %shift_right_arithmetic3A_2153 = arith.constant 7 : i32
    %shift_right_arithmetic3A_2154 = arith.shrsi %xor3A_2150, %shift_right_arithmetic3A_2153 : i32
    %and3A_2155 = arith.constant 1 : i32
    %and3A_2156 = arith.andi %shift_right_arithmetic3A_2154, %and3A_2155 : i32
    %mul3A_2157 = arith.constant 27 : i32
    %mul3A_2158 = arith.muli %and3A_2156, %mul3A_2157 : i32
    %xor3A_2159 = arith.xori %shift_left3A_2152, %mul3A_2158 : i32
    %and3A_2160 = arith.constant 255 : i32
    %and3A_2161 = arith.andi %xor3A_2159, %and3A_2160 : i32
    %xor3A_2162 = arith.xori %xor3A_2149, %and3A_2161 : i32
    %xor3A_2163 = arith.xori %xor3A_2162, %xor3A_1997 : i32
    %xor3A_2164 = arith.xori %get3A_2023, %get3A_2025 : i32
    %xor3A_2165 = arith.xori %xor3A_2164, %get3A_2027 : i32
    %xor3A_2166 = arith.xori %xor3A_2165, %get3A_2029 : i32
    %xor3A_2167 = arith.xori %get3A_2023, %xor3A_2166 : i32
    %xor3A_2168 = arith.xori %get3A_2023, %get3A_2025 : i32
    %shift_left3A_2169 = arith.constant 1 : i32
    %shift_left3A_2170 = arith.shli %xor3A_2168, %shift_left3A_2169 : i32
    %shift_right_arithmetic3A_2171 = arith.constant 7 : i32
    %shift_right_arithmetic3A_2172 = arith.shrsi %xor3A_2168, %shift_right_arithmetic3A_2171 : i32
    %and3A_2173 = arith.constant 1 : i32
    %and3A_2174 = arith.andi %shift_right_arithmetic3A_2172, %and3A_2173 : i32
    %mul3A_2175 = arith.constant 27 : i32
    %mul3A_2176 = arith.muli %and3A_2174, %mul3A_2175 : i32
    %xor3A_2177 = arith.xori %shift_left3A_2170, %mul3A_2176 : i32
    %and3A_2178 = arith.constant 255 : i32
    %and3A_2179 = arith.andi %xor3A_2177, %and3A_2178 : i32
    %xor3A_2180 = arith.xori %xor3A_2167, %and3A_2179 : i32
    %xor3A_2181 = arith.xori %xor3A_2180, %xor3A_1998 : i32
    %xor3A_2182 = arith.xori %get3A_2025, %xor3A_2166 : i32
    %xor3A_2183 = arith.xori %get3A_2025, %get3A_2027 : i32
    %shift_left3A_2184 = arith.constant 1 : i32
    %shift_left3A_2185 = arith.shli %xor3A_2183, %shift_left3A_2184 : i32
    %shift_right_arithmetic3A_2186 = arith.constant 7 : i32
    %shift_right_arithmetic3A_2187 = arith.shrsi %xor3A_2183, %shift_right_arithmetic3A_2186 : i32
    %and3A_2188 = arith.constant 1 : i32
    %and3A_2189 = arith.andi %shift_right_arithmetic3A_2187, %and3A_2188 : i32
    %mul3A_2190 = arith.constant 27 : i32
    %mul3A_2191 = arith.muli %and3A_2189, %mul3A_2190 : i32
    %xor3A_2192 = arith.xori %shift_left3A_2185, %mul3A_2191 : i32
    %and3A_2193 = arith.constant 255 : i32
    %and3A_2194 = arith.andi %xor3A_2192, %and3A_2193 : i32
    %xor3A_2195 = arith.xori %xor3A_2182, %and3A_2194 : i32
    %xor3A_2196 = arith.xori %xor3A_2195, %xor3A_1999 : i32
    %xor3A_2197 = arith.xori %get3A_2027, %xor3A_2166 : i32
    %xor3A_2198 = arith.xori %get3A_2027, %get3A_2029 : i32
    %shift_left3A_2199 = arith.constant 1 : i32
    %shift_left3A_2200 = arith.shli %xor3A_2198, %shift_left3A_2199 : i32
    %shift_right_arithmetic3A_2201 = arith.constant 7 : i32
    %shift_right_arithmetic3A_2202 = arith.shrsi %xor3A_2198, %shift_right_arithmetic3A_2201 : i32
    %and3A_2203 = arith.constant 1 : i32
    %and3A_2204 = arith.andi %shift_right_arithmetic3A_2202, %and3A_2203 : i32
    %mul3A_2205 = arith.constant 27 : i32
    %mul3A_2206 = arith.muli %and3A_2204, %mul3A_2205 : i32
    %xor3A_2207 = arith.xori %shift_left3A_2200, %mul3A_2206 : i32
    %and3A_2208 = arith.constant 255 : i32
    %and3A_2209 = arith.andi %xor3A_2207, %and3A_2208 : i32
    %xor3A_2210 = arith.xori %xor3A_2197, %and3A_2209 : i32
    %xor3A_2211 = arith.xori %xor3A_2210, %xor3A_2000 : i32
    %xor3A_2212 = arith.xori %get3A_2029, %xor3A_2166 : i32
    %xor3A_2213 = arith.xori %get3A_2029, %get3A_2023 : i32
    %shift_left3A_2214 = arith.constant 1 : i32
    %shift_left3A_2215 = arith.shli %xor3A_2213, %shift_left3A_2214 : i32
    %shift_right_arithmetic3A_2216 = arith.constant 7 : i32
    %shift_right_arithmetic3A_2217 = arith.shrsi %xor3A_2213, %shift_right_arithmetic3A_2216 : i32
    %and3A_2218 = arith.constant 1 : i32
    %and3A_2219 = arith.andi %shift_right_arithmetic3A_2217, %and3A_2218 : i32
    %mul3A_2220 = arith.constant 27 : i32
    %mul3A_2221 = arith.muli %and3A_2219, %mul3A_2220 : i32
    %xor3A_2222 = arith.xori %shift_left3A_2215, %mul3A_2221 : i32
    %and3A_2223 = arith.constant 255 : i32
    %and3A_2224 = arith.andi %xor3A_2222, %and3A_2223 : i32
    %xor3A_2225 = arith.xori %xor3A_2212, %and3A_2224 : i32
    %xor3A_2226 = arith.xori %xor3A_2225, %xor3A_2001 : i32
    %xor3A_2227 = arith.xori %get3A_2031, %get3A_2033 : i32
    %xor3A_2228 = arith.xori %xor3A_2227, %get3A_2035 : i32
    %xor3A_2229 = arith.xori %xor3A_2228, %get3A_2037 : i32
    %xor3A_2230 = arith.xori %get3A_2031, %xor3A_2229 : i32
    %xor3A_2231 = arith.xori %get3A_2031, %get3A_2033 : i32
    %shift_left3A_2232 = arith.constant 1 : i32
    %shift_left3A_2233 = arith.shli %xor3A_2231, %shift_left3A_2232 : i32
    %shift_right_arithmetic3A_2234 = arith.constant 7 : i32
    %shift_right_arithmetic3A_2235 = arith.shrsi %xor3A_2231, %shift_right_arithmetic3A_2234 : i32
    %and3A_2236 = arith.constant 1 : i32
    %and3A_2237 = arith.andi %shift_right_arithmetic3A_2235, %and3A_2236 : i32
    %mul3A_2238 = arith.constant 27 : i32
    %mul3A_2239 = arith.muli %and3A_2237, %mul3A_2238 : i32
    %xor3A_2240 = arith.xori %shift_left3A_2233, %mul3A_2239 : i32
    %and3A_2241 = arith.constant 255 : i32
    %and3A_2242 = arith.andi %xor3A_2240, %and3A_2241 : i32
    %xor3A_2243 = arith.xori %xor3A_2230, %and3A_2242 : i32
    %xor3A_2244 = arith.xori %xor3A_2243, %xor3A_2002 : i32
    %xor3A_2245 = arith.xori %get3A_2033, %xor3A_2229 : i32
    %xor3A_2246 = arith.xori %get3A_2033, %get3A_2035 : i32
    %shift_left3A_2247 = arith.constant 1 : i32
    %shift_left3A_2248 = arith.shli %xor3A_2246, %shift_left3A_2247 : i32
    %shift_right_arithmetic3A_2249 = arith.constant 7 : i32
    %shift_right_arithmetic3A_2250 = arith.shrsi %xor3A_2246, %shift_right_arithmetic3A_2249 : i32
    %and3A_2251 = arith.constant 1 : i32
    %and3A_2252 = arith.andi %shift_right_arithmetic3A_2250, %and3A_2251 : i32
    %mul3A_2253 = arith.constant 27 : i32
    %mul3A_2254 = arith.muli %and3A_2252, %mul3A_2253 : i32
    %xor3A_2255 = arith.xori %shift_left3A_2248, %mul3A_2254 : i32
    %and3A_2256 = arith.constant 255 : i32
    %and3A_2257 = arith.andi %xor3A_2255, %and3A_2256 : i32
    %xor3A_2258 = arith.xori %xor3A_2245, %and3A_2257 : i32
    %xor3A_2259 = arith.xori %xor3A_2258, %xor3A_2003 : i32
    %xor3A_2260 = arith.xori %get3A_2035, %xor3A_2229 : i32
    %xor3A_2261 = arith.xori %get3A_2035, %get3A_2037 : i32
    %shift_left3A_2262 = arith.constant 1 : i32
    %shift_left3A_2263 = arith.shli %xor3A_2261, %shift_left3A_2262 : i32
    %shift_right_arithmetic3A_2264 = arith.constant 7 : i32
    %shift_right_arithmetic3A_2265 = arith.shrsi %xor3A_2261, %shift_right_arithmetic3A_2264 : i32
    %and3A_2266 = arith.constant 1 : i32
    %and3A_2267 = arith.andi %shift_right_arithmetic3A_2265, %and3A_2266 : i32
    %mul3A_2268 = arith.constant 27 : i32
    %mul3A_2269 = arith.muli %and3A_2267, %mul3A_2268 : i32
    %xor3A_2270 = arith.xori %shift_left3A_2263, %mul3A_2269 : i32
    %and3A_2271 = arith.constant 255 : i32
    %and3A_2272 = arith.andi %xor3A_2270, %and3A_2271 : i32
    %xor3A_2273 = arith.xori %xor3A_2260, %and3A_2272 : i32
    %xor3A_2274 = arith.xori %xor3A_2273, %xor3A_2004 : i32
    %xor3A_2275 = arith.xori %get3A_2037, %xor3A_2229 : i32
    %xor3A_2276 = arith.xori %get3A_2037, %get3A_2031 : i32
    %shift_left3A_2277 = arith.constant 1 : i32
    %shift_left3A_2278 = arith.shli %xor3A_2276, %shift_left3A_2277 : i32
    %shift_right_arithmetic3A_2279 = arith.constant 7 : i32
    %shift_right_arithmetic3A_2280 = arith.shrsi %xor3A_2276, %shift_right_arithmetic3A_2279 : i32
    %and3A_2281 = arith.constant 1 : i32
    %and3A_2282 = arith.andi %shift_right_arithmetic3A_2280, %and3A_2281 : i32
    %mul3A_2283 = arith.constant 27 : i32
    %mul3A_2284 = arith.muli %and3A_2282, %mul3A_2283 : i32
    %xor3A_2285 = arith.xori %shift_left3A_2278, %mul3A_2284 : i32
    %and3A_2286 = arith.constant 255 : i32
    %and3A_2287 = arith.andi %xor3A_2285, %and3A_2286 : i32
    %xor3A_2288 = arith.xori %xor3A_2275, %and3A_2287 : i32
    %xor3A_2289 = arith.xori %xor3A_2288, %xor3A_2005 : i32
    %get3A_2290 = arith.constant 7 : i32
    %get3A_2291 = arith.index_cast %get3A_2290 : i32 to index
    %get3A_2292 = memref.load %arg7[%get3A_2291] : memref<10xi32, #tpu.memory_space<smem>>
    %get3A_2293 = arith.index_cast %xor3A_2003 : i32 to index
    %get3A_2294 = memref.load %arg6[%get3A_2293] : memref<256xi32, #tpu.memory_space<smem>>
    %xor3A_2295 = arith.xori %get3A_2294, %get3A_2292 : i32
    %get3A_2296 = arith.index_cast %xor3A_2004 : i32 to index
    %get3A_2297 = memref.load %arg6[%get3A_2296] : memref<256xi32, #tpu.memory_space<smem>>
    %get3A_2298 = arith.index_cast %xor3A_2005 : i32 to index
    %get3A_2299 = memref.load %arg6[%get3A_2298] : memref<256xi32, #tpu.memory_space<smem>>
    %get3A_2300 = arith.index_cast %xor3A_2002 : i32 to index
    %get3A_2301 = memref.load %arg6[%get3A_2300] : memref<256xi32, #tpu.memory_space<smem>>
    %xor3A_2302 = arith.xori %xor3A_1990, %xor3A_2295 : i32
    %xor3A_2303 = arith.xori %xor3A_1991, %get3A_2297 : i32
    %xor3A_2304 = arith.xori %xor3A_1992, %get3A_2299 : i32
    %xor3A_2305 = arith.xori %xor3A_1993, %get3A_2301 : i32
    %xor3A_2306 = arith.xori %xor3A_2302, %xor3A_1994 : i32
    %xor3A_2307 = arith.xori %xor3A_2303, %xor3A_1995 : i32
    %xor3A_2308 = arith.xori %xor3A_2304, %xor3A_1996 : i32
    %xor3A_2309 = arith.xori %xor3A_2305, %xor3A_1997 : i32
    %xor3A_2310 = arith.xori %xor3A_2306, %xor3A_1998 : i32
    %xor3A_2311 = arith.xori %xor3A_2307, %xor3A_1999 : i32
    %xor3A_2312 = arith.xori %xor3A_2308, %xor3A_2000 : i32
    %xor3A_2313 = arith.xori %xor3A_2309, %xor3A_2001 : i32
    %xor3A_2314 = arith.xori %xor3A_2310, %xor3A_2002 : i32
    %xor3A_2315 = arith.xori %xor3A_2311, %xor3A_2003 : i32
    %xor3A_2316 = arith.xori %xor3A_2312, %xor3A_2004 : i32
    %xor3A_2317 = arith.xori %xor3A_2313, %xor3A_2005 : i32
    %get3A_2318 = arith.index_cast %xor3A_2055 : i32 to index
    %get3A_2319 = memref.load %arg6[%get3A_2318] : memref<256xi32, #tpu.memory_space<smem>>
    %get3A_2320 = arith.index_cast %xor3A_2133 : i32 to index
    %get3A_2321 = memref.load %arg6[%get3A_2320] : memref<256xi32, #tpu.memory_space<smem>>
    %get3A_2322 = arith.index_cast %xor3A_2211 : i32 to index
    %get3A_2323 = memref.load %arg6[%get3A_2322] : memref<256xi32, #tpu.memory_space<smem>>
    %get3A_2324 = arith.index_cast %xor3A_2289 : i32 to index
    %get3A_2325 = memref.load %arg6[%get3A_2324] : memref<256xi32, #tpu.memory_space<smem>>
    %get3A_2326 = arith.index_cast %xor3A_2118 : i32 to index
    %get3A_2327 = memref.load %arg6[%get3A_2326] : memref<256xi32, #tpu.memory_space<smem>>
    %get3A_2328 = arith.index_cast %xor3A_2196 : i32 to index
    %get3A_2329 = memref.load %arg6[%get3A_2328] : memref<256xi32, #tpu.memory_space<smem>>
    %get3A_2330 = arith.index_cast %xor3A_2274 : i32 to index
    %get3A_2331 = memref.load %arg6[%get3A_2330] : memref<256xi32, #tpu.memory_space<smem>>
    %get3A_2332 = arith.index_cast %xor3A_2100 : i32 to index
    %get3A_2333 = memref.load %arg6[%get3A_2332] : memref<256xi32, #tpu.memory_space<smem>>
    %get3A_2334 = arith.index_cast %xor3A_2181 : i32 to index
    %get3A_2335 = memref.load %arg6[%get3A_2334] : memref<256xi32, #tpu.memory_space<smem>>
    %get3A_2336 = arith.index_cast %xor3A_2259 : i32 to index
    %get3A_2337 = memref.load %arg6[%get3A_2336] : memref<256xi32, #tpu.memory_space<smem>>
    %get3A_2338 = arith.index_cast %xor3A_2085 : i32 to index
    %get3A_2339 = memref.load %arg6[%get3A_2338] : memref<256xi32, #tpu.memory_space<smem>>
    %get3A_2340 = arith.index_cast %xor3A_2163 : i32 to index
    %get3A_2341 = memref.load %arg6[%get3A_2340] : memref<256xi32, #tpu.memory_space<smem>>
    %get3A_2342 = arith.index_cast %xor3A_2244 : i32 to index
    %get3A_2343 = memref.load %arg6[%get3A_2342] : memref<256xi32, #tpu.memory_space<smem>>
    %get3A_2344 = arith.index_cast %xor3A_2070 : i32 to index
    %get3A_2345 = memref.load %arg6[%get3A_2344] : memref<256xi32, #tpu.memory_space<smem>>
    %get3A_2346 = arith.index_cast %xor3A_2148 : i32 to index
    %get3A_2347 = memref.load %arg6[%get3A_2346] : memref<256xi32, #tpu.memory_space<smem>>
    %get3A_2348 = arith.index_cast %xor3A_2226 : i32 to index
    %get3A_2349 = memref.load %arg6[%get3A_2348] : memref<256xi32, #tpu.memory_space<smem>>
    %xor3A_2350 = arith.xori %get3A_2319, %get3A_2321 : i32
    %xor3A_2351 = arith.xori %xor3A_2350, %get3A_2323 : i32
    %xor3A_2352 = arith.xori %xor3A_2351, %get3A_2325 : i32
    %xor3A_2353 = arith.xori %get3A_2319, %xor3A_2352 : i32
    %xor3A_2354 = arith.xori %get3A_2319, %get3A_2321 : i32
    %shift_left3A_2355 = arith.constant 1 : i32
    %shift_left3A_2356 = arith.shli %xor3A_2354, %shift_left3A_2355 : i32
    %shift_right_arithmetic3A_2357 = arith.constant 7 : i32
    %shift_right_arithmetic3A_2358 = arith.shrsi %xor3A_2354, %shift_right_arithmetic3A_2357 : i32
    %and3A_2359 = arith.constant 1 : i32
    %and3A_2360 = arith.andi %shift_right_arithmetic3A_2358, %and3A_2359 : i32
    %mul3A_2361 = arith.constant 27 : i32
    %mul3A_2362 = arith.muli %and3A_2360, %mul3A_2361 : i32
    %xor3A_2363 = arith.xori %shift_left3A_2356, %mul3A_2362 : i32
    %and3A_2364 = arith.constant 255 : i32
    %and3A_2365 = arith.andi %xor3A_2363, %and3A_2364 : i32
    %xor3A_2366 = arith.xori %xor3A_2353, %and3A_2365 : i32
    %xor3A_2367 = arith.xori %xor3A_2366, %xor3A_2302 : i32
    %xor3A_2368 = arith.xori %get3A_2321, %xor3A_2352 : i32
    %xor3A_2369 = arith.xori %get3A_2321, %get3A_2323 : i32
    %shift_left3A_2370 = arith.constant 1 : i32
    %shift_left3A_2371 = arith.shli %xor3A_2369, %shift_left3A_2370 : i32
    %shift_right_arithmetic3A_2372 = arith.constant 7 : i32
    %shift_right_arithmetic3A_2373 = arith.shrsi %xor3A_2369, %shift_right_arithmetic3A_2372 : i32
    %and3A_2374 = arith.constant 1 : i32
    %and3A_2375 = arith.andi %shift_right_arithmetic3A_2373, %and3A_2374 : i32
    %mul3A_2376 = arith.constant 27 : i32
    %mul3A_2377 = arith.muli %and3A_2375, %mul3A_2376 : i32
    %xor3A_2378 = arith.xori %shift_left3A_2371, %mul3A_2377 : i32
    %and3A_2379 = arith.constant 255 : i32
    %and3A_2380 = arith.andi %xor3A_2378, %and3A_2379 : i32
    %xor3A_2381 = arith.xori %xor3A_2368, %and3A_2380 : i32
    %xor3A_2382 = arith.xori %xor3A_2381, %xor3A_2303 : i32
    %xor3A_2383 = arith.xori %get3A_2323, %xor3A_2352 : i32
    %xor3A_2384 = arith.xori %get3A_2323, %get3A_2325 : i32
    %shift_left3A_2385 = arith.constant 1 : i32
    %shift_left3A_2386 = arith.shli %xor3A_2384, %shift_left3A_2385 : i32
    %shift_right_arithmetic3A_2387 = arith.constant 7 : i32
    %shift_right_arithmetic3A_2388 = arith.shrsi %xor3A_2384, %shift_right_arithmetic3A_2387 : i32
    %and3A_2389 = arith.constant 1 : i32
    %and3A_2390 = arith.andi %shift_right_arithmetic3A_2388, %and3A_2389 : i32
    %mul3A_2391 = arith.constant 27 : i32
    %mul3A_2392 = arith.muli %and3A_2390, %mul3A_2391 : i32
    %xor3A_2393 = arith.xori %shift_left3A_2386, %mul3A_2392 : i32
    %and3A_2394 = arith.constant 255 : i32
    %and3A_2395 = arith.andi %xor3A_2393, %and3A_2394 : i32
    %xor3A_2396 = arith.xori %xor3A_2383, %and3A_2395 : i32
    %xor3A_2397 = arith.xori %xor3A_2396, %xor3A_2304 : i32
    %xor3A_2398 = arith.xori %get3A_2325, %xor3A_2352 : i32
    %xor3A_2399 = arith.xori %get3A_2325, %get3A_2319 : i32
    %shift_left3A_2400 = arith.constant 1 : i32
    %shift_left3A_2401 = arith.shli %xor3A_2399, %shift_left3A_2400 : i32
    %shift_right_arithmetic3A_2402 = arith.constant 7 : i32
    %shift_right_arithmetic3A_2403 = arith.shrsi %xor3A_2399, %shift_right_arithmetic3A_2402 : i32
    %and3A_2404 = arith.constant 1 : i32
    %and3A_2405 = arith.andi %shift_right_arithmetic3A_2403, %and3A_2404 : i32
    %mul3A_2406 = arith.constant 27 : i32
    %mul3A_2407 = arith.muli %and3A_2405, %mul3A_2406 : i32
    %xor3A_2408 = arith.xori %shift_left3A_2401, %mul3A_2407 : i32
    %and3A_2409 = arith.constant 255 : i32
    %and3A_2410 = arith.andi %xor3A_2408, %and3A_2409 : i32
    %xor3A_2411 = arith.xori %xor3A_2398, %and3A_2410 : i32
    %xor3A_2412 = arith.xori %xor3A_2411, %xor3A_2305 : i32
    %xor3A_2413 = arith.xori %get3A_2327, %get3A_2329 : i32
    %xor3A_2414 = arith.xori %xor3A_2413, %get3A_2331 : i32
    %xor3A_2415 = arith.xori %xor3A_2414, %get3A_2333 : i32
    %xor3A_2416 = arith.xori %get3A_2327, %xor3A_2415 : i32
    %xor3A_2417 = arith.xori %get3A_2327, %get3A_2329 : i32
    %shift_left3A_2418 = arith.constant 1 : i32
    %shift_left3A_2419 = arith.shli %xor3A_2417, %shift_left3A_2418 : i32
    %shift_right_arithmetic3A_2420 = arith.constant 7 : i32
    %shift_right_arithmetic3A_2421 = arith.shrsi %xor3A_2417, %shift_right_arithmetic3A_2420 : i32
    %and3A_2422 = arith.constant 1 : i32
    %and3A_2423 = arith.andi %shift_right_arithmetic3A_2421, %and3A_2422 : i32
    %mul3A_2424 = arith.constant 27 : i32
    %mul3A_2425 = arith.muli %and3A_2423, %mul3A_2424 : i32
    %xor3A_2426 = arith.xori %shift_left3A_2419, %mul3A_2425 : i32
    %and3A_2427 = arith.constant 255 : i32
    %and3A_2428 = arith.andi %xor3A_2426, %and3A_2427 : i32
    %xor3A_2429 = arith.xori %xor3A_2416, %and3A_2428 : i32
    %xor3A_2430 = arith.xori %xor3A_2429, %xor3A_2306 : i32
    %xor3A_2431 = arith.xori %get3A_2329, %xor3A_2415 : i32
    %xor3A_2432 = arith.xori %get3A_2329, %get3A_2331 : i32
    %shift_left3A_2433 = arith.constant 1 : i32
    %shift_left3A_2434 = arith.shli %xor3A_2432, %shift_left3A_2433 : i32
    %shift_right_arithmetic3A_2435 = arith.constant 7 : i32
    %shift_right_arithmetic3A_2436 = arith.shrsi %xor3A_2432, %shift_right_arithmetic3A_2435 : i32
    %and3A_2437 = arith.constant 1 : i32
    %and3A_2438 = arith.andi %shift_right_arithmetic3A_2436, %and3A_2437 : i32
    %mul3A_2439 = arith.constant 27 : i32
    %mul3A_2440 = arith.muli %and3A_2438, %mul3A_2439 : i32
    %xor3A_2441 = arith.xori %shift_left3A_2434, %mul3A_2440 : i32
    %and3A_2442 = arith.constant 255 : i32
    %and3A_2443 = arith.andi %xor3A_2441, %and3A_2442 : i32
    %xor3A_2444 = arith.xori %xor3A_2431, %and3A_2443 : i32
    %xor3A_2445 = arith.xori %xor3A_2444, %xor3A_2307 : i32
    %xor3A_2446 = arith.xori %get3A_2331, %xor3A_2415 : i32
    %xor3A_2447 = arith.xori %get3A_2331, %get3A_2333 : i32
    %shift_left3A_2448 = arith.constant 1 : i32
    %shift_left3A_2449 = arith.shli %xor3A_2447, %shift_left3A_2448 : i32
    %shift_right_arithmetic3A_2450 = arith.constant 7 : i32
    %shift_right_arithmetic3A_2451 = arith.shrsi %xor3A_2447, %shift_right_arithmetic3A_2450 : i32
    %and3A_2452 = arith.constant 1 : i32
    %and3A_2453 = arith.andi %shift_right_arithmetic3A_2451, %and3A_2452 : i32
    %mul3A_2454 = arith.constant 27 : i32
    %mul3A_2455 = arith.muli %and3A_2453, %mul3A_2454 : i32
    %xor3A_2456 = arith.xori %shift_left3A_2449, %mul3A_2455 : i32
    %and3A_2457 = arith.constant 255 : i32
    %and3A_2458 = arith.andi %xor3A_2456, %and3A_2457 : i32
    %xor3A_2459 = arith.xori %xor3A_2446, %and3A_2458 : i32
    %xor3A_2460 = arith.xori %xor3A_2459, %xor3A_2308 : i32
    %xor3A_2461 = arith.xori %get3A_2333, %xor3A_2415 : i32
    %xor3A_2462 = arith.xori %get3A_2333, %get3A_2327 : i32
    %shift_left3A_2463 = arith.constant 1 : i32
    %shift_left3A_2464 = arith.shli %xor3A_2462, %shift_left3A_2463 : i32
    %shift_right_arithmetic3A_2465 = arith.constant 7 : i32
    %shift_right_arithmetic3A_2466 = arith.shrsi %xor3A_2462, %shift_right_arithmetic3A_2465 : i32
    %and3A_2467 = arith.constant 1 : i32
    %and3A_2468 = arith.andi %shift_right_arithmetic3A_2466, %and3A_2467 : i32
    %mul3A_2469 = arith.constant 27 : i32
    %mul3A_2470 = arith.muli %and3A_2468, %mul3A_2469 : i32
    %xor3A_2471 = arith.xori %shift_left3A_2464, %mul3A_2470 : i32
    %and3A_2472 = arith.constant 255 : i32
    %and3A_2473 = arith.andi %xor3A_2471, %and3A_2472 : i32
    %xor3A_2474 = arith.xori %xor3A_2461, %and3A_2473 : i32
    %xor3A_2475 = arith.xori %xor3A_2474, %xor3A_2309 : i32
    %xor3A_2476 = arith.xori %get3A_2335, %get3A_2337 : i32
    %xor3A_2477 = arith.xori %xor3A_2476, %get3A_2339 : i32
    %xor3A_2478 = arith.xori %xor3A_2477, %get3A_2341 : i32
    %xor3A_2479 = arith.xori %get3A_2335, %xor3A_2478 : i32
    %xor3A_2480 = arith.xori %get3A_2335, %get3A_2337 : i32
    %shift_left3A_2481 = arith.constant 1 : i32
    %shift_left3A_2482 = arith.shli %xor3A_2480, %shift_left3A_2481 : i32
    %shift_right_arithmetic3A_2483 = arith.constant 7 : i32
    %shift_right_arithmetic3A_2484 = arith.shrsi %xor3A_2480, %shift_right_arithmetic3A_2483 : i32
    %and3A_2485 = arith.constant 1 : i32
    %and3A_2486 = arith.andi %shift_right_arithmetic3A_2484, %and3A_2485 : i32
    %mul3A_2487 = arith.constant 27 : i32
    %mul3A_2488 = arith.muli %and3A_2486, %mul3A_2487 : i32
    %xor3A_2489 = arith.xori %shift_left3A_2482, %mul3A_2488 : i32
    %and3A_2490 = arith.constant 255 : i32
    %and3A_2491 = arith.andi %xor3A_2489, %and3A_2490 : i32
    %xor3A_2492 = arith.xori %xor3A_2479, %and3A_2491 : i32
    %xor3A_2493 = arith.xori %xor3A_2492, %xor3A_2310 : i32
    %xor3A_2494 = arith.xori %get3A_2337, %xor3A_2478 : i32
    %xor3A_2495 = arith.xori %get3A_2337, %get3A_2339 : i32
    %shift_left3A_2496 = arith.constant 1 : i32
    %shift_left3A_2497 = arith.shli %xor3A_2495, %shift_left3A_2496 : i32
    %shift_right_arithmetic3A_2498 = arith.constant 7 : i32
    %shift_right_arithmetic3A_2499 = arith.shrsi %xor3A_2495, %shift_right_arithmetic3A_2498 : i32
    %and3A_2500 = arith.constant 1 : i32
    %and3A_2501 = arith.andi %shift_right_arithmetic3A_2499, %and3A_2500 : i32
    %mul3A_2502 = arith.constant 27 : i32
    %mul3A_2503 = arith.muli %and3A_2501, %mul3A_2502 : i32
    %xor3A_2504 = arith.xori %shift_left3A_2497, %mul3A_2503 : i32
    %and3A_2505 = arith.constant 255 : i32
    %and3A_2506 = arith.andi %xor3A_2504, %and3A_2505 : i32
    %xor3A_2507 = arith.xori %xor3A_2494, %and3A_2506 : i32
    %xor3A_2508 = arith.xori %xor3A_2507, %xor3A_2311 : i32
    %xor3A_2509 = arith.xori %get3A_2339, %xor3A_2478 : i32
    %xor3A_2510 = arith.xori %get3A_2339, %get3A_2341 : i32
    %shift_left3A_2511 = arith.constant 1 : i32
    %shift_left3A_2512 = arith.shli %xor3A_2510, %shift_left3A_2511 : i32
    %shift_right_arithmetic3A_2513 = arith.constant 7 : i32
    %shift_right_arithmetic3A_2514 = arith.shrsi %xor3A_2510, %shift_right_arithmetic3A_2513 : i32
    %and3A_2515 = arith.constant 1 : i32
    %and3A_2516 = arith.andi %shift_right_arithmetic3A_2514, %and3A_2515 : i32
    %mul3A_2517 = arith.constant 27 : i32
    %mul3A_2518 = arith.muli %and3A_2516, %mul3A_2517 : i32
    %xor3A_2519 = arith.xori %shift_left3A_2512, %mul3A_2518 : i32
    %and3A_2520 = arith.constant 255 : i32
    %and3A_2521 = arith.andi %xor3A_2519, %and3A_2520 : i32
    %xor3A_2522 = arith.xori %xor3A_2509, %and3A_2521 : i32
    %xor3A_2523 = arith.xori %xor3A_2522, %xor3A_2312 : i32
    %xor3A_2524 = arith.xori %get3A_2341, %xor3A_2478 : i32
    %xor3A_2525 = arith.xori %get3A_2341, %get3A_2335 : i32
    %shift_left3A_2526 = arith.constant 1 : i32
    %shift_left3A_2527 = arith.shli %xor3A_2525, %shift_left3A_2526 : i32
    %shift_right_arithmetic3A_2528 = arith.constant 7 : i32
    %shift_right_arithmetic3A_2529 = arith.shrsi %xor3A_2525, %shift_right_arithmetic3A_2528 : i32
    %and3A_2530 = arith.constant 1 : i32
    %and3A_2531 = arith.andi %shift_right_arithmetic3A_2529, %and3A_2530 : i32
    %mul3A_2532 = arith.constant 27 : i32
    %mul3A_2533 = arith.muli %and3A_2531, %mul3A_2532 : i32
    %xor3A_2534 = arith.xori %shift_left3A_2527, %mul3A_2533 : i32
    %and3A_2535 = arith.constant 255 : i32
    %and3A_2536 = arith.andi %xor3A_2534, %and3A_2535 : i32
    %xor3A_2537 = arith.xori %xor3A_2524, %and3A_2536 : i32
    %xor3A_2538 = arith.xori %xor3A_2537, %xor3A_2313 : i32
    %xor3A_2539 = arith.xori %get3A_2343, %get3A_2345 : i32
    %xor3A_2540 = arith.xori %xor3A_2539, %get3A_2347 : i32
    %xor3A_2541 = arith.xori %xor3A_2540, %get3A_2349 : i32
    %xor3A_2542 = arith.xori %get3A_2343, %xor3A_2541 : i32
    %xor3A_2543 = arith.xori %get3A_2343, %get3A_2345 : i32
    %shift_left3A_2544 = arith.constant 1 : i32
    %shift_left3A_2545 = arith.shli %xor3A_2543, %shift_left3A_2544 : i32
    %shift_right_arithmetic3A_2546 = arith.constant 7 : i32
    %shift_right_arithmetic3A_2547 = arith.shrsi %xor3A_2543, %shift_right_arithmetic3A_2546 : i32
    %and3A_2548 = arith.constant 1 : i32
    %and3A_2549 = arith.andi %shift_right_arithmetic3A_2547, %and3A_2548 : i32
    %mul3A_2550 = arith.constant 27 : i32
    %mul3A_2551 = arith.muli %and3A_2549, %mul3A_2550 : i32
    %xor3A_2552 = arith.xori %shift_left3A_2545, %mul3A_2551 : i32
    %and3A_2553 = arith.constant 255 : i32
    %and3A_2554 = arith.andi %xor3A_2552, %and3A_2553 : i32
    %xor3A_2555 = arith.xori %xor3A_2542, %and3A_2554 : i32
    %xor3A_2556 = arith.xori %xor3A_2555, %xor3A_2314 : i32
    %xor3A_2557 = arith.xori %get3A_2345, %xor3A_2541 : i32
    %xor3A_2558 = arith.xori %get3A_2345, %get3A_2347 : i32
    %shift_left3A_2559 = arith.constant 1 : i32
    %shift_left3A_2560 = arith.shli %xor3A_2558, %shift_left3A_2559 : i32
    %shift_right_arithmetic3A_2561 = arith.constant 7 : i32
    %shift_right_arithmetic3A_2562 = arith.shrsi %xor3A_2558, %shift_right_arithmetic3A_2561 : i32
    %and3A_2563 = arith.constant 1 : i32
    %and3A_2564 = arith.andi %shift_right_arithmetic3A_2562, %and3A_2563 : i32
    %mul3A_2565 = arith.constant 27 : i32
    %mul3A_2566 = arith.muli %and3A_2564, %mul3A_2565 : i32
    %xor3A_2567 = arith.xori %shift_left3A_2560, %mul3A_2566 : i32
    %and3A_2568 = arith.constant 255 : i32
    %and3A_2569 = arith.andi %xor3A_2567, %and3A_2568 : i32
    %xor3A_2570 = arith.xori %xor3A_2557, %and3A_2569 : i32
    %xor3A_2571 = arith.xori %xor3A_2570, %xor3A_2315 : i32
    %xor3A_2572 = arith.xori %get3A_2347, %xor3A_2541 : i32
    %xor3A_2573 = arith.xori %get3A_2347, %get3A_2349 : i32
    %shift_left3A_2574 = arith.constant 1 : i32
    %shift_left3A_2575 = arith.shli %xor3A_2573, %shift_left3A_2574 : i32
    %shift_right_arithmetic3A_2576 = arith.constant 7 : i32
    %shift_right_arithmetic3A_2577 = arith.shrsi %xor3A_2573, %shift_right_arithmetic3A_2576 : i32
    %and3A_2578 = arith.constant 1 : i32
    %and3A_2579 = arith.andi %shift_right_arithmetic3A_2577, %and3A_2578 : i32
    %mul3A_2580 = arith.constant 27 : i32
    %mul3A_2581 = arith.muli %and3A_2579, %mul3A_2580 : i32
    %xor3A_2582 = arith.xori %shift_left3A_2575, %mul3A_2581 : i32
    %and3A_2583 = arith.constant 255 : i32
    %and3A_2584 = arith.andi %xor3A_2582, %and3A_2583 : i32
    %xor3A_2585 = arith.xori %xor3A_2572, %and3A_2584 : i32
    %xor3A_2586 = arith.xori %xor3A_2585, %xor3A_2316 : i32
    %xor3A_2587 = arith.xori %get3A_2349, %xor3A_2541 : i32
    %xor3A_2588 = arith.xori %get3A_2349, %get3A_2343 : i32
    %shift_left3A_2589 = arith.constant 1 : i32
    %shift_left3A_2590 = arith.shli %xor3A_2588, %shift_left3A_2589 : i32
    %shift_right_arithmetic3A_2591 = arith.constant 7 : i32
    %shift_right_arithmetic3A_2592 = arith.shrsi %xor3A_2588, %shift_right_arithmetic3A_2591 : i32
    %and3A_2593 = arith.constant 1 : i32
    %and3A_2594 = arith.andi %shift_right_arithmetic3A_2592, %and3A_2593 : i32
    %mul3A_2595 = arith.constant 27 : i32
    %mul3A_2596 = arith.muli %and3A_2594, %mul3A_2595 : i32
    %xor3A_2597 = arith.xori %shift_left3A_2590, %mul3A_2596 : i32
    %and3A_2598 = arith.constant 255 : i32
    %and3A_2599 = arith.andi %xor3A_2597, %and3A_2598 : i32
    %xor3A_2600 = arith.xori %xor3A_2587, %and3A_2599 : i32
    %xor3A_2601 = arith.xori %xor3A_2600, %xor3A_2317 : i32
    %get3A_2602 = arith.constant 8 : i32
    %get3A_2603 = arith.index_cast %get3A_2602 : i32 to index
    %get3A_2604 = memref.load %arg7[%get3A_2603] : memref<10xi32, #tpu.memory_space<smem>>
    %get3A_2605 = arith.index_cast %xor3A_2315 : i32 to index
    %get3A_2606 = memref.load %arg6[%get3A_2605] : memref<256xi32, #tpu.memory_space<smem>>
    %xor3A_2607 = arith.xori %get3A_2606, %get3A_2604 : i32
    %get3A_2608 = arith.index_cast %xor3A_2316 : i32 to index
    %get3A_2609 = memref.load %arg6[%get3A_2608] : memref<256xi32, #tpu.memory_space<smem>>
    %get3A_2610 = arith.index_cast %xor3A_2317 : i32 to index
    %get3A_2611 = memref.load %arg6[%get3A_2610] : memref<256xi32, #tpu.memory_space<smem>>
    %get3A_2612 = arith.index_cast %xor3A_2314 : i32 to index
    %get3A_2613 = memref.load %arg6[%get3A_2612] : memref<256xi32, #tpu.memory_space<smem>>
    %xor3A_2614 = arith.xori %xor3A_2302, %xor3A_2607 : i32
    %xor3A_2615 = arith.xori %xor3A_2303, %get3A_2609 : i32
    %xor3A_2616 = arith.xori %xor3A_2304, %get3A_2611 : i32
    %xor3A_2617 = arith.xori %xor3A_2305, %get3A_2613 : i32
    %xor3A_2618 = arith.xori %xor3A_2614, %xor3A_2306 : i32
    %xor3A_2619 = arith.xori %xor3A_2615, %xor3A_2307 : i32
    %xor3A_2620 = arith.xori %xor3A_2616, %xor3A_2308 : i32
    %xor3A_2621 = arith.xori %xor3A_2617, %xor3A_2309 : i32
    %xor3A_2622 = arith.xori %xor3A_2618, %xor3A_2310 : i32
    %xor3A_2623 = arith.xori %xor3A_2619, %xor3A_2311 : i32
    %xor3A_2624 = arith.xori %xor3A_2620, %xor3A_2312 : i32
    %xor3A_2625 = arith.xori %xor3A_2621, %xor3A_2313 : i32
    %xor3A_2626 = arith.xori %xor3A_2622, %xor3A_2314 : i32
    %xor3A_2627 = arith.xori %xor3A_2623, %xor3A_2315 : i32
    %xor3A_2628 = arith.xori %xor3A_2624, %xor3A_2316 : i32
    %xor3A_2629 = arith.xori %xor3A_2625, %xor3A_2317 : i32
    %get3A_2630 = arith.index_cast %xor3A_2367 : i32 to index
    %get3A_2631 = memref.load %arg6[%get3A_2630] : memref<256xi32, #tpu.memory_space<smem>>
    %get3A_2632 = arith.index_cast %xor3A_2445 : i32 to index
    %get3A_2633 = memref.load %arg6[%get3A_2632] : memref<256xi32, #tpu.memory_space<smem>>
    %get3A_2634 = arith.index_cast %xor3A_2523 : i32 to index
    %get3A_2635 = memref.load %arg6[%get3A_2634] : memref<256xi32, #tpu.memory_space<smem>>
    %get3A_2636 = arith.index_cast %xor3A_2601 : i32 to index
    %get3A_2637 = memref.load %arg6[%get3A_2636] : memref<256xi32, #tpu.memory_space<smem>>
    %get3A_2638 = arith.index_cast %xor3A_2430 : i32 to index
    %get3A_2639 = memref.load %arg6[%get3A_2638] : memref<256xi32, #tpu.memory_space<smem>>
    %get3A_2640 = arith.index_cast %xor3A_2508 : i32 to index
    %get3A_2641 = memref.load %arg6[%get3A_2640] : memref<256xi32, #tpu.memory_space<smem>>
    %get3A_2642 = arith.index_cast %xor3A_2586 : i32 to index
    %get3A_2643 = memref.load %arg6[%get3A_2642] : memref<256xi32, #tpu.memory_space<smem>>
    %get3A_2644 = arith.index_cast %xor3A_2412 : i32 to index
    %get3A_2645 = memref.load %arg6[%get3A_2644] : memref<256xi32, #tpu.memory_space<smem>>
    %get3A_2646 = arith.index_cast %xor3A_2493 : i32 to index
    %get3A_2647 = memref.load %arg6[%get3A_2646] : memref<256xi32, #tpu.memory_space<smem>>
    %get3A_2648 = arith.index_cast %xor3A_2571 : i32 to index
    %get3A_2649 = memref.load %arg6[%get3A_2648] : memref<256xi32, #tpu.memory_space<smem>>
    %get3A_2650 = arith.index_cast %xor3A_2397 : i32 to index
    %get3A_2651 = memref.load %arg6[%get3A_2650] : memref<256xi32, #tpu.memory_space<smem>>
    %get3A_2652 = arith.index_cast %xor3A_2475 : i32 to index
    %get3A_2653 = memref.load %arg6[%get3A_2652] : memref<256xi32, #tpu.memory_space<smem>>
    %get3A_2654 = arith.index_cast %xor3A_2556 : i32 to index
    %get3A_2655 = memref.load %arg6[%get3A_2654] : memref<256xi32, #tpu.memory_space<smem>>
    %get3A_2656 = arith.index_cast %xor3A_2382 : i32 to index
    %get3A_2657 = memref.load %arg6[%get3A_2656] : memref<256xi32, #tpu.memory_space<smem>>
    %get3A_2658 = arith.index_cast %xor3A_2460 : i32 to index
    %get3A_2659 = memref.load %arg6[%get3A_2658] : memref<256xi32, #tpu.memory_space<smem>>
    %get3A_2660 = arith.index_cast %xor3A_2538 : i32 to index
    %get3A_2661 = memref.load %arg6[%get3A_2660] : memref<256xi32, #tpu.memory_space<smem>>
    %xor3A_2662 = arith.xori %get3A_2631, %get3A_2633 : i32
    %xor3A_2663 = arith.xori %xor3A_2662, %get3A_2635 : i32
    %xor3A_2664 = arith.xori %xor3A_2663, %get3A_2637 : i32
    %xor3A_2665 = arith.xori %get3A_2631, %xor3A_2664 : i32
    %xor3A_2666 = arith.xori %get3A_2631, %get3A_2633 : i32
    %shift_left3A_2667 = arith.constant 1 : i32
    %shift_left3A_2668 = arith.shli %xor3A_2666, %shift_left3A_2667 : i32
    %shift_right_arithmetic3A_2669 = arith.constant 7 : i32
    %shift_right_arithmetic3A_2670 = arith.shrsi %xor3A_2666, %shift_right_arithmetic3A_2669 : i32
    %and3A_2671 = arith.constant 1 : i32
    %and3A_2672 = arith.andi %shift_right_arithmetic3A_2670, %and3A_2671 : i32
    %mul3A_2673 = arith.constant 27 : i32
    %mul3A_2674 = arith.muli %and3A_2672, %mul3A_2673 : i32
    %xor3A_2675 = arith.xori %shift_left3A_2668, %mul3A_2674 : i32
    %and3A_2676 = arith.constant 255 : i32
    %and3A_2677 = arith.andi %xor3A_2675, %and3A_2676 : i32
    %xor3A_2678 = arith.xori %xor3A_2665, %and3A_2677 : i32
    %xor3A_2679 = arith.xori %xor3A_2678, %xor3A_2614 : i32
    %xor3A_2680 = arith.xori %get3A_2633, %xor3A_2664 : i32
    %xor3A_2681 = arith.xori %get3A_2633, %get3A_2635 : i32
    %shift_left3A_2682 = arith.constant 1 : i32
    %shift_left3A_2683 = arith.shli %xor3A_2681, %shift_left3A_2682 : i32
    %shift_right_arithmetic3A_2684 = arith.constant 7 : i32
    %shift_right_arithmetic3A_2685 = arith.shrsi %xor3A_2681, %shift_right_arithmetic3A_2684 : i32
    %and3A_2686 = arith.constant 1 : i32
    %and3A_2687 = arith.andi %shift_right_arithmetic3A_2685, %and3A_2686 : i32
    %mul3A_2688 = arith.constant 27 : i32
    %mul3A_2689 = arith.muli %and3A_2687, %mul3A_2688 : i32
    %xor3A_2690 = arith.xori %shift_left3A_2683, %mul3A_2689 : i32
    %and3A_2691 = arith.constant 255 : i32
    %and3A_2692 = arith.andi %xor3A_2690, %and3A_2691 : i32
    %xor3A_2693 = arith.xori %xor3A_2680, %and3A_2692 : i32
    %xor3A_2694 = arith.xori %xor3A_2693, %xor3A_2615 : i32
    %xor3A_2695 = arith.xori %get3A_2635, %xor3A_2664 : i32
    %xor3A_2696 = arith.xori %get3A_2635, %get3A_2637 : i32
    %shift_left3A_2697 = arith.constant 1 : i32
    %shift_left3A_2698 = arith.shli %xor3A_2696, %shift_left3A_2697 : i32
    %shift_right_arithmetic3A_2699 = arith.constant 7 : i32
    %shift_right_arithmetic3A_2700 = arith.shrsi %xor3A_2696, %shift_right_arithmetic3A_2699 : i32
    %and3A_2701 = arith.constant 1 : i32
    %and3A_2702 = arith.andi %shift_right_arithmetic3A_2700, %and3A_2701 : i32
    %mul3A_2703 = arith.constant 27 : i32
    %mul3A_2704 = arith.muli %and3A_2702, %mul3A_2703 : i32
    %xor3A_2705 = arith.xori %shift_left3A_2698, %mul3A_2704 : i32
    %and3A_2706 = arith.constant 255 : i32
    %and3A_2707 = arith.andi %xor3A_2705, %and3A_2706 : i32
    %xor3A_2708 = arith.xori %xor3A_2695, %and3A_2707 : i32
    %xor3A_2709 = arith.xori %xor3A_2708, %xor3A_2616 : i32
    %xor3A_2710 = arith.xori %get3A_2637, %xor3A_2664 : i32
    %xor3A_2711 = arith.xori %get3A_2637, %get3A_2631 : i32
    %shift_left3A_2712 = arith.constant 1 : i32
    %shift_left3A_2713 = arith.shli %xor3A_2711, %shift_left3A_2712 : i32
    %shift_right_arithmetic3A_2714 = arith.constant 7 : i32
    %shift_right_arithmetic3A_2715 = arith.shrsi %xor3A_2711, %shift_right_arithmetic3A_2714 : i32
    %and3A_2716 = arith.constant 1 : i32
    %and3A_2717 = arith.andi %shift_right_arithmetic3A_2715, %and3A_2716 : i32
    %mul3A_2718 = arith.constant 27 : i32
    %mul3A_2719 = arith.muli %and3A_2717, %mul3A_2718 : i32
    %xor3A_2720 = arith.xori %shift_left3A_2713, %mul3A_2719 : i32
    %and3A_2721 = arith.constant 255 : i32
    %and3A_2722 = arith.andi %xor3A_2720, %and3A_2721 : i32
    %xor3A_2723 = arith.xori %xor3A_2710, %and3A_2722 : i32
    %xor3A_2724 = arith.xori %xor3A_2723, %xor3A_2617 : i32
    %xor3A_2725 = arith.xori %get3A_2639, %get3A_2641 : i32
    %xor3A_2726 = arith.xori %xor3A_2725, %get3A_2643 : i32
    %xor3A_2727 = arith.xori %xor3A_2726, %get3A_2645 : i32
    %xor3A_2728 = arith.xori %get3A_2639, %xor3A_2727 : i32
    %xor3A_2729 = arith.xori %get3A_2639, %get3A_2641 : i32
    %shift_left3A_2730 = arith.constant 1 : i32
    %shift_left3A_2731 = arith.shli %xor3A_2729, %shift_left3A_2730 : i32
    %shift_right_arithmetic3A_2732 = arith.constant 7 : i32
    %shift_right_arithmetic3A_2733 = arith.shrsi %xor3A_2729, %shift_right_arithmetic3A_2732 : i32
    %and3A_2734 = arith.constant 1 : i32
    %and3A_2735 = arith.andi %shift_right_arithmetic3A_2733, %and3A_2734 : i32
    %mul3A_2736 = arith.constant 27 : i32
    %mul3A_2737 = arith.muli %and3A_2735, %mul3A_2736 : i32
    %xor3A_2738 = arith.xori %shift_left3A_2731, %mul3A_2737 : i32
    %and3A_2739 = arith.constant 255 : i32
    %and3A_2740 = arith.andi %xor3A_2738, %and3A_2739 : i32
    %xor3A_2741 = arith.xori %xor3A_2728, %and3A_2740 : i32
    %xor3A_2742 = arith.xori %xor3A_2741, %xor3A_2618 : i32
    %xor3A_2743 = arith.xori %get3A_2641, %xor3A_2727 : i32
    %xor3A_2744 = arith.xori %get3A_2641, %get3A_2643 : i32
    %shift_left3A_2745 = arith.constant 1 : i32
    %shift_left3A_2746 = arith.shli %xor3A_2744, %shift_left3A_2745 : i32
    %shift_right_arithmetic3A_2747 = arith.constant 7 : i32
    %shift_right_arithmetic3A_2748 = arith.shrsi %xor3A_2744, %shift_right_arithmetic3A_2747 : i32
    %and3A_2749 = arith.constant 1 : i32
    %and3A_2750 = arith.andi %shift_right_arithmetic3A_2748, %and3A_2749 : i32
    %mul3A_2751 = arith.constant 27 : i32
    %mul3A_2752 = arith.muli %and3A_2750, %mul3A_2751 : i32
    %xor3A_2753 = arith.xori %shift_left3A_2746, %mul3A_2752 : i32
    %and3A_2754 = arith.constant 255 : i32
    %and3A_2755 = arith.andi %xor3A_2753, %and3A_2754 : i32
    %xor3A_2756 = arith.xori %xor3A_2743, %and3A_2755 : i32
    %xor3A_2757 = arith.xori %xor3A_2756, %xor3A_2619 : i32
    %xor3A_2758 = arith.xori %get3A_2643, %xor3A_2727 : i32
    %xor3A_2759 = arith.xori %get3A_2643, %get3A_2645 : i32
    %shift_left3A_2760 = arith.constant 1 : i32
    %shift_left3A_2761 = arith.shli %xor3A_2759, %shift_left3A_2760 : i32
    %shift_right_arithmetic3A_2762 = arith.constant 7 : i32
    %shift_right_arithmetic3A_2763 = arith.shrsi %xor3A_2759, %shift_right_arithmetic3A_2762 : i32
    %and3A_2764 = arith.constant 1 : i32
    %and3A_2765 = arith.andi %shift_right_arithmetic3A_2763, %and3A_2764 : i32
    %mul3A_2766 = arith.constant 27 : i32
    %mul3A_2767 = arith.muli %and3A_2765, %mul3A_2766 : i32
    %xor3A_2768 = arith.xori %shift_left3A_2761, %mul3A_2767 : i32
    %and3A_2769 = arith.constant 255 : i32
    %and3A_2770 = arith.andi %xor3A_2768, %and3A_2769 : i32
    %xor3A_2771 = arith.xori %xor3A_2758, %and3A_2770 : i32
    %xor3A_2772 = arith.xori %xor3A_2771, %xor3A_2620 : i32
    %xor3A_2773 = arith.xori %get3A_2645, %xor3A_2727 : i32
    %xor3A_2774 = arith.xori %get3A_2645, %get3A_2639 : i32
    %shift_left3A_2775 = arith.constant 1 : i32
    %shift_left3A_2776 = arith.shli %xor3A_2774, %shift_left3A_2775 : i32
    %shift_right_arithmetic3A_2777 = arith.constant 7 : i32
    %shift_right_arithmetic3A_2778 = arith.shrsi %xor3A_2774, %shift_right_arithmetic3A_2777 : i32
    %and3A_2779 = arith.constant 1 : i32
    %and3A_2780 = arith.andi %shift_right_arithmetic3A_2778, %and3A_2779 : i32
    %mul3A_2781 = arith.constant 27 : i32
    %mul3A_2782 = arith.muli %and3A_2780, %mul3A_2781 : i32
    %xor3A_2783 = arith.xori %shift_left3A_2776, %mul3A_2782 : i32
    %and3A_2784 = arith.constant 255 : i32
    %and3A_2785 = arith.andi %xor3A_2783, %and3A_2784 : i32
    %xor3A_2786 = arith.xori %xor3A_2773, %and3A_2785 : i32
    %xor3A_2787 = arith.xori %xor3A_2786, %xor3A_2621 : i32
    %xor3A_2788 = arith.xori %get3A_2647, %get3A_2649 : i32
    %xor3A_2789 = arith.xori %xor3A_2788, %get3A_2651 : i32
    %xor3A_2790 = arith.xori %xor3A_2789, %get3A_2653 : i32
    %xor3A_2791 = arith.xori %get3A_2647, %xor3A_2790 : i32
    %xor3A_2792 = arith.xori %get3A_2647, %get3A_2649 : i32
    %shift_left3A_2793 = arith.constant 1 : i32
    %shift_left3A_2794 = arith.shli %xor3A_2792, %shift_left3A_2793 : i32
    %shift_right_arithmetic3A_2795 = arith.constant 7 : i32
    %shift_right_arithmetic3A_2796 = arith.shrsi %xor3A_2792, %shift_right_arithmetic3A_2795 : i32
    %and3A_2797 = arith.constant 1 : i32
    %and3A_2798 = arith.andi %shift_right_arithmetic3A_2796, %and3A_2797 : i32
    %mul3A_2799 = arith.constant 27 : i32
    %mul3A_2800 = arith.muli %and3A_2798, %mul3A_2799 : i32
    %xor3A_2801 = arith.xori %shift_left3A_2794, %mul3A_2800 : i32
    %and3A_2802 = arith.constant 255 : i32
    %and3A_2803 = arith.andi %xor3A_2801, %and3A_2802 : i32
    %xor3A_2804 = arith.xori %xor3A_2791, %and3A_2803 : i32
    %xor3A_2805 = arith.xori %xor3A_2804, %xor3A_2622 : i32
    %xor3A_2806 = arith.xori %get3A_2649, %xor3A_2790 : i32
    %xor3A_2807 = arith.xori %get3A_2649, %get3A_2651 : i32
    %shift_left3A_2808 = arith.constant 1 : i32
    %shift_left3A_2809 = arith.shli %xor3A_2807, %shift_left3A_2808 : i32
    %shift_right_arithmetic3A_2810 = arith.constant 7 : i32
    %shift_right_arithmetic3A_2811 = arith.shrsi %xor3A_2807, %shift_right_arithmetic3A_2810 : i32
    %and3A_2812 = arith.constant 1 : i32
    %and3A_2813 = arith.andi %shift_right_arithmetic3A_2811, %and3A_2812 : i32
    %mul3A_2814 = arith.constant 27 : i32
    %mul3A_2815 = arith.muli %and3A_2813, %mul3A_2814 : i32
    %xor3A_2816 = arith.xori %shift_left3A_2809, %mul3A_2815 : i32
    %and3A_2817 = arith.constant 255 : i32
    %and3A_2818 = arith.andi %xor3A_2816, %and3A_2817 : i32
    %xor3A_2819 = arith.xori %xor3A_2806, %and3A_2818 : i32
    %xor3A_2820 = arith.xori %xor3A_2819, %xor3A_2623 : i32
    %xor3A_2821 = arith.xori %get3A_2651, %xor3A_2790 : i32
    %xor3A_2822 = arith.xori %get3A_2651, %get3A_2653 : i32
    %shift_left3A_2823 = arith.constant 1 : i32
    %shift_left3A_2824 = arith.shli %xor3A_2822, %shift_left3A_2823 : i32
    %shift_right_arithmetic3A_2825 = arith.constant 7 : i32
    %shift_right_arithmetic3A_2826 = arith.shrsi %xor3A_2822, %shift_right_arithmetic3A_2825 : i32
    %and3A_2827 = arith.constant 1 : i32
    %and3A_2828 = arith.andi %shift_right_arithmetic3A_2826, %and3A_2827 : i32
    %mul3A_2829 = arith.constant 27 : i32
    %mul3A_2830 = arith.muli %and3A_2828, %mul3A_2829 : i32
    %xor3A_2831 = arith.xori %shift_left3A_2824, %mul3A_2830 : i32
    %and3A_2832 = arith.constant 255 : i32
    %and3A_2833 = arith.andi %xor3A_2831, %and3A_2832 : i32
    %xor3A_2834 = arith.xori %xor3A_2821, %and3A_2833 : i32
    %xor3A_2835 = arith.xori %xor3A_2834, %xor3A_2624 : i32
    %xor3A_2836 = arith.xori %get3A_2653, %xor3A_2790 : i32
    %xor3A_2837 = arith.xori %get3A_2653, %get3A_2647 : i32
    %shift_left3A_2838 = arith.constant 1 : i32
    %shift_left3A_2839 = arith.shli %xor3A_2837, %shift_left3A_2838 : i32
    %shift_right_arithmetic3A_2840 = arith.constant 7 : i32
    %shift_right_arithmetic3A_2841 = arith.shrsi %xor3A_2837, %shift_right_arithmetic3A_2840 : i32
    %and3A_2842 = arith.constant 1 : i32
    %and3A_2843 = arith.andi %shift_right_arithmetic3A_2841, %and3A_2842 : i32
    %mul3A_2844 = arith.constant 27 : i32
    %mul3A_2845 = arith.muli %and3A_2843, %mul3A_2844 : i32
    %xor3A_2846 = arith.xori %shift_left3A_2839, %mul3A_2845 : i32
    %and3A_2847 = arith.constant 255 : i32
    %and3A_2848 = arith.andi %xor3A_2846, %and3A_2847 : i32
    %xor3A_2849 = arith.xori %xor3A_2836, %and3A_2848 : i32
    %xor3A_2850 = arith.xori %xor3A_2849, %xor3A_2625 : i32
    %xor3A_2851 = arith.xori %get3A_2655, %get3A_2657 : i32
    %xor3A_2852 = arith.xori %xor3A_2851, %get3A_2659 : i32
    %xor3A_2853 = arith.xori %xor3A_2852, %get3A_2661 : i32
    %xor3A_2854 = arith.xori %get3A_2655, %xor3A_2853 : i32
    %xor3A_2855 = arith.xori %get3A_2655, %get3A_2657 : i32
    %shift_left3A_2856 = arith.constant 1 : i32
    %shift_left3A_2857 = arith.shli %xor3A_2855, %shift_left3A_2856 : i32
    %shift_right_arithmetic3A_2858 = arith.constant 7 : i32
    %shift_right_arithmetic3A_2859 = arith.shrsi %xor3A_2855, %shift_right_arithmetic3A_2858 : i32
    %and3A_2860 = arith.constant 1 : i32
    %and3A_2861 = arith.andi %shift_right_arithmetic3A_2859, %and3A_2860 : i32
    %mul3A_2862 = arith.constant 27 : i32
    %mul3A_2863 = arith.muli %and3A_2861, %mul3A_2862 : i32
    %xor3A_2864 = arith.xori %shift_left3A_2857, %mul3A_2863 : i32
    %and3A_2865 = arith.constant 255 : i32
    %and3A_2866 = arith.andi %xor3A_2864, %and3A_2865 : i32
    %xor3A_2867 = arith.xori %xor3A_2854, %and3A_2866 : i32
    %xor3A_2868 = arith.xori %xor3A_2867, %xor3A_2626 : i32
    %xor3A_2869 = arith.xori %get3A_2657, %xor3A_2853 : i32
    %xor3A_2870 = arith.xori %get3A_2657, %get3A_2659 : i32
    %shift_left3A_2871 = arith.constant 1 : i32
    %shift_left3A_2872 = arith.shli %xor3A_2870, %shift_left3A_2871 : i32
    %shift_right_arithmetic3A_2873 = arith.constant 7 : i32
    %shift_right_arithmetic3A_2874 = arith.shrsi %xor3A_2870, %shift_right_arithmetic3A_2873 : i32
    %and3A_2875 = arith.constant 1 : i32
    %and3A_2876 = arith.andi %shift_right_arithmetic3A_2874, %and3A_2875 : i32
    %mul3A_2877 = arith.constant 27 : i32
    %mul3A_2878 = arith.muli %and3A_2876, %mul3A_2877 : i32
    %xor3A_2879 = arith.xori %shift_left3A_2872, %mul3A_2878 : i32
    %and3A_2880 = arith.constant 255 : i32
    %and3A_2881 = arith.andi %xor3A_2879, %and3A_2880 : i32
    %xor3A_2882 = arith.xori %xor3A_2869, %and3A_2881 : i32
    %xor3A_2883 = arith.xori %xor3A_2882, %xor3A_2627 : i32
    %xor3A_2884 = arith.xori %get3A_2659, %xor3A_2853 : i32
    %xor3A_2885 = arith.xori %get3A_2659, %get3A_2661 : i32
    %shift_left3A_2886 = arith.constant 1 : i32
    %shift_left3A_2887 = arith.shli %xor3A_2885, %shift_left3A_2886 : i32
    %shift_right_arithmetic3A_2888 = arith.constant 7 : i32
    %shift_right_arithmetic3A_2889 = arith.shrsi %xor3A_2885, %shift_right_arithmetic3A_2888 : i32
    %and3A_2890 = arith.constant 1 : i32
    %and3A_2891 = arith.andi %shift_right_arithmetic3A_2889, %and3A_2890 : i32
    %mul3A_2892 = arith.constant 27 : i32
    %mul3A_2893 = arith.muli %and3A_2891, %mul3A_2892 : i32
    %xor3A_2894 = arith.xori %shift_left3A_2887, %mul3A_2893 : i32
    %and3A_2895 = arith.constant 255 : i32
    %and3A_2896 = arith.andi %xor3A_2894, %and3A_2895 : i32
    %xor3A_2897 = arith.xori %xor3A_2884, %and3A_2896 : i32
    %xor3A_2898 = arith.xori %xor3A_2897, %xor3A_2628 : i32
    %xor3A_2899 = arith.xori %get3A_2661, %xor3A_2853 : i32
    %xor3A_2900 = arith.xori %get3A_2661, %get3A_2655 : i32
    %shift_left3A_2901 = arith.constant 1 : i32
    %shift_left3A_2902 = arith.shli %xor3A_2900, %shift_left3A_2901 : i32
    %shift_right_arithmetic3A_2903 = arith.constant 7 : i32
    %shift_right_arithmetic3A_2904 = arith.shrsi %xor3A_2900, %shift_right_arithmetic3A_2903 : i32
    %and3A_2905 = arith.constant 1 : i32
    %and3A_2906 = arith.andi %shift_right_arithmetic3A_2904, %and3A_2905 : i32
    %mul3A_2907 = arith.constant 27 : i32
    %mul3A_2908 = arith.muli %and3A_2906, %mul3A_2907 : i32
    %xor3A_2909 = arith.xori %shift_left3A_2902, %mul3A_2908 : i32
    %and3A_2910 = arith.constant 255 : i32
    %and3A_2911 = arith.andi %xor3A_2909, %and3A_2910 : i32
    %xor3A_2912 = arith.xori %xor3A_2899, %and3A_2911 : i32
    %xor3A_2913 = arith.xori %xor3A_2912, %xor3A_2629 : i32
    %get3A_2914 = arith.constant 9 : i32
    %get3A_2915 = arith.index_cast %get3A_2914 : i32 to index
    %get3A_2916 = memref.load %arg7[%get3A_2915] : memref<10xi32, #tpu.memory_space<smem>>
    %get3A_2917 = arith.index_cast %xor3A_2627 : i32 to index
    %get3A_2918 = memref.load %arg6[%get3A_2917] : memref<256xi32, #tpu.memory_space<smem>>
    %xor3A_2919 = arith.xori %get3A_2918, %get3A_2916 : i32
    %get3A_2920 = arith.index_cast %xor3A_2628 : i32 to index
    %get3A_2921 = memref.load %arg6[%get3A_2920] : memref<256xi32, #tpu.memory_space<smem>>
    %get3A_2922 = arith.index_cast %xor3A_2629 : i32 to index
    %get3A_2923 = memref.load %arg6[%get3A_2922] : memref<256xi32, #tpu.memory_space<smem>>
    %get3A_2924 = arith.index_cast %xor3A_2626 : i32 to index
    %get3A_2925 = memref.load %arg6[%get3A_2924] : memref<256xi32, #tpu.memory_space<smem>>
    %xor3A_2926 = arith.xori %xor3A_2614, %xor3A_2919 : i32
    %xor3A_2927 = arith.xori %xor3A_2615, %get3A_2921 : i32
    %xor3A_2928 = arith.xori %xor3A_2616, %get3A_2923 : i32
    %xor3A_2929 = arith.xori %xor3A_2617, %get3A_2925 : i32
    %xor3A_2930 = arith.xori %xor3A_2926, %xor3A_2618 : i32
    %xor3A_2931 = arith.xori %xor3A_2927, %xor3A_2619 : i32
    %xor3A_2932 = arith.xori %xor3A_2928, %xor3A_2620 : i32
    %xor3A_2933 = arith.xori %xor3A_2929, %xor3A_2621 : i32
    %xor3A_2934 = arith.xori %xor3A_2930, %xor3A_2622 : i32
    %xor3A_2935 = arith.xori %xor3A_2931, %xor3A_2623 : i32
    %xor3A_2936 = arith.xori %xor3A_2932, %xor3A_2624 : i32
    %xor3A_2937 = arith.xori %xor3A_2933, %xor3A_2625 : i32
    %xor3A_2938 = arith.xori %xor3A_2934, %xor3A_2626 : i32
    %xor3A_2939 = arith.xori %xor3A_2935, %xor3A_2627 : i32
    %xor3A_2940 = arith.xori %xor3A_2936, %xor3A_2628 : i32
    %xor3A_2941 = arith.xori %xor3A_2937, %xor3A_2629 : i32
    %get3A_2942 = arith.index_cast %xor3A_2679 : i32 to index
    %get3A_2943 = memref.load %arg6[%get3A_2942] : memref<256xi32, #tpu.memory_space<smem>>
    %xor3A_2944 = arith.xori %get3A_2943, %xor3A_2926 : i32
    %swap3A = arith.constant 0 : i32
    %swap3A_2945 = arith.index_cast %swap3A : i32 to index
    %swap3A_2946 = memref.load %arg8[%swap3A_2945] : memref<16xi32, #tpu.memory_space<smem>>
    memref.store %xor3A_2944, %arg8[%swap3A_2945] : memref<16xi32, #tpu.memory_space<smem>>
    %get3A_2947 = arith.index_cast %xor3A_2757 : i32 to index
    %get3A_2948 = memref.load %arg6[%get3A_2947] : memref<256xi32, #tpu.memory_space<smem>>
    %xor3A_2949 = arith.xori %get3A_2948, %xor3A_2927 : i32
    %swap3A_2950 = arith.constant 1 : i32
    %swap3A_2951 = arith.index_cast %swap3A_2950 : i32 to index
    %swap3A_2952 = memref.load %arg8[%swap3A_2951] : memref<16xi32, #tpu.memory_space<smem>>
    memref.store %xor3A_2949, %arg8[%swap3A_2951] : memref<16xi32, #tpu.memory_space<smem>>
    %get3A_2953 = arith.index_cast %xor3A_2835 : i32 to index
    %get3A_2954 = memref.load %arg6[%get3A_2953] : memref<256xi32, #tpu.memory_space<smem>>
    %xor3A_2955 = arith.xori %get3A_2954, %xor3A_2928 : i32
    %swap3A_2956 = arith.constant 2 : i32
    %swap3A_2957 = arith.index_cast %swap3A_2956 : i32 to index
    %swap3A_2958 = memref.load %arg8[%swap3A_2957] : memref<16xi32, #tpu.memory_space<smem>>
    memref.store %xor3A_2955, %arg8[%swap3A_2957] : memref<16xi32, #tpu.memory_space<smem>>
    %get3A_2959 = arith.index_cast %xor3A_2913 : i32 to index
    %get3A_2960 = memref.load %arg6[%get3A_2959] : memref<256xi32, #tpu.memory_space<smem>>
    %xor3A_2961 = arith.xori %get3A_2960, %xor3A_2929 : i32
    %swap3A_2962 = arith.constant 3 : i32
    %swap3A_2963 = arith.index_cast %swap3A_2962 : i32 to index
    %swap3A_2964 = memref.load %arg8[%swap3A_2963] : memref<16xi32, #tpu.memory_space<smem>>
    memref.store %xor3A_2961, %arg8[%swap3A_2963] : memref<16xi32, #tpu.memory_space<smem>>
    %get3A_2965 = arith.index_cast %xor3A_2742 : i32 to index
    %get3A_2966 = memref.load %arg6[%get3A_2965] : memref<256xi32, #tpu.memory_space<smem>>
    %xor3A_2967 = arith.xori %get3A_2966, %xor3A_2930 : i32
    %swap3A_2968 = arith.constant 4 : i32
    %swap3A_2969 = arith.index_cast %swap3A_2968 : i32 to index
    %swap3A_2970 = memref.load %arg8[%swap3A_2969] : memref<16xi32, #tpu.memory_space<smem>>
    memref.store %xor3A_2967, %arg8[%swap3A_2969] : memref<16xi32, #tpu.memory_space<smem>>
    %get3A_2971 = arith.index_cast %xor3A_2820 : i32 to index
    %get3A_2972 = memref.load %arg6[%get3A_2971] : memref<256xi32, #tpu.memory_space<smem>>
    %xor3A_2973 = arith.xori %get3A_2972, %xor3A_2931 : i32
    %swap3A_2974 = arith.constant 5 : i32
    %swap3A_2975 = arith.index_cast %swap3A_2974 : i32 to index
    %swap3A_2976 = memref.load %arg8[%swap3A_2975] : memref<16xi32, #tpu.memory_space<smem>>
    memref.store %xor3A_2973, %arg8[%swap3A_2975] : memref<16xi32, #tpu.memory_space<smem>>
    %get3A_2977 = arith.index_cast %xor3A_2898 : i32 to index
    %get3A_2978 = memref.load %arg6[%get3A_2977] : memref<256xi32, #tpu.memory_space<smem>>
    %xor3A_2979 = arith.xori %get3A_2978, %xor3A_2932 : i32
    %swap3A_2980 = arith.constant 6 : i32
    %swap3A_2981 = arith.index_cast %swap3A_2980 : i32 to index
    %swap3A_2982 = memref.load %arg8[%swap3A_2981] : memref<16xi32, #tpu.memory_space<smem>>
    memref.store %xor3A_2979, %arg8[%swap3A_2981] : memref<16xi32, #tpu.memory_space<smem>>
    %get3A_2983 = arith.index_cast %xor3A_2724 : i32 to index
    %get3A_2984 = memref.load %arg6[%get3A_2983] : memref<256xi32, #tpu.memory_space<smem>>
    %xor3A_2985 = arith.xori %get3A_2984, %xor3A_2933 : i32
    %swap3A_2986 = arith.constant 7 : i32
    %swap3A_2987 = arith.index_cast %swap3A_2986 : i32 to index
    %swap3A_2988 = memref.load %arg8[%swap3A_2987] : memref<16xi32, #tpu.memory_space<smem>>
    memref.store %xor3A_2985, %arg8[%swap3A_2987] : memref<16xi32, #tpu.memory_space<smem>>
    %get3A_2989 = arith.index_cast %xor3A_2805 : i32 to index
    %get3A_2990 = memref.load %arg6[%get3A_2989] : memref<256xi32, #tpu.memory_space<smem>>
    %xor3A_2991 = arith.xori %get3A_2990, %xor3A_2934 : i32
    %swap3A_2992 = arith.constant 8 : i32
    %swap3A_2993 = arith.index_cast %swap3A_2992 : i32 to index
    %swap3A_2994 = memref.load %arg8[%swap3A_2993] : memref<16xi32, #tpu.memory_space<smem>>
    memref.store %xor3A_2991, %arg8[%swap3A_2993] : memref<16xi32, #tpu.memory_space<smem>>
    %get3A_2995 = arith.index_cast %xor3A_2883 : i32 to index
    %get3A_2996 = memref.load %arg6[%get3A_2995] : memref<256xi32, #tpu.memory_space<smem>>
    %xor3A_2997 = arith.xori %get3A_2996, %xor3A_2935 : i32
    %swap3A_2998 = arith.constant 9 : i32
    %swap3A_2999 = arith.index_cast %swap3A_2998 : i32 to index
    %swap3A_3000 = memref.load %arg8[%swap3A_2999] : memref<16xi32, #tpu.memory_space<smem>>
    memref.store %xor3A_2997, %arg8[%swap3A_2999] : memref<16xi32, #tpu.memory_space<smem>>
    %get3A_3001 = arith.index_cast %xor3A_2709 : i32 to index
    %get3A_3002 = memref.load %arg6[%get3A_3001] : memref<256xi32, #tpu.memory_space<smem>>
    %xor3A_3003 = arith.xori %get3A_3002, %xor3A_2936 : i32
    %swap3A_3004 = arith.constant 10 : i32
    %swap3A_3005 = arith.index_cast %swap3A_3004 : i32 to index
    %swap3A_3006 = memref.load %arg8[%swap3A_3005] : memref<16xi32, #tpu.memory_space<smem>>
    memref.store %xor3A_3003, %arg8[%swap3A_3005] : memref<16xi32, #tpu.memory_space<smem>>
    %get3A_3007 = arith.index_cast %xor3A_2787 : i32 to index
    %get3A_3008 = memref.load %arg6[%get3A_3007] : memref<256xi32, #tpu.memory_space<smem>>
    %xor3A_3009 = arith.xori %get3A_3008, %xor3A_2937 : i32
    %swap3A_3010 = arith.constant 11 : i32
    %swap3A_3011 = arith.index_cast %swap3A_3010 : i32 to index
    %swap3A_3012 = memref.load %arg8[%swap3A_3011] : memref<16xi32, #tpu.memory_space<smem>>
    memref.store %xor3A_3009, %arg8[%swap3A_3011] : memref<16xi32, #tpu.memory_space<smem>>
    %get3A_3013 = arith.index_cast %xor3A_2868 : i32 to index
    %get3A_3014 = memref.load %arg6[%get3A_3013] : memref<256xi32, #tpu.memory_space<smem>>
    %xor3A_3015 = arith.xori %get3A_3014, %xor3A_2938 : i32
    %swap3A_3016 = arith.constant 12 : i32
    %swap3A_3017 = arith.index_cast %swap3A_3016 : i32 to index
    %swap3A_3018 = memref.load %arg8[%swap3A_3017] : memref<16xi32, #tpu.memory_space<smem>>
    memref.store %xor3A_3015, %arg8[%swap3A_3017] : memref<16xi32, #tpu.memory_space<smem>>
    %get3A_3019 = arith.index_cast %xor3A_2694 : i32 to index
    %get3A_3020 = memref.load %arg6[%get3A_3019] : memref<256xi32, #tpu.memory_space<smem>>
    %xor3A_3021 = arith.xori %get3A_3020, %xor3A_2939 : i32
    %swap3A_3022 = arith.constant 13 : i32
    %swap3A_3023 = arith.index_cast %swap3A_3022 : i32 to index
    %swap3A_3024 = memref.load %arg8[%swap3A_3023] : memref<16xi32, #tpu.memory_space<smem>>
    memref.store %xor3A_3021, %arg8[%swap3A_3023] : memref<16xi32, #tpu.memory_space<smem>>
    %get3A_3025 = arith.index_cast %xor3A_2772 : i32 to index
    %get3A_3026 = memref.load %arg6[%get3A_3025] : memref<256xi32, #tpu.memory_space<smem>>
    %xor3A_3027 = arith.xori %get3A_3026, %xor3A_2940 : i32
    %swap3A_3028 = arith.constant 14 : i32
    %swap3A_3029 = arith.index_cast %swap3A_3028 : i32 to index
    %swap3A_3030 = memref.load %arg8[%swap3A_3029] : memref<16xi32, #tpu.memory_space<smem>>
    memref.store %xor3A_3027, %arg8[%swap3A_3029] : memref<16xi32, #tpu.memory_space<smem>>
    %get3A_3031 = arith.index_cast %xor3A_2850 : i32 to index
    %get3A_3032 = memref.load %arg6[%get3A_3031] : memref<256xi32, #tpu.memory_space<smem>>
    %xor3A_3033 = arith.xori %get3A_3032, %xor3A_2941 : i32
    %swap3A_3034 = arith.constant 15 : i32
    %swap3A_3035 = arith.index_cast %swap3A_3034 : i32 to index
    %swap3A_3036 = memref.load %arg8[%swap3A_3035] : memref<16xi32, #tpu.memory_space<smem>>
    memref.store %xor3A_3033, %arg8[%swap3A_3035] : memref<16xi32, #tpu.memory_space<smem>>
    "tpu.region"() ({
      %run_scoped3A = tpu.sem_alloc : memref<!tpu.dma_semaphore, #tpu.memory_space<semaphore_mem>>
      tpu.enqueue_dma source(%arg8 : memref<16xi32, #tpu.memory_space<smem>>) target(%arg5 : memref<16xi32, #tpu.memory_space<hbm>>) target_semaphore(%run_scoped3A : memref<!tpu.dma_semaphore, #tpu.memory_space<semaphore_mem>>)
      tpu.wait_dma2 semaphore(%run_scoped3A : memref<!tpu.dma_semaphore, #tpu.memory_space<semaphore_mem>>) src(%arg8 : memref<16xi32, #tpu.memory_space<smem>>) dst(%arg5 : memref<16xi32, #tpu.memory_space<hbm>>)
      tpu.yield
    }) : () -> ()
    return
  }
}

</mosaic_0001>

<sc_bundles>
// kernel: kernel.3.cloned.1.call-start
scs
__scs_entry_jumppad:
0x0: {  	(pc) =	sbr.rel $0x88, $3  }
0x1: {  	(tag) =	ssettag $0x0;
	lr =	simm.s32 $0x1  }
0x2: {  	[smem:$0x3F9D] =	sst lr;
	_ =	strace $0xD0000000  }
0x3: {  	_ = 	snop  }
0x4: {  	_ = 	snop  }
0x5: {  	_ = 	snop  }
0x6: {  	_ = 	snop  }
0x7: {  	_ = 	snop  }
__scs_overlays_trampoline_lowered:
0x8: {  	[smem:$0x3FAC] =	sst s0  }
0x9: {  	[smem:$0x3FAD] =	sst s1  }
0xa: {  	[smem:$0x3FAE] =	sst s2  }
0xb: {  	[smem:$0x3FAF] =	sst s3  }
0xc: {  	[smem:$0x3FB0] =	sst s4  }
0xd: {  	[smem:$0x3FB1] =	sst s5  }
0xe: {  	[smem:$0x3FB2] =	sst s6  }
0xf: {  	[smem:$0x3FB3] =	sst s7  }
0x10: {  	[smem:$0x3FB4] =	sst s8  }
0x11: {  	[smem:$0x3FB5] =	sst s9;
	s0 =	simm.s32 @!p0 $0x0  }
0x12: {  	s1 =	sld [smem:$0x3F9B];
	s0 =	simm.s32 @p0 $0x1  }
0x13: {  	[smem:$0x3FB6] =	sst s0;
	s0 =	simm.s32 @!p1 $0x0  }
0x14: {  	s2 =	sld [smem:$0x3F9A];
	s0 =	simm.s32 @p1 $0x1  }
0x15: {  	[smem:$0x3FB7] =	sst s0;
	s0 =	simm.s32 @!p2 $0x0  }
0x16: {  	s3 =	sld [smem:$0x3FDB];
	s0 =	simm.s32 @p2 $0x1  }
0x17: {  	s4 =	simm.s32 $0x1BF5;
	[smem:$0x3FB9] =	sst s0  }
0x18: {  	s0 =	sld [smem:$0x3F9C];
	_ =	swait.ge [sflag:s4], $0x0  }
0x19: {  	s7 =	sld [smem:$0x3F9D]  }
0x1a: {  	s8 =	sadd.s32 $0xFFFFE003, lr  }
0x1b: {  	s9 =	sadd.s32 $0xFFFFFEF7, lr;
	s5 =	simm.s32 $0xFFFFFFFF;
	p2 =	slt.u32 s8, $0xFFFFF086  }
0x1c: {  	p1 =	slt.u32 s9, $0xF7A;
	s5 =	simm.s32 @!p2 $0x0  }
0x1d: {  	s5 =	simm.s32 @p1 $0x1;
	p0 =	seq.s32 s7, s2  }
0x1e: {  	s7 =	smul.u32 @!p0 $0xF7A, s2;
	p2 =	seq.s32 @!p0 s5, $0x0  }
0x1f: {  	s9 =	smul.u32 $0xF7A, s1;
	s8 =	simm.s32 @!p0 $0x1BF5;
	p2 =	por !p2, p0  }
0x20: {  	[sflag:s8] =	ssyncset.s32 @!p0 $0xFFFFF086;
	s6 =	sadd.s32 @!p0 s3, s7;
	s7 =	simm.s32 @!p0 $0x108  }
0x21: {  	s3 =	sadd.s32 s3, s9;
	s6 =	sadd.s32 @!p0 $0x88, s6;
	s7 =	simm.s32 @p2 $0x1082  }
0x22: {  	[simem:s7], [sflag:s8] =	dma.local @!p0 [hbm:s6], $0xF7A  }
0x23: {  	s9 =	sor.u32 $0xD0000000, s2;
	s6 =	simm.s32 $0x108;
	_ =	swait.ge @!p0 [sflag:s8], $0x0  }
0x24: {  	s3 =	sadd.s32 $0x88, s3;
	s6 =	simm.s32 @!p1 $0x1082;
	[sflag:s4] =	ssyncset.s32 $0xFFFFF086  }
0x25: {  	[simem:s6], [sflag:s4] =	dma.local [hbm:s3], $0xF7A  }
0x26: {  	[smem:$0x3F9D] =	sst s1;
	(tag) =	ssettag s2;
	_ =	strace s9  }
0x27: {  	s1 =	sld [smem:$0x3FAD]  }
0x28: {  	s2 =	sld [smem:$0x3FAE]  }
0x29: {  	s4 =	sld [smem:$0x3FB0]  }
0x2a: {  	p0 =	seq.s32 s5, $0x0;
	s5 =	sld [smem:$0x3FB1]  }
0x2b: {  	s6 =	sld [smem:$0x3FB2]  }
0x2c: {  	s7 =	sld [smem:$0x3FB3]  }
0x2d: {  	s3 =	simm.s32 $0x108;
	s8 =	sld [smem:$0x3FB4]  }
0x2e: {  	s3 =	simm.s32 @!p0 $0x1082;
	s9 =	sld [smem:$0x3FB5]  }
0x2f: {  	lr =	sadd.s32 s0, s3;
	s0 =	sld [smem:$0x3FAC]  }
0x30: {  	s3 =	sld [smem:$0x3FAF]  }
0x31: {  	[smem:$0x3FB8] =	sst s10  }
0x32: {  	s10 =	sld [smem:$0x3FB6];
	_ =	sdelay $0x3  }
0x33: {  	p0 =	seq.s32 s10, $0x1;
	s10 =	sld [smem:$0x3FB8];
	_ =	sdelay $0x3  }
0x34: {  	[smem:$0x3FB8] =	sst s10  }
0x35: {  	s10 =	sld [smem:$0x3FB7];
	_ =	sdelay $0x3  }
0x36: {  	p1 =	seq.s32 s10, $0x1;
	s10 =	sld [smem:$0x3FB8];
	_ =	sdelay $0x3  }
0x37: {  	[smem:$0x3FB8] =	sst s10  }
0x38: {  	s10 =	sld [smem:$0x3FB9]  }
0x39: {  	_ = 	snop;
	(pc) =	sbr.ind lr, $3  }
0x3a: {  	_ = 	snop  }
0x3b: {  	_ = 	snop  }
0x3c: {  	p2 =	seq.s32 s10, $0x1;
	s10 =	sld [smem:$0x3FB8]  }
0x3d: {  	_ =	shalt  }
0x3e: {  	_ =	shalt  }
0x3f: {  	_ =	shalt  }
0x40: {  	_ =	shalt  }
0x41: {  	_ =	shalt  }
0x42: {  	_ =	shalt  }
0x43: {  	_ =	shalt  }
0x44: {  	_ =	shalt  }
0x45: {  	_ =	shalt  }
0x46: {  	_ =	shalt  }
0x47: {  	_ =	shalt  }
0x48: {  	_ =	shalt  }
0x49: {  	_ =	shalt  }
0x4a: {  	_ =	shalt  }
0x4b: {  	_ =	shalt  }
0x4c: {  	_ =	shalt  }
0x4d: {  	_ =	shalt  }
0x4e: {  	_ =	shalt  }
0x4f: {  	_ =	shalt  }
0x50: {  	_ =	shalt  }
0x51: {  	_ =	shalt  }
0x52: {  	_ =	shalt  }
0x53: {  	_ =	shalt  }
0x54: {  	_ =	shalt  }
0x55: {  	_ =	shalt  }
0x56: {  	_ =	shalt  }
0x57: {  	_ =	shalt  }
0x58: {  	_ =	shalt  }
0x59: {  	_ =	shalt  }
0x5a: {  	_ =	shalt  }
0x5b: {  	_ =	shalt  }
0x5c: {  	_ =	shalt  }
0x5d: {  	_ =	shalt  }
0x5e: {  	_ =	shalt  }
0x5f: {  	_ =	shalt  }
0x60: {  	_ =	shalt  }
0x61: {  	_ =	shalt  }
0x62: {  	_ =	shalt  }
0x63: {  	_ =	shalt  }
0x64: {  	_ =	shalt  }
0x65: {  	_ =	shalt  }
0x66: {  	_ =	shalt  }
0x67: {  	_ =	shalt  }
0x68: {  	_ =	shalt  }
0x69: {  	_ =	shalt  }
0x6a: {  	_ =	shalt  }
0x6b: {  	_ =	shalt  }
0x6c: {  	_ =	shalt  }
0x6d: {  	_ =	shalt  }
0x6e: {  	_ =	shalt  }
0x6f: {  	_ =	shalt  }
0x70: {  	_ =	shalt  }
0x71: {  	_ =	shalt  }
0x72: {  	_ =	shalt  }
0x73: {  	_ =	shalt  }
0x74: {  	_ =	shalt  }
0x75: {  	_ =	shalt  }
0x76: {  	_ =	shalt  }
0x77: {  	_ =	shalt  }
0x78: {  	_ =	shalt  }
0x79: {  	_ =	shalt  }
0x7a: {  	_ =	shalt  }
0x7b: {  	_ =	shalt  }
0x7c: {  	_ =	shalt  }
0x7d: {  	_ =	shalt  }
0x7e: {  	_ =	shalt  }
0x7f: {  	_ =	shalt  }
0x80: {  	_ =	shalt  }
0x81: {  	_ =	shalt  }
0x82: {  	_ =	shalt  }
0x83: {  	_ =	shalt  }
0x84: {  	_ =	shalt  }
0x85: {  	_ =	shalt  }
0x86: {  	_ =	shalt  }
0x87: {  	_ =	shalt  }
.Lfunc_end0:
.L_simem_size_0:
called_computation_lowered:
.L_overlay_start_0:
0x88: {  	s0 =	sld [smem:$0x3FD9]  }
0x89: {  	s1 =	sld [smem:$0x3FFE];
	_ =	sdelay $0x3  }
0x8a: {  	s0 =	sadd.s32 s1, s0  }
0x8b: {  	[smem:$0x3FC4] =	sst s0  }
0x8c: {  	_ = 	snop  }
0x8d: {  	s0 =	sld [smem:$0x3FC9]  }
0x8e: {  	s24 =	sld [smem:$0x3FC8]  }
0x8f: {  	s2 =	sld [smem:$0x3FC7]  }
0x90: {  	s3 =	sld [smem:$0x3FC6];
	(tm) =	ssettm $0x1  }
0x91: {  	s4 =	sld [smem:$0x3FFB];
	_ =	sdelay $0x3  }
0x92: {  	_ =	strace s4  }
0x93: {  	s4 =	sld [smem:$0x3FFC];
	_ =	sdelay $0x3  }
0x94: {  	_ =	strace s4  }
0x95: {  	s4 =	sld [smem:$0x3FFD];
	_ =	sdelay $0x3  }
0x96: {  	_ =	strace s4  }
0x97: {  	s25 =	simm.s32 $0x1B8B;
	_ =	strace $0x8FFFFFFF  }
0x98: {  	_ =	swait.ge [sflag:s25], $0x1  }
0x99: {  	[sflag:s25] =	ssyncset.done $0x0  }
0x9a: {  	s26 =	simm.s32 $0x1B8E;
	s28 =	simm.s32 $0x9;
	[sflag:s25] =	ssyncadd.s32 $0xFFFFFFFF  }
0x9b: {  	s5 =	simm.s32 $0x10;
	s29 =	simm.s32 $0x110;
	[smem:$0x3FD2] =	sst s26  }
0x9c: {  	s30 =	simm.s32 $0x190;
	s31 =	simm.s32 $0x210;
	_ =	strace $0x80000046  }
0x9d: {  	[smem:s5], [sflag:s28] =	dma.local [hbm:s2], $0x20  }
0x9e: {  	[smem:s29], [sflag:s28] =	dma.local [hbm:s3], $0x10  }
0x9f: {  	[smem:s30], [sflag:s28] =	dma.local [hbm:s0], $0x10  }
0xa0: {  	[smem:s31], [sflag:s28] =	dma.local [hbm:s24], $0x10  }
0xa1: {  	_ =	swait.ge [sflag:s28], $0x20  }
0xa2: {  	[sflag:s28] =	ssyncset.done $0x0  }
0xa3: {  	[sflag:s28] =	ssyncadd.s32 $0xFFFFFFE0;
	_ =	sdelay $0x2  }
0xa4: {  	_ =	swait.ge [sflag:s28], $0x10  }
0xa5: {  	[sflag:s28] =	ssyncset.done $0x0  }
0xa6: {  	[sflag:s28] =	ssyncadd.s32 $0xFFFFFFF0;
	_ =	sdelay $0x2  }
0xa7: {  	_ =	swait.ge [sflag:s28], $0x10  }
0xa8: {  	[sflag:s28] =	ssyncset.done $0x0  }
0xa9: {  	[sflag:s28] =	ssyncadd.s32 $0xFFFFFFF0;
	_ =	sdelay $0x2  }
0xaa: {  	_ =	swait.ge [sflag:s28], $0x10  }
0xab: {  	[sflag:s28] =	ssyncset.done $0x0  }
0xac: {  	[sflag:s28] =	ssyncadd.s32 $0xFFFFFFF0  }
0xad: {  	s2 =	sld [smem:$0x210]  }
0xae: {  	s3 =	sld [smem:$0x211]  }
0xaf: {  	s5 =	sld [smem:$0x212]  }
0xb0: {  	s6 =	sld [smem:$0x213]  }
0xb1: {  	s12 =	sld [smem:$0x214]  }
0xb2: {  	s29 =	sld [smem:$0x215]  }
0xb3: {  	s1 =	sld [smem:$0x219]  }
0xb4: {  	s8 =	sld [smem:$0x21A]  }
0xb5: {  	s30 =	sld [smem:$0x21C]  }
0xb6: {  	s28 =	sld [smem:$0x21D]  }
0xb7: {  	s26 =	sld [smem:$0x21E]  }
0xb8: {  	s16 =	sld [smem:$0x21F]  }
0xb9: {  	s11 =	sld [smem:$0x190]  }
0xba: {  	s7 =	sld [smem:$0x191]  }
0xbb: {  	s9 =	sld [smem:$0x192]  }
0xbc: {  	s10 =	sld [smem:$0x193]  }
0xbd: {  	s13 =	sld [smem:$0x195]  }
0xbe: {  	s14 =	sld [smem:$0x19A]  }
0xbf: {  	s15 =	sld [smem:$0x19F]  }
0xc0: {  	s18 =	sld [smem:$0x110]  }
0xc1: {  	s20 =	sld [smem:s28+$0x10]  }
0xc2: {  	s21 =	sld [smem:s26+$0x10]  }
0xc3: {  	s22 =	sld [smem:s16+$0x10]  }
0xc4: {  	s23 =	sld [smem:s30+$0x10]  }
0xc5: {  	[smem:$0x3F4C] =	sst s29  }
0xc6: {  	[dreg:$0x1] =	wrdreg s16  }
0xc7: {  	[smem:$0x3F4B] =	sst s12  }
0xc8: {  	s4 =	sxor.u32 s2, s11;
	[dreg:$0x2] =	wrdreg s30  }
0xc9: {  	s13 =	sxor.u32 s29, s13;
	s24 =	sld [smem:s4+$0x10]  }
0xca: {  	s17 =	sxor.u32 s8, s14;
	s25 =	sld [smem:s13+$0x10]  }
0xcb: {  	s19 =	sxor.u32 s3, s7;
	s7 =	sld [smem:s17+$0x10]  }
0xcc: {  	s17 =	sxor.u32 s5, s9;
	s4 =	sxor.u32 s6, s10;
	s19 =	sld [smem:s19+$0x10]  }
0xcd: {  	s17 =	sld [smem:s17+$0x10];
	s18 =	sxor.u32 s20, s18;
	s20 =	sxor.u32 s16, s15  }
0xce: {  	s13 =	sxor.u32 s3, s21;
	s15 =	sxor.u32 s6, s23;
	s21 =	sld [smem:$0x194]  }
0xcf: {  	s14 =	sxor.u32 s2, s18;
	s18 =	sxor.u32 s5, s22;
	s2 =	sxor.u32 s24, s25  }
0xd0: {  	s3 =	sld [smem:s20+$0x10];
	s5 =	sxor.u32 s25, s7;
	s31 =	sshll.u32 s2, $0x18  }
0xd1: {  	s11 =	sshll.u32 s2, $0x1;
	s20 =	sshll.u32 s5, $0x18;
	s6 =	sshll.u32 s5, $0x1  }
0xd2: {  	s0 =	sshra.s32 s31, $0x1F;
	s9 =	sand.u32 $0xFE, s11;
	s10 =	sshra.s32 s20, $0x1F  }
0xd3: {  	s6 =	sand.u32 $0xFE, s6;
	s31 =	sld [smem:$0x199];
	s0 =	sand.u32 $0x1B, s0  }
0xd4: {  	s10 =	sand.u32 $0x1B, s10;
	s5 =	sxor.u32 s7, s3;
	s0 =	sxor.u32 s0, s9  }
0xd5: {  	s6 =	sxor.u32 s10, s6;
	s7 =	sxor.u32 s7, s2;
	s11 =	sshll.u32 s5, $0x18  }
0xd6: {  	s6 =	sxor.u32 s13, s6;
	s23 =	sshll.u32 s5, $0x1;
	s5 =	smov.u32 s12  }
0xd7: {  	s0 =	sxor.u32 s14, s0;
	s9 =	sshra.s32 s11, $0x1F;
	s6 =	sxor.u32 s25, s6  }
0xd8: {  	s10 =	sand.u32 $0xFE, s23;
	s25 =	sxor.u32 s12, s21;
	s21 =	sxor.u32 s1, s31  }
0xd9: {  	s31 =	sld [smem:$0x19E];
	s0 =	sxor.u32 s24, s0;
	s11 =	sxor.u32 s3, s7  }
0xda: {  	s23 =	sxor.u32 s24, s3;
	s9 =	sand.u32 $0x1B, s9;
	s20 =	sld [smem:s25+$0x10]  }
0xdb: {  	s21 =	sld [smem:s21+$0x10];
	s0 =	sxor.u32 s11, s0;
	s12 =	sxor.u32 s11, s6  }
0xdc: {  	s6 =	sshll.u32 s23, $0x1;
	s9 =	sxor.u32 s9, s10;
	[smem:$0x3F4A] =	sst s0  }
0xdd: {  	[dreg:$0x5] =	wrdreg s12;
	s12 =	smov.u32 s26;
	s9 =	sxor.u32 s18, s9  }
0xde: {  	s6 =	sand.u32 $0xFE, s6;
	[dreg:$0x0] =	wrdreg s12;
	s2 =	sxor.u32 s2, s9  }
0xdf: {  	s24 =	sxor.u32 s26, s31;
	s26 =	sshll.u32 s23, $0x18;
	s9 =	sld [smem:$0x218]  }
0xe0: {  	s31 =	sld [smem:$0x198];
	s25 =	sxor.u32 s3, s2;
	s2 =	sshra.s32 s26, $0x1F  }
0xe1: {  	s3 =	sld [smem:s24+$0x10];
	s22 =	sxor.u32 s20, s21;
	s2 =	sand.u32 $0x1B, s2  }
0xe2: {  	[dreg:$0xc] =	wrdreg s25;
	s11 =	sshll.u32 s22, $0x18;
	s2 =	sxor.u32 s2, s6  }
0xe3: {  	s24 =	sshll.u32 s22, $0x1;
	s23 =	sshra.s32 s11, $0x1F;
	s2 =	sxor.u32 s15, s2  }
0xe4: {  	s6 =	sand.u32 $0x1B, s23;
	s23 =	sand.u32 $0xFE, s24;
	s24 =	sxor.u32 s9, s31  }
0xe5: {  	s31 =	sxor.u32 s5, s14;
	s25 =	sxor.u32 s7, s2;
	s7 =	sxor.u32 s6, s23  }
0xe6: {  	s26 =	sxor.u32 s21, s3;
	s11 =	sxor.u32 s9, s31;
	[dreg:$0x1f] =	wrdreg s25  }
0xe7: {  	s0 =	sshll.u32 s26, $0x18;
	s2 =	sshll.u32 s26, $0x1;
	s25 =	sld [smem:s4+$0x10]  }
0xe8: {  	s10 =	sxor.u32 s31, s7;
	s26 =	sld [smem:$0x19D];
	s5 =	sshra.s32 s0, $0x1F  }
0xe9: {  	[smem:$0x3F53] =	sst s11;
	s6 =	sand.u32 $0x1B, s5;
	s5 =	smov.u32 s28  }
0xea: {  	s7 =	sxor.u32 s29, s13;
	s9 =	sand.u32 $0xFE, s2;
	[dreg:$0x3] =	wrdreg s5  }
0xeb: {  	s4 =	sxor.u32 s6, s9;
	s6 =	sxor.u32 s1, s7;
	s1 =	sld [smem:$0x197]  }
0xec: {  	s29 =	sxor.u32 s20, s10;
	s23 =	sxor.u32 s7, s4;
	s7 =	sld [smem:$0x216]  }
0xed: {  	s9 =	sxor.u32 s28, s26;
	s20 =	sxor.u32 s20, s25;
	s21 =	sxor.u32 s21, s23  }
0xee: {  	s23 =	sxor.u32 s3, s22;
	s3 =	sxor.u32 s3, s25;
	s26 =	sld [smem:s9+$0x10]  }
0xef: {  	s9 =	sshll.u32 s20, $0x18;
	s31 =	sxor.u32 s25, s23;
	s4 =	sshll.u32 s3, $0x18  }
0xf0: {  	s2 =	sxor.u32 s31, s29;
	s10 =	sxor.u32 s31, s21;
	s21 =	sld [smem:s24+$0x10]  }
0xf1: {  	s20 =	sshll.u32 s20, $0x1;
	s29 =	sshra.s32 s4, $0x1F;
	[smem:$0x3F4D] =	sst s2  }
0xf2: {  	s3 =	sshll.u32 s3, $0x1;
	s31 =	sand.u32 $0x1B, s29;
	s29 =	sld [smem:$0x217]  }
0xf3: {  	s28 =	sshra.s32 s9, $0x1F;
	s20 =	sand.u32 $0xFE, s20;
	s2 =	sld [smem:$0x19B]  }
0xf4: {  	s3 =	sand.u32 $0xFE, s3;
	s0 =	sxor.u32 s7, s18;
	s10 =	sld [smem:s10+$0x10]  }
0xf5: {  	s3 =	sxor.u32 s31, s3;
	s4 =	sxor.u32 s8, s0;
	s8 =	sld [smem:$0x21B]  }
0xf6: {  	s3 =	sxor.u32 s0, s3;
	s0 =	sand.u32 $0x1B, s28;
	[dreg:$0x1d] =	wrdreg s4  }
0xf7: {  	s12 =	sxor.u32 s12, s4;
	s3 =	sxor.u32 s22, s3;
	s20 =	sxor.u32 s0, s20  }
0xf8: {  	s28 =	sxor.u32 s21, s26;
	s31 =	sxor.u32 s25, s3;
	s24 =	sxor.u32 s29, s1  }
0xf9: {  	s22 =	sxor.u32 s29, s15;
	s1 =	sshll.u32 s28, $0x18;
	[dreg:$0xe] =	wrdreg s31  }
0xfa: {  	s9 =	sxor.u32 s8, s2;
	s2 =	sxor.u32 s8, s22;
	s25 =	sshra.s32 s1, $0x1F  }
0xfb: {  	s31 =	sxor.u32 s26, s17;
	s24 =	sld [smem:s24+$0x10];
	s8 =	sshll.u32 s28, $0x1  }
0xfc: {  	s20 =	sxor.u32 s22, s20;
	s22 =	sld [smem:$0x196];
	s25 =	sand.u32 $0x1B, s25  }
0xfd: {  	s3 =	sshll.u32 s31, $0x18;
	s31 =	sshll.u32 s31, $0x1;
	s23 =	sxor.u32 s23, s20  }
0xfe: {  	s0 =	sshra.s32 s3, $0x1F;
	s3 =	sand.u32 $0xFE, s8;
	s31 =	sand.u32 $0xFE, s31  }
0xff: {  	s8 =	smov.u32 s6;
	[smem:$0x3F4E] =	sst s23;
	s0 =	sand.u32 $0x1B, s0  }
0x100: {  	s3 =	sxor.u32 s25, s3;
	s25 =	sxor.u32 s17, s28;
	[smem:$0x3F54] =	sst s8  }
0x101: {  	s0 =	sxor.u32 s0, s31;
	s3 =	sxor.u32 s11, s3;
	s20 =	sxor.u32 s7, s22  }
0x102: {  	s31 =	sxor.u32 s21, s3;
	s0 =	sxor.u32 s6, s0;
	s6 =	sxor.u32 s24, s25  }
0x103: {  	s3 =	sxor.u32 s17, s24;
	s17 =	sld [smem:s20+$0x10];
	s1 =	sxor.u32 s26, s0  }
0x104: {  	s26 =	sxor.u32 s6, s31;
	s22 =	sshll.u32 s3, $0x18;
	s0 =	sshll.u32 s3, $0x1  }
0x105: {  	s31 =	sxor.u32 s6, s1;
	s6 =	sld [smem:$0x19C];
	s20 =	sshra.s32 s22, $0x1F  }
0x106: {  	s21 =	sxor.u32 s21, s24;
	s0 =	sand.u32 $0xFE, s0;
	s20 =	sand.u32 $0x1B, s20  }
0x107: {  	s23 =	sshll.u32 s21, $0x18;
	s21 =	sshll.u32 s21, $0x1;
	s0 =	sxor.u32 s20, s0  }
0x108: {  	s21 =	sand.u32 $0xFE, s21;
	s20 =	sshra.s32 s23, $0x1F;
	s0 =	sxor.u32 s4, s0  }
0x109: {  	s20 =	sand.u32 $0x1B, s20;
	s1 =	sxor.u32 s30, s6;
	s0 =	sxor.u32 s28, s0  }
0x10a: {  	s20 =	sxor.u32 s20, s21;
	s6 =	smov.u32 s2;
	s3 =	sld [smem:s1+$0x10]  }
0x10b: {  	s1 =	sxor.u32 s19, s17;
	s28 =	sxor.u32 s24, s0;
	s20 =	sxor.u32 s2, s20  }
0x10c: {  	[smem:$0x3F55] =	sst s6;
	s2 =	sshll.u32 s1, $0x18;
	s22 =	sxor.u32 s25, s20  }
0x10d: {  	s24 =	sshll.u32 s1, $0x1;
	s4 =	sld [smem:s28+$0x10];
	s25 =	sshra.s32 s2, $0x1F  }
0x10e: {  	s20 =	sand.u32 $0xFE, s24;
	s2 =	sld [smem:s9+$0x10];
	s23 =	sxor.u32 s3, s19  }
0x10f: {  	s24 =	sxor.u32 s5, s8;
	s21 =	sand.u32 $0x1B, s25;
	s0 =	sshll.u32 s23, $0x18  }
0x110: {  	s20 =	sxor.u32 s21, s20;
	s1 =	sshll.u32 s23, $0x1;
	s21 =	sshra.s32 s0, $0x1F  }
0x111: {  	s9 =	smov.u32 s8;
	s25 =	sand.u32 $0xFE, s1;
	s21 =	sand.u32 $0x1B, s21  }
0x112: {  	s20 =	sxor.u32 s24, s20;
	s21 =	sxor.u32 s21, s25;
	s25 =	sxor.u32 s30, s11  }
0x113: {  	s19 =	sxor.u32 s19, s20;
	s5 =	sxor.u32 s25, s21;
	s21 =	sxor.u32 s17, s23  }
0x114: {  	s17 =	sxor.u32 s17, s2;
	s20 =	sxor.u32 s3, s5;
	s0 =	sxor.u32 s2, s21  }
0x115: {  	s8 =	sshll.u32 s17, $0x18;
	s17 =	sshll.u32 s17, $0x1;
	s3 =	sxor.u32 s3, s2  }
0x116: {  	s1 =	sshra.s32 s8, $0x1F;
	s8 =	sand.u32 $0xFE, s17;
	s17 =	sld [smem:s24+$0x10]  }
0x117: {  	s30 =	sxor.u32 s0, s20;
	s24 =	sld [smem:s12+$0x10];
	s5 =	sand.u32 $0x1B, s1  }
0x118: {  	s20 =	sxor.u32 s0, s19;
	[smem:$0x3F4F] =	sst s30;
	s0 =	sxor.u32 s5, s8  }
0x119: {  	s30 =	sshll.u32 s3, $0x18;
	s0 =	sxor.u32 s12, s0;
	s12 =	sld [smem:$0x111]  }
0x11a: {  	s28 =	sxor.u32 s16, s6;
	s3 =	sshll.u32 s3, $0x1;
	s1 =	sshra.s32 s30, $0x1F  }
0x11b: {  	s16 =	sld [smem:$0x3F4B];
	s3 =	sand.u32 $0xFE, s3;
	s1 =	sand.u32 $0x1B, s1  }
0x11c: {  	s30 =	sld [smem:s28+$0x10];
	s1 =	sxor.u32 s1, s3  }
0x11d: {  	s5 =	sxor.u32 s23, s0;
	s0 =	sxor.u32 s28, s1;
	s12 =	sxor.u32 s12, s17  }
0x11e: {  	s0 =	sxor.u32 s21, s0;
	s21 =	sxor.u32 s14, s12;
	s14 =	sld [smem:$0x3F4A]  }
0x11f: {  	s1 =	sld [smem:s25+$0x10]  }
0x120: {  	s19 =	sxor.u32 s10, s4;
	s17 =	sld [smem:$0x3F4C]  }
0x121: {  	s2 =	sxor.u32 s2, s5;
	s25 =	sshll.u32 s19, $0x18;
	s3 =	sld [smem:s0+$0x10]  }
0x122: {  	s28 =	sshll.u32 s19, $0x1;
	s0 =	sshra.s32 s25, $0x1F;
	s5 =	sld [smem:s14+$0x10]  }
0x123: {  	s8 =	smov.u32 s6;
	s6 =	sand.u32 $0xFE, s28;
	s0 =	sand.u32 $0x1B, s0  }
0x124: {  	s23 =	sxor.u32 s13, s24;
	s7 =	sxor.u32 s7, s30;
	s0 =	sxor.u32 s0, s6  }
0x125: {  	s0 =	sxor.u32 s23, s0;
	s13 =	sxor.u32 s17, s24;
	s24 =	sxor.u32 s18, s30  }
0x126: {  	s18 =	sxor.u32 s15, s1;
	s28 =	sxor.u32 s10, s0;
	s17 =	sxor.u32 s5, s10  }
0x127: {  	s14 =	sxor.u32 s16, s12;
	s30 =	sshll.u32 s17, $0x18;
	s16 =	sshll.u32 s17, $0x1  }
0x128: {  	s10 =	sld [smem:s31+$0x10];
	s12 =	sshra.s32 s30, $0x1F;
	s19 =	sand.u32 $0xFE, s16  }
0x129: {  	s6 =	sand.u32 $0x1B, s12;
	s12 =	sxor.u32 s29, s1;
	s29 =	sxor.u32 s4, s3  }
0x12a: {  	s4 =	sxor.u32 s4, s17;
	s25 =	sxor.u32 s6, s19;
	s30 =	sshll.u32 s29, $0x18  }
0x12b: {  	s0 =	sshll.u32 s29, $0x1;
	s31 =	sxor.u32 s3, s4;
	s29 =	sxor.u32 s5, s3  }
0x12c: {  	s1 =	sxor.u32 s21, s25;
	s15 =	sshra.s32 s30, $0x1F;
	s25 =	sld [smem:s2+$0x10]  }
0x12d: {  	s0 =	sand.u32 $0xFE, s0;
	s30 =	sld [smem:$0x3F4D];
	s15 =	sand.u32 $0x1B, s15  }
0x12e: {  	s19 =	sxor.u32 s31, s28;
	s1 =	sxor.u32 s5, s1;
	s15 =	sxor.u32 s15, s0  }
0x12f: {  	[dreg:$0x9] =	wrdreg s19;
	s16 =	sxor.u32 s31, s1;
	s28 =	sxor.u32 s24, s15  }
0x130: {  	s31 =	sshll.u32 s29, $0x18;
	s15 =	sshll.u32 s29, $0x1;
	s1 =	sxor.u32 s17, s28  }
0x131: {  	s5 =	sld [smem:s30+$0x10];
	s17 =	sshra.s32 s31, $0x1F;
	s19 =	sxor.u32 s10, s25  }
0x132: {  	s28 =	rddreg [dreg:$0x1f];
	s3 =	sxor.u32 s3, s1;
	s2 =	sand.u32 $0x1B, s17  }
0x133: {  	s1 =	sand.u32 $0xFE, s15;
	s6 =	sld [smem:s28+$0x10];
	s29 =	sshll.u32 s19, $0x18  }
0x134: {  	[dreg:$0x10] =	wrdreg s3;
	s1 =	sxor.u32 s2, s1;
	s2 =	sshra.s32 s29, $0x1F  }
0x135: {  	s3 =	sshll.u32 s19, $0x1;
	s2 =	sand.u32 $0x1B, s2;
	s1 =	sxor.u32 s18, s1  }
0x136: {  	s3 =	sand.u32 $0xFE, s3;
	s15 =	sxor.u32 s5, s10;
	s4 =	sxor.u32 s4, s1  }
0x137: {  	s3 =	sxor.u32 s2, s3;
	s30 =	sshll.u32 s15, $0x18;
	[smem:$0x3F51] =	sst s4  }
0x138: {  	s0 =	sshll.u32 s15, $0x1;
	s3 =	sxor.u32 s13, s3;
	s4 =	sld [smem:s20+$0x10]  }
0x139: {  	s28 =	sxor.u32 s25, s6;
	s31 =	sshra.s32 s30, $0x1F;
	s17 =	sand.u32 $0xFE, s0  }
0x13a: {  	s3 =	sxor.u32 s10, s3;
	s29 =	sshll.u32 s28, $0x18;
	s10 =	sshll.u32 s28, $0x1  }
0x13b: {  	s30 =	rddreg [dreg:$0xc];
	s2 =	sand.u32 $0x1B, s31;
	s20 =	sshra.s32 s29, $0x1F  }
0x13c: {  	s10 =	sand.u32 $0xFE, s10;
	s29 =	sld [smem:$0x3F4E];
	s19 =	sxor.u32 s2, s17  }
0x13d: {  	s2 =	smov.u32 s13;
	s17 =	sxor.u32 s25, s15;
	s20 =	sand.u32 $0x1B, s20  }
0x13e: {  	s1 =	sxor.u32 s14, s19;
	s25 =	sxor.u32 s6, s17;
	s10 =	sxor.u32 s20, s10  }
0x13f: {  	s20 =	sld [smem:s30+$0x10];
	s1 =	sxor.u32 s5, s1;
	s13 =	sxor.u32 s25, s3  }
0x140: {  	s0 =	sxor.u32 s7, s10;
	s5 =	sxor.u32 s5, s6;
	s31 =	sxor.u32 s25, s1  }
0x141: {  	s3 =	sxor.u32 s15, s0;
	s25 =	sld [smem:s26+$0x10];
	s1 =	sshll.u32 s5, $0x18  }
0x142: {  	s19 =	sshll.u32 s5, $0x1;
	[smem:$0x3F50] =	sst s31;
	s26 =	sshra.s32 s1, $0x1F  }
0x143: {  	s15 =	sxor.u32 s6, s3;
	s3 =	sand.u32 $0xFE, s19;
	s5 =	sand.u32 $0x1B, s26  }
0x144: {  	[dreg:$0x18] =	wrdreg s15;
	s28 =	sxor.u32 s4, s20;
	s3 =	sxor.u32 s5, s3  }
0x145: {  	s5 =	sld [smem:s29+$0x10];
	s30 =	sshll.u32 s28, $0x18;
	s6 =	sshll.u32 s28, $0x1  }
0x146: {  	s10 =	sshra.s32 s30, $0x1F;
	s26 =	sxor.u32 s25, s4;
	s6 =	sand.u32 $0xFE, s6  }
0x147: {  	s3 =	sxor.u32 s12, s3;
	s10 =	sand.u32 $0x1B, s10;
	s31 =	sshll.u32 s26, $0x18  }
0x148: {  	s1 =	sshll.u32 s26, $0x1;
	s17 =	sxor.u32 s17, s3;
	s6 =	sxor.u32 s10, s6  }
0x149: {  	s0 =	sshra.s32 s31, $0x1F;
	s30 =	sand.u32 $0xFE, s1;
	[smem:$0x3F52] =	sst s17  }
0x14a: {  	s1 =	smov.u32 s2;
	s6 =	sxor.u32 s9, s6;
	s9 =	rddreg [dreg:$0x1d]  }
0x14b: {  	s15 =	sand.u32 $0x1B, s0;
	s28 =	sxor.u32 s20, s5;
	[smem:$0x3F56] =	sst s1  }
0x14c: {  	s20 =	sxor.u32 s20, s26;
	s19 =	sxor.u32 s15, s30;
	s30 =	sld [smem:$0x3F4F]  }
0x14d: {  	s6 =	sxor.u32 s2, s6;
	s29 =	sshll.u32 s28, $0x18;
	s2 =	rddreg [dreg:$0x5]  }
0x14e: {  	s17 =	sshll.u32 s28, $0x1;
	s15 =	rddreg [dreg:$0xe];
	s3 =	sxor.u32 s11, s19  }
0x14f: {  	s6 =	sxor.u32 s4, s6;
	s4 =	sshra.s32 s29, $0x1F;
	s17 =	sand.u32 $0xFE, s17  }
0x150: {  	s2 =	sld [smem:s2+$0x10];
	s11 =	sxor.u32 s5, s20;
	s3 =	sxor.u32 s14, s3  }
0x151: {  	s4 =	sand.u32 $0x1B, s4;
	s3 =	sxor.u32 s25, s3;
	s25 =	sxor.u32 s25, s5  }
0x152: {  	s4 =	sxor.u32 s4, s17;
	s30 =	sld [smem:s30+$0x10];
	s31 =	sshll.u32 s25, $0x18  }
0x153: {  	s25 =	sshll.u32 s25, $0x1;
	s10 =	sxor.u32 s9, s4;
	s4 =	smov.u32 s7  }
0x154: {  	s17 =	sshra.s32 s31, $0x1F;
	s25 =	sand.u32 $0xFE, s25;
	s31 =	sld [smem:s15+$0x10]  }
0x155: {  	s15 =	sxor.u32 s11, s3;
	s19 =	sxor.u32 s7, s10;
	s17 =	sand.u32 $0x1B, s17  }
0x156: {  	s3 =	sxor.u32 s26, s19;
	s26 =	sld [smem:s22+$0x10];
	s25 =	sxor.u32 s17, s25  }
0x157: {  	s17 =	sxor.u32 s11, s6;
	s11 =	smov.u32 s12;
	s29 =	sxor.u32 s8, s25  }
0x158: {  	s25 =	sxor.u32 s5, s3;
	s6 =	sxor.u32 s30, s2;
	s0 =	sxor.u32 s12, s29  }
0x159: {  	s5 =	sshll.u32 s6, $0x18;
	s7 =	sshll.u32 s6, $0x1;
	s8 =	sxor.u32 s2, s31  }
0x15a: {  	s25 =	sld [smem:s25+$0x10];
	s20 =	sxor.u32 s20, s0;
	s3 =	sshra.s32 s5, $0x1F  }
0x15b: {  	s5 =	sand.u32 $0xFE, s7;
	s9 =	sshll.u32 s8, $0x18;
	s10 =	sshll.u32 s8, $0x1  }
0x15c: {  	s19 =	sxor.u32 s31, s26;
	s7 =	rddreg [dreg:$0x3];
	s3 =	sand.u32 $0x1B, s3  }
0x15d: {  	s12 =	sshra.s32 s9, $0x1F;
	s29 =	sxor.u32 s7, s1;
	s7 =	sld [smem:s13+$0x10]  }
0x15e: {  	s8 =	sshll.u32 s19, $0x18;
	s28 =	sshll.u32 s19, $0x1;
	s13 =	rddreg [dreg:$0x0]  }
0x15f: {  	s3 =	sxor.u32 s3, s5;
	s22 =	sand.u32 $0x1B, s12;
	s5 =	sand.u32 $0xFE, s10  }
0x160: {  	s0 =	sshra.s32 s8, $0x1F;
	s19 =	sand.u32 $0xFE, s28;
	s28 =	rddreg [dreg:$0x2]  }
0x161: {  	s8 =	sxor.u32 s31, s6;
	s31 =	sld [smem:$0x112];
	s22 =	sxor.u32 s22, s5  }
0x162: {  	s9 =	sand.u32 $0x1B, s0;
	s28 =	sxor.u32 s28, s14;
	s22 =	sxor.u32 s29, s22  }
0x163: {  	s10 =	sxor.u32 s2, s22;
	s2 =	sxor.u32 s28, s3;
	s3 =	sxor.u32 s30, s26  }
0x164: {  	s9 =	sxor.u32 s9, s19;
	s19 =	sxor.u32 s30, s2;
	s30 =	sshll.u32 s3, $0x18  }
0x165: {  	s12 =	smov.u32 s1;
	s5 =	sld [smem:s16+$0x10];
	s30 =	sshra.s32 s30, $0x1F  }
0x166: {  	s22 =	sshll.u32 s3, $0x1;
	s3 =	sld [smem:s29+$0x10];
	s1 =	sand.u32 $0x1B, s30  }
0x167: {  	s30 =	sxor.u32 s13, s4;
	s13 =	smov.u32 s4;
	s4 =	rddreg [dreg:$0x1]  }
0x168: {  	s16 =	sand.u32 $0xFE, s22;
	s22 =	sxor.u32 s4, s11;
	s2 =	sld [smem:s30+$0x10]  }
0x169: {  	s1 =	sxor.u32 s1, s16;
	s16 =	sxor.u32 s26, s8;
	s9 =	sxor.u32 s30, s9  }
0x16a: {  	s4 =	sld [smem:s22+$0x10];
	s19 =	sxor.u32 s16, s19;
	s0 =	sxor.u32 s16, s10  }
0x16b: {  	s6 =	sxor.u32 s6, s9;
	s1 =	sxor.u32 s22, s1;
	s3 =	sxor.u32 s3, s31  }
0x16c: {  	s10 =	sxor.u32 s7, s25;
	s1 =	sxor.u32 s8, s1;
	s8 =	sld [smem:s28+$0x10]  }
0x16d: {  	s6 =	sxor.u32 s26, s6;
	s26 =	sxor.u32 s21, s3;
	s1 =	sld [smem:s1+$0x10]  }
0x16e: {  	s6 =	sld [smem:s6+$0x10];
	s16 =	sxor.u32 s23, s2;
	s2 =	sxor.u32 s5, s7  }
0x16f: {  	s21 =	sxor.u32 s24, s4;
	s23 =	sshll.u32 s2, $0x18;
	s24 =	sshll.u32 s10, $0x18  }
0x170: {  	s4 =	sshll.u32 s10, $0x1;
	s31 =	sshll.u32 s2, $0x1;
	s9 =	sshra.s32 s23, $0x1F  }
0x171: {  	s10 =	sshra.s32 s24, $0x1F;
	s4 =	sand.u32 $0xFE, s4;
	s3 =	sand.u32 $0xFE, s31  }
0x172: {  	s23 =	sxor.u32 s18, s8;
	s10 =	sand.u32 $0x1B, s10;
	s9 =	sand.u32 $0x1B, s9  }
0x173: {  	s24 =	sxor.u32 s25, s1;
	s4 =	sxor.u32 s10, s4;
	s18 =	sxor.u32 s9, s3  }
0x174: {  	s10 =	sxor.u32 s25, s2;
	s25 =	sshll.u32 s24, $0x18;
	s9 =	sshll.u32 s24, $0x1  }
0x175: {  	s4 =	sxor.u32 s16, s4;
	s8 =	sxor.u32 s26, s18;
	s9 =	sand.u32 $0xFE, s9  }
0x176: {  	s31 =	sxor.u32 s1, s10;
	s4 =	sxor.u32 s7, s4;
	s7 =	sld [smem:s17+$0x10]  }
0x177: {  	s8 =	sxor.u32 s5, s8;
	s17 =	sshra.s32 s25, $0x1F;
	s24 =	sxor.u32 s31, s4  }
0x178: {  	s5 =	sxor.u32 s5, s1;
	s17 =	sand.u32 $0x1B, s17;
	[dreg:$0x6] =	wrdreg s24  }
0x179: {  	s9 =	sxor.u32 s17, s9;
	s17 =	sxor.u32 s31, s8;
	s31 =	sld [smem:$0x3F50]  }
0x17a: {  	s3 =	sshll.u32 s5, $0x18;
	s24 =	sld [smem:$0x3F51]  }
0x17b: {  	[smem:$0x3F57] =	sst s17;
	s25 =	sxor.u32 s21, s9;
	s9 =	sshll.u32 s5, $0x1  }
0x17c: {  	s17 =	sshra.s32 s3, $0x1F;
	s2 =	sxor.u32 s2, s25;
	s18 =	sxor.u32 s7, s6  }
0x17d: {  	s1 =	sxor.u32 s1, s2;
	s2 =	sand.u32 $0x1B, s17;
	s4 =	sld [smem:s31+$0x10]  }
0x17e: {  	s25 =	sshll.u32 s18, $0x18;
	s5 =	sshll.u32 s18, $0x1;
	[dreg:$0xf] =	wrdreg s1  }
0x17f: {  	s1 =	sand.u32 $0xFE, s9;
	s8 =	sshra.s32 s25, $0x1F;
	s5 =	sand.u32 $0xFE, s5  }
0x180: {  	s1 =	sxor.u32 s2, s1;
	s2 =	sld [smem:s24+$0x10];
	s8 =	sand.u32 $0x1B, s8  }
0x181: {  	s8 =	sxor.u32 s8, s5;
	s1 =	sxor.u32 s23, s1  }
0x182: {  	s15 =	sld [smem:s15+$0x10];
	s1 =	sxor.u32 s10, s1;
	s8 =	sxor.u32 s12, s8  }
0x183: {  	s9 =	sxor.u32 s4, s7;
	[smem:$0x3F59] =	sst s1;
	s8 =	sxor.u32 s16, s8  }
0x184: {  	s31 =	sshll.u32 s9, $0x18;
	s17 =	sshll.u32 s9, $0x1;
	s25 =	sxor.u32 s6, s2  }
0x185: {  	s7 =	sxor.u32 s7, s8;
	s6 =	sxor.u32 s6, s9;
	s3 =	sshra.s32 s31, $0x1F  }
0x186: {  	s24 =	sand.u32 $0xFE, s17;
	s31 =	sshll.u32 s25, $0x18;
	s10 =	sshll.u32 s25, $0x1  }
0x187: {  	s25 =	sld [smem:s0+$0x10];
	s18 =	sand.u32 $0x1B, s3;
	s8 =	sshra.s32 s31, $0x1F  }
0x188: {  	s10 =	sand.u32 $0xFE, s10;
	s31 =	rddreg [dreg:$0x10];
	s24 =	sxor.u32 s18, s24  }
0x189: {  	s8 =	sand.u32 $0x1B, s8;
	s18 =	smov.u32 s13;
	s31 =	sld [smem:s31+$0x10]  }
0x18a: {  	s1 =	sxor.u32 s14, s24;
	s8 =	sxor.u32 s8, s10;
	s24 =	sxor.u32 s2, s6  }
0x18b: {  	s1 =	sxor.u32 s26, s1;
	s17 =	sxor.u32 s13, s8;
	s10 =	sxor.u32 s24, s7  }
0x18c: {  	s1 =	sxor.u32 s4, s1;
	s4 =	sxor.u32 s4, s2;
	s10 =	sld [smem:s10+$0x10]  }
0x18d: {  	s3 =	sshll.u32 s4, $0x18;
	s5 =	sshll.u32 s4, $0x1;
	s1 =	sxor.u32 s24, s1  }
0x18e: {  	s24 =	smov.u32 s11;
	s13 =	sxor.u32 s25, s31;
	s12 =	sshra.s32 s3, $0x1F  }
0x18f: {  	s0 =	sand.u32 $0xFE, s5;
	s3 =	sld [smem:$0x3F52];
	s4 =	sand.u32 $0x1B, s12  }
0x190: {  	[smem:$0x3F58] =	sst s1;
	s4 =	sxor.u32 s4, s0;
	s0 =	sxor.u32 s21, s17  }
0x191: {  	s17 =	sshll.u32 s13, $0x18;
	s1 =	sxor.u32 s9, s0;
	s4 =	sxor.u32 s11, s4  }
0x192: {  	s9 =	sxor.u32 s15, s25;
	s0 =	sshra.s32 s17, $0x1F;
	s17 =	rddreg [dreg:$0x1d]  }
0x193: {  	s8 =	sld [smem:s3+$0x10];
	s4 =	sxor.u32 s23, s4;
	s5 =	sxor.u32 s2, s1  }
0x194: {  	s11 =	sshll.u32 s9, $0x18;
	s12 =	sshll.u32 s9, $0x1;
	[dreg:$0x11] =	wrdreg s5  }
0x195: {  	s7 =	sxor.u32 s6, s4;
	s2 =	sand.u32 $0xFE, s12;
	s12 =	sld [smem:$0x3F53]  }
0x196: {  	s1 =	sshra.s32 s11, $0x1F;
	s4 =	sshll.u32 s13, $0x1;
	s13 =	sld [smem:$0x3F54]  }
0x197: {  	[smem:$0x3F5B] =	sst s7;
	s1 =	sand.u32 $0x1B, s1;
	s4 =	sand.u32 $0xFE, s4  }
0x198: {  	s1 =	sxor.u32 s1, s2;
	s2 =	sand.u32 $0x1B, s0;
	s3 =	sxor.u32 s31, s8  }
0x199: {  	s0 =	rddreg [dreg:$0x9];
	s31 =	sxor.u32 s31, s9;
	s5 =	sshll.u32 s3, $0x18  }
0x19a: {  	s6 =	sshll.u32 s3, $0x1;
	s3 =	sxor.u32 s2, s4;
	s2 =	sld [smem:s0+$0x10]  }
0x19b: {  	s13 =	sxor.u32 s13, s16;
	s7 =	sshra.s32 s5, $0x1F;
	s5 =	rddreg [dreg:$0x18]  }
0x19c: {  	s6 =	sand.u32 $0xFE, s6;
	s3 =	sxor.u32 s13, s3;
	[smem:$0x3F5C] =	sst s13  }
0x19d: {  	s11 =	sand.u32 $0x1B, s7;
	s7 =	sxor.u32 s12, s26;
	s5 =	sld [smem:s5+$0x10]  }
0x19e: {  	s3 =	sxor.u32 s25, s3;
	s4 =	sxor.u32 s11, s6;
	s6 =	sxor.u32 s17, s21  }
0x19f: {  	s1 =	sxor.u32 s7, s1;
	s11 =	sxor.u32 s8, s31;
	[smem:$0x3F61] =	sst s7  }
0x1a0: {  	s1 =	sxor.u32 s15, s1;
	s25 =	sxor.u32 s11, s3;
	s3 =	sld [smem:s19+$0x10]  }
0x1a1: {  	s4 =	sxor.u32 s6, s4;
	s19 =	sld [smem:$0x3F55];
	s1 =	sxor.u32 s11, s1  }
0x1a2: {  	s12 =	sxor.u32 s15, s8;
	s9 =	sxor.u32 s9, s4;
	[smem:$0x3F5A] =	sst s1  }
0x1a3: {  	s4 =	sxor.u32 s8, s9;
	s8 =	sshll.u32 s12, $0x18;
	s15 =	sxor.u32 s2, s5  }
0x1a4: {  	s1 =	sshll.u32 s12, $0x1;
	s12 =	sxor.u32 s29, s13;
	s13 =	smov.u32 s7  }
0x1a5: {  	s8 =	sshra.s32 s8, $0x1F;
	s17 =	sshll.u32 s15, $0x18;
	s9 =	sshll.u32 s15, $0x1  }
0x1a6: {  	s1 =	sand.u32 $0xFE, s1;
	s4 =	sld [smem:s4+$0x10];
	s15 =	sshra.s32 s17, $0x1F  }
0x1a7: {  	s8 =	sand.u32 $0x1B, s8;
	s9 =	sand.u32 $0xFE, s9;
	s15 =	sand.u32 $0x1B, s15  }
0x1a8: {  	s1 =	sxor.u32 s8, s1;
	s8 =	sxor.u32 s15, s9;
	s9 =	sxor.u32 s3, s2  }
0x1a9: {  	s15 =	sxor.u32 s19, s23;
	s19 =	sld [smem:s20+$0x10];
	s11 =	sshll.u32 s9, $0x18  }
0x1aa: {  	s17 =	sshll.u32 s9, $0x1;
	s1 =	sxor.u32 s15, s1;
	s29 =	sxor.u32 s12, s8  }
0x1ab: {  	s20 =	sshra.s32 s11, $0x1F;
	s0 =	sand.u32 $0xFE, s17;
	s31 =	sxor.u32 s31, s1  }
0x1ac: {  	s1 =	sxor.u32 s2, s29;
	s2 =	sxor.u32 s28, s7;
	s20 =	sand.u32 $0x1B, s20  }
0x1ad: {  	s29 =	smov.u32 s6;
	s0 =	sxor.u32 s20, s0;
	s7 =	sxor.u32 s5, s19  }
0x1ae: {  	s5 =	sxor.u32 s5, s9;
	s0 =	sxor.u32 s2, s0;
	s11 =	sshll.u32 s7, $0x18  }
0x1af: {  	s8 =	sshll.u32 s7, $0x1;
	s17 =	sxor.u32 s19, s5;
	s2 =	sld [smem:s2+$0x10]  }
0x1b0: {  	s0 =	sxor.u32 s3, s0;
	s20 =	sshra.s32 s11, $0x1F;
	s8 =	sand.u32 $0xFE, s8  }
0x1b1: {  	s3 =	sxor.u32 s3, s19;
	s11 =	sld [smem:$0x113];
	s20 =	sand.u32 $0x1B, s20  }
0x1b2: {  	s8 =	sxor.u32 s20, s8;
	s20 =	sxor.u32 s30, s6;
	s30 =	sxor.u32 s17, s0  }
0x1b3: {  	s17 =	sxor.u32 s17, s1;
	s6 =	sld [smem:s12+$0x10];
	s1 =	sxor.u32 s20, s8  }
0x1b4: {  	s20 =	sld [smem:s20+$0x10];
	s0 =	sxor.u32 s9, s1;
	s1 =	sxor.u32 s22, s15  }
0x1b5: {  	s7 =	sshll.u32 s3, $0x18;
	s3 =	sshll.u32 s3, $0x1;
	s12 =	sld [smem:s1+$0x10]  }
0x1b6: {  	s9 =	sshra.s32 s7, $0x1F;
	s7 =	sxor.u32 s19, s0;
	s19 =	rddreg [dreg:$0x3]  }
0x1b7: {  	s3 =	sand.u32 $0xFE, s3;
	s6 =	sxor.u32 s11, s6;
	s11 =	rddreg [dreg:$0x2]  }
0x1b8: {  	s9 =	sand.u32 $0x1B, s9;
	s8 =	sxor.u32 s14, s6;
	s14 =	sld [smem:$0x3F56]  }
0x1b9: {  	s26 =	sxor.u32 s26, s6;
	s0 =	sxor.u32 s16, s20;
	s16 =	sld [smem:$0x3F57]  }
0x1ba: {  	s3 =	sxor.u32 s9, s3;
	[smem:$0x3F5D] =	sst s26  }
0x1bb: {  	s9 =	sxor.u32 s11, s6;
	s6 =	sxor.u32 s19, s20;
	[smem:$0x3F5E] =	sst s0  }
0x1bc: {  	[dreg:$0x16] =	wrdreg s6  }
0x1bd: {  	s3 =	sxor.u32 s1, s3;
	[smem:$0x3F5F] =	sst s8  }
0x1be: {  	s3 =	sxor.u32 s5, s3;
	s22 =	sxor.u32 s21, s12;
	s5 =	sld [smem:s16+$0x10]  }
0x1bf: {  	s1 =	sxor.u32 s14, s20;
	s20 =	sxor.u32 s10, s4;
	s16 =	rddreg [dreg:$0x0]  }
0x1c0: {  	s3 =	sld [smem:s3+$0x10];
	s21 =	sshll.u32 s20, $0x18;
	s6 =	sxor.u32 s16, s12  }
0x1c1: {  	s11 =	sshll.u32 s20, $0x1;
	s20 =	sxor.u32 s23, s2;
	s23 =	rddreg [dreg:$0x1]  }
0x1c2: {  	s28 =	sxor.u32 s18, s12;
	s16 =	sxor.u32 s24, s2;
	[dreg:$0x1c] =	wrdreg s6  }
0x1c3: {  	s18 =	sshra.s32 s21, $0x1F;
	s11 =	sand.u32 $0xFE, s11;
	s2 =	sxor.u32 s23, s2  }
0x1c4: {  	s23 =	sld [smem:$0x3F58];
	s12 =	sand.u32 $0x1B, s18;
	s14 =	sxor.u32 s5, s10  }
0x1c5: {  	[dreg:$0x4] =	wrdreg s2;
	s11 =	sxor.u32 s12, s11;
	s19 =	sshll.u32 s14, $0x18  }
0x1c6: {  	s21 =	sshll.u32 s14, $0x1;
	s11 =	sxor.u32 s0, s11;
	s12 =	sshra.s32 s19, $0x1F  }
0x1c7: {  	s19 =	sand.u32 $0xFE, s21;
	s10 =	sxor.u32 s10, s11;
	s12 =	sand.u32 $0x1B, s12  }
0x1c8: {  	s24 =	sxor.u32 s12, s19;
	s19 =	sld [smem:s25+$0x10];
	s25 =	sxor.u32 s4, s3  }
0x1c9: {  	s4 =	sxor.u32 s4, s14;
	s2 =	sxor.u32 s26, s24;
	s0 =	sshll.u32 s25, $0x18  }
0x1ca: {  	s11 =	sshll.u32 s25, $0x1;
	s6 =	sxor.u32 s3, s4;
	s2 =	sxor.u32 s5, s2  }
0x1cb: {  	s12 =	sshra.s32 s0, $0x1F;
	s11 =	sand.u32 $0xFE, s11;
	s0 =	sld [smem:s7+$0x10]  }
0x1cc: {  	s18 =	sxor.u32 s6, s10;
	s5 =	sxor.u32 s5, s3;
	s7 =	sld [smem:$0x3F59]  }
0x1cd: {  	s12 =	sand.u32 $0x1B, s12;
	s2 =	sxor.u32 s6, s2;
	s24 =	sshll.u32 s5, $0x18  }
0x1ce: {  	[dreg:$0xa] =	wrdreg s18;
	s11 =	sxor.u32 s12, s11;
	s26 =	sshra.s32 s24, $0x1F  }
0x1cf: {  	s25 =	sshll.u32 s5, $0x1;
	s21 =	sxor.u32 s22, s11;
	s5 =	sand.u32 $0x1B, s26  }
0x1d0: {  	s10 =	sxor.u32 s14, s21;
	s14 =	sld [smem:s23+$0x10];
	s6 =	sxor.u32 s19, s0  }
0x1d1: {  	s21 =	sld [smem:s7+$0x10];
	s3 =	sxor.u32 s3, s10;
	s11 =	sshll.u32 s6, $0x18  }
0x1d2: {  	s10 =	sshll.u32 s6, $0x1;
	[dreg:$0x1b] =	wrdreg s3;
	s3 =	sand.u32 $0xFE, s25  }
0x1d3: {  	s10 =	sand.u32 $0xFE, s10;
	s3 =	sxor.u32 s5, s3;
	s5 =	sshra.s32 s11, $0x1F  }
0x1d4: {  	s11 =	rddreg [dreg:$0xf];
	s23 =	sxor.u32 s14, s19;
	s5 =	sand.u32 $0x1B, s5  }
0x1d5: {  	s3 =	sxor.u32 s20, s3;
	s26 =	sxor.u32 s0, s21;
	s12 =	sshll.u32 s23, $0x18  }
0x1d6: {  	s5 =	sxor.u32 s5, s10;
	s24 =	sshll.u32 s23, $0x1;
	s0 =	sxor.u32 s0, s23  }
0x1d7: {  	s6 =	sshll.u32 s26, $0x18;
	s18 =	sshra.s32 s12, $0x1F;
	s12 =	sxor.u32 s4, s3  }
0x1d8: {  	s3 =	smov.u32 s1;
	s5 =	sxor.u32 s1, s5;
	s1 =	sshll.u32 s26, $0x1  }
0x1d9: {  	s10 =	sand.u32 $0x1B, s18;
	s18 =	sand.u32 $0xFE, s24;
	s24 =	sld [smem:s11+$0x10]  }
0x1da: {  	s7 =	sxor.u32 s21, s0;
	s5 =	sxor.u32 s19, s5;
	s19 =	sld [smem:$0x3F5A]  }
0x1db: {  	s1 =	sand.u32 $0xFE, s1;
	s11 =	smov.u32 s28;
	[smem:$0x3F63] =	sst s3  }
0x1dc: {  	s25 =	sxor.u32 s10, s18;
	s10 =	sld [smem:s17+$0x10];
	s18 =	sshra.s32 s6, $0x1F  }
0x1dd: {  	s5 =	sxor.u32 s7, s5;
	s6 =	sld [smem:$0x3F5B];
	s4 =	sxor.u32 s8, s25  }
0x1de: {  	s18 =	sand.u32 $0x1B, s18;
	s5 =	sld [smem:s5+$0x10];
	s4 =	sxor.u32 s14, s4  }
0x1df: {  	s1 =	sxor.u32 s18, s1;
	s14 =	sxor.u32 s14, s21;
	s18 =	sxor.u32 s7, s4  }
0x1e0: {  	s1 =	sxor.u32 s28, s1;
	s17 =	sld [smem:s19+$0x10];
	s25 =	sshll.u32 s14, $0x1  }
0x1e1: {  	s1 =	sxor.u32 s23, s1;
	s23 =	sshll.u32 s14, $0x18;
	s28 =	sxor.u32 s10, s24  }
0x1e2: {  	s1 =	sxor.u32 s21, s1;
	s26 =	sshra.s32 s23, $0x1F;
	s7 =	sshll.u32 s28, $0x18  }
0x1e3: {  	s19 =	sshll.u32 s28, $0x1;
	[dreg:$0x12] =	wrdreg s1;
	s4 =	sand.u32 $0x1B, s26  }
0x1e4: {  	s1 =	sand.u32 $0xFE, s25;
	s21 =	sshra.s32 s7, $0x1F;
	s19 =	sand.u32 $0xFE, s19  }
0x1e5: {  	s1 =	sxor.u32 s4, s1;
	s4 =	sld [smem:s6+$0x10];
	s23 =	sxor.u32 s17, s10  }
0x1e6: {  	s21 =	sand.u32 $0x1B, s21;
	s14 =	sshll.u32 s23, $0x18;
	s1 =	sxor.u32 s16, s1  }
0x1e7: {  	s19 =	sxor.u32 s21, s19;
	s28 =	sshll.u32 s23, $0x1;
	s0 =	sxor.u32 s0, s1  }
0x1e8: {  	s26 =	sshra.s32 s14, $0x1F;
	s25 =	sand.u32 $0xFE, s28;
	[smem:$0x3F60] =	sst s0  }
0x1e9: {  	s28 =	smov.u32 s3;
	s21 =	sand.u32 $0x1B, s26;
	s26 =	sld [smem:$0x3F5C]  }
0x1ea: {  	s6 =	sxor.u32 s21, s25;
	s7 =	sxor.u32 s24, s4;
	s25 =	sld [smem:s30+$0x10]  }
0x1eb: {  	s24 =	sxor.u32 s24, s23;
	s0 =	sxor.u32 s13, s6;
	s13 =	sshll.u32 s7, $0x18  }
0x1ec: {  	s21 =	sshll.u32 s7, $0x1;
	s6 =	rddreg [dreg:$0x6];
	s7 =	sxor.u32 s4, s24  }
0x1ed: {  	s0 =	sxor.u32 s8, s0;
	s21 =	sand.u32 $0xFE, s21;
	s30 =	sld [smem:s6+$0x10]  }
0x1ee: {  	s8 =	rddreg [dreg:$0x11];
	s19 =	sxor.u32 s26, s19;
	s14 =	sxor.u32 s17, s0  }
0x1ef: {  	s17 =	sxor.u32 s17, s4;
	s0 =	sld [smem:s8+$0x10];
	s19 =	sxor.u32 s3, s19  }
0x1f0: {  	s3 =	sshll.u32 s17, $0x18;
	s10 =	sxor.u32 s10, s19;
	s19 =	sshra.s32 s13, $0x1F  }
0x1f1: {  	s17 =	sshll.u32 s17, $0x1;
	s14 =	sxor.u32 s7, s14;
	s19 =	sand.u32 $0x1B, s19  }
0x1f2: {  	s17 =	sand.u32 $0xFE, s17;
	s19 =	sxor.u32 s19, s21;
	s21 =	sshra.s32 s3, $0x1F  }
0x1f3: {  	s8 =	sxor.u32 s30, s0;
	s21 =	sand.u32 $0x1B, s21;
	s19 =	sxor.u32 s29, s19  }
0x1f4: {  	s17 =	sxor.u32 s21, s17;
	s13 =	sxor.u32 s11, s19;
	s19 =	sxor.u32 s7, s10  }
0x1f5: {  	s10 =	sxor.u32 s25, s30;
	s1 =	sxor.u32 s23, s13;
	s23 =	sxor.u32 s15, s17  }
0x1f6: {  	s17 =	sld [smem:s31+$0x10];
	s3 =	sshll.u32 s10, $0x18;
	s7 =	sshll.u32 s10, $0x1  }
0x1f7: {  	s13 =	sshll.u32 s8, $0x18;
	s6 =	sxor.u32 s4, s1;
	s1 =	sxor.u32 s16, s23  }
0x1f8: {  	s4 =	sshra.s32 s3, $0x1F;
	s23 =	sand.u32 $0xFE, s7;
	s3 =	sshra.s32 s13, $0x1F  }
0x1f9: {  	s21 =	sxor.u32 s24, s1;
	s4 =	sand.u32 $0x1B, s4;
	s1 =	sshll.u32 s8, $0x1  }
0x1fa: {  	s8 =	smov.u32 s9;
	s24 =	sand.u32 $0x1B, s3;
	s6 =	sld [smem:s6+$0x10]  }
0x1fb: {  	s4 =	sxor.u32 s4, s23;
	s23 =	sand.u32 $0xFE, s1;
	s1 =	rddreg [dreg:$0x16]  }
0x1fc: {  	s4 =	sxor.u32 s9, s4;
	s23 =	sxor.u32 s24, s23;
	s24 =	sxor.u32 s0, s10  }
0x1fd: {  	s0 =	sxor.u32 s0, s17;
	s7 =	sxor.u32 s25, s4;
	s23 =	sxor.u32 s1, s23  }
0x1fe: {  	s9 =	sxor.u32 s17, s24;
	s13 =	sshll.u32 s0, $0x18;
	s0 =	sshll.u32 s0, $0x1  }
0x1ff: {  	s23 =	sxor.u32 s30, s23;
	s31 =	sxor.u32 s9, s7;
	s3 =	sshra.s32 s13, $0x1F  }
0x200: {  	s30 =	sld [smem:s2+$0x10];
	s0 =	sand.u32 $0xFE, s0;
	s7 =	sxor.u32 s9, s23  }
0x201: {  	s4 =	sand.u32 $0x1B, s3;
	s9 =	sxor.u32 s25, s17;
	s25 =	sld [smem:$0x114]  }
0x202: {  	s0 =	sxor.u32 s4, s0;
	s4 =	sld [smem:s1+$0x10]  }
0x203: {  	s13 =	sshll.u32 s9, $0x18;
	s23 =	sshll.u32 s9, $0x1;
	s9 =	rddreg [dreg:$0x4]  }
0x204: {  	s7 =	sld [smem:s7+$0x10]  }
0x205: {  	s2 =	sshra.s32 s13, $0x1F;
	s13 =	rddreg [dreg:$0x1c]  }
0x206: {  	s23 =	sand.u32 $0xFE, s23;
	s1 =	sld [smem:s9+$0x10]  }
0x207: {  	s3 =	sld [smem:s13+$0x10];
	s2 =	sand.u32 $0x1B, s2;
	s0 =	sxor.u32 s13, s0  }
0x208: {  	s2 =	sxor.u32 s2, s23;
	s23 =	sld [smem:s8+$0x10];
	s0 =	sxor.u32 s10, s0  }
0x209: {  	s2 =	sxor.u32 s9, s2;
	s0 =	sxor.u32 s17, s0;
	s17 =	sld [smem:$0x3F5D]  }
0x20a: {  	s13 =	smov.u32 s8;
	s2 =	sxor.u32 s24, s2;
	s24 =	sld [smem:$0x3F5E]  }
0x20b: {  	[dreg:$0x14] =	wrdreg s13  }
0x20c: {  	s4 =	sxor.u32 s4, s25;
	s9 =	sxor.u32 s5, s6;
	s0 =	sld [smem:s0+$0x10]  }
0x20d: {  	s25 =	sxor.u32 s17, s4;
	s4 =	sld [smem:s2+$0x10];
	s2 =	sshll.u32 s9, $0x1  }
0x20e: {  	s17 =	sxor.u32 s24, s3;
	s3 =	sxor.u32 s30, s5;
	s24 =	sxor.u32 s22, s1  }
0x20f: {  	s22 =	sxor.u32 s20, s23;
	s23 =	sshll.u32 s9, $0x18;
	s8 =	sshll.u32 s3, $0x18  }
0x210: {  	s2 =	sand.u32 $0xFE, s2;
	s20 =	sshll.u32 s3, $0x1;
	s1 =	sshra.s32 s8, $0x1F  }
0x211: {  	s10 =	sand.u32 $0xFE, s20;
	s20 =	sshra.s32 s23, $0x1F;
	s1 =	sand.u32 $0x1B, s1  }
0x212: {  	s8 =	sand.u32 $0x1B, s20;
	s23 =	sxor.u32 s6, s4;
	s1 =	sxor.u32 s1, s10  }
0x213: {  	s2 =	sxor.u32 s8, s2;
	s10 =	sxor.u32 s6, s3;
	s6 =	sshll.u32 s23, $0x18  }
0x214: {  	s1 =	sxor.u32 s25, s1;
	s2 =	sxor.u32 s17, s2;
	s9 =	sxor.u32 s4, s10  }
0x215: {  	s6 =	sshra.s32 s6, $0x1F;
	s2 =	sxor.u32 s5, s2;
	s5 =	sld [smem:s18+$0x10]  }
0x216: {  	s1 =	sxor.u32 s30, s1;
	s18 =	sld [smem:s19+$0x10];
	s6 =	sand.u32 $0x1B, s6  }
0x217: {  	s30 =	sxor.u32 s30, s4;
	s1 =	sxor.u32 s9, s1;
	s2 =	sxor.u32 s9, s2  }
0x218: {  	s19 =	sshll.u32 s30, $0x1;
	[smem:$0x3F62] =	sst s1;
	s1 =	sshll.u32 s23, $0x1  }
0x219: {  	[dreg:$0x7] =	wrdreg s2;
	s2 =	sshll.u32 s30, $0x18;
	s1 =	sand.u32 $0xFE, s1  }
0x21a: {  	s8 =	sand.u32 $0xFE, s19;
	s1 =	sxor.u32 s6, s1;
	s6 =	sshra.s32 s2, $0x1F  }
0x21b: {  	s20 =	sxor.u32 s18, s0;
	s1 =	sxor.u32 s24, s1;
	s6 =	sand.u32 $0x1B, s6  }
0x21c: {  	s30 =	sshll.u32 s20, $0x18;
	s1 =	sxor.u32 s3, s1;
	s9 =	sxor.u32 s6, s8  }
0x21d: {  	s3 =	sxor.u32 s5, s18;
	s6 =	sshll.u32 s20, $0x1;
	s1 =	sxor.u32 s4, s1  }
0x21e: {  	s4 =	sld [smem:s12+$0x10];
	s12 =	sshll.u32 s3, $0x18;
	s23 =	sshll.u32 s3, $0x1  }
0x21f: {  	s6 =	sand.u32 $0xFE, s6;
	[dreg:$0x17] =	wrdreg s1;
	s1 =	sxor.u32 s22, s9  }
0x220: {  	s19 =	sshra.s32 s12, $0x1F;
	s12 =	sshra.s32 s30, $0x1F;
	s1 =	sxor.u32 s10, s1  }
0x221: {  	s10 =	sand.u32 $0xFE, s23;
	s12 =	sand.u32 $0x1B, s12;
	[smem:$0x3F65] =	sst s1  }
0x222: {  	s1 =	sand.u32 $0x1B, s19;
	s6 =	sxor.u32 s12, s6;
	s2 =	sxor.u32 s0, s4  }
0x223: {  	s19 =	rddreg [dreg:$0x1b];
	s1 =	sxor.u32 s1, s10;
	s9 =	sshll.u32 s2, $0x1  }
0x224: {  	s8 =	sshll.u32 s2, $0x18;
	s12 =	sand.u32 $0xFE, s9;
	s9 =	sld [smem:$0x3F5F]  }
0x225: {  	s6 =	sxor.u32 s28, s6;
	s0 =	sxor.u32 s0, s3;
	s10 =	sshra.s32 s8, $0x1F  }
0x226: {  	s28 =	smov.u32 s11;
	s6 =	sxor.u32 s17, s6;
	s10 =	sand.u32 $0x1B, s10  }
0x227: {  	s20 =	sxor.u32 s4, s0;
	s10 =	sxor.u32 s10, s12;
	s12 =	sld [smem:s19+$0x10]  }
0x228: {  	s6 =	sxor.u32 s18, s6;
	s18 =	sld [smem:$0x3F60];
	s1 =	sxor.u32 s9, s1  }
0x229: {  	s30 =	sxor.u32 s20, s6;
	s6 =	sld [smem:s14+$0x10];
	s1 =	sxor.u32 s25, s1  }
0x22a: {  	s30 =	sld [smem:s30+$0x10];
	s23 =	sxor.u32 s11, s10;
	s1 =	sxor.u32 s5, s1  }
0x22b: {  	s5 =	sxor.u32 s5, s4;
	s14 =	sxor.u32 s7, s12;
	s1 =	sxor.u32 s20, s1  }
0x22c: {  	s2 =	sshll.u32 s5, $0x18;
	s8 =	sshll.u32 s5, $0x1;
	s19 =	sshll.u32 s14, $0x18  }
0x22d: {  	[smem:$0x3F64] =	sst s1;
	s1 =	sxor.u32 s24, s23;
	s10 =	sshra.s32 s2, $0x1F  }
0x22e: {  	s1 =	sxor.u32 s3, s1;
	s5 =	sand.u32 $0x1B, s10;
	s3 =	sand.u32 $0xFE, s8  }
0x22f: {  	s1 =	sxor.u32 s4, s1;
	s11 =	sxor.u32 s5, s3;
	s5 =	sld [smem:s18+$0x10]  }
0x230: {  	s3 =	sshll.u32 s14, $0x1;
	s4 =	sshra.s32 s19, $0x1F;
	s14 =	sxor.u32 s6, s7  }
0x231: {  	s18 =	sxor.u32 s26, s17;
	[dreg:$0x13] =	wrdreg s1;
	s1 =	sxor.u32 s16, s11  }
0x232: {  	s19 =	sxor.u32 s29, s24;
	s4 =	sand.u32 $0x1B, s4;
	s1 =	sxor.u32 s22, s1  }
0x233: {  	s3 =	sand.u32 $0xFE, s3;
	s23 =	sshll.u32 s14, $0x18;
	s0 =	sxor.u32 s0, s1  }
0x234: {  	s2 =	sshll.u32 s14, $0x1;
	[smem:$0x3F67] =	sst s0;
	s0 =	sxor.u32 s12, s5  }
0x235: {  	[smem:$0x3F6F] =	sst s18;
	s20 =	sxor.u32 s4, s3;
	s3 =	sshll.u32 s0, $0x18  }
0x236: {  	s4 =	sshra.s32 s23, $0x1F;
	s10 =	sshll.u32 s0, $0x1;
	s23 =	sshra.s32 s3, $0x1F  }
0x237: {  	s11 =	sand.u32 $0xFE, s2;
	s10 =	sand.u32 $0xFE, s10;
	s23 =	sand.u32 $0x1B, s23  }
0x238: {  	s4 =	sand.u32 $0x1B, s4;
	s8 =	sxor.u32 s23, s10;
	s10 =	sld [smem:$0x3F61]  }
0x239: {  	[smem:$0x3F71] =	sst s19;
	s1 =	sxor.u32 s18, s20;
	s4 =	sxor.u32 s4, s11  }
0x23a: {  	s1 =	sxor.u32 s7, s1;
	s11 =	rddreg [dreg:$0xa];
	s12 =	sxor.u32 s12, s14  }
0x23b: {  	s29 =	sld [smem:s11+$0x10];
	s20 =	sxor.u32 s5, s12;
	s7 =	sxor.u32 s19, s8  }
0x23c: {  	s23 =	sld [smem:s31+$0x10];
	s7 =	sxor.u32 s14, s7;
	s26 =	sxor.u32 s10, s25  }
0x23d: {  	s8 =	sxor.u32 s5, s7;
	s10 =	sxor.u32 s20, s1;
	s4 =	sxor.u32 s26, s4  }
0x23e: {  	[smem:$0x3F70] =	sst s26;
	s4 =	sxor.u32 s6, s4;
	s6 =	sxor.u32 s6, s5  }
0x23f: {  	s2 =	sxor.u32 s20, s4;
	s3 =	sshll.u32 s6, $0x18;
	s4 =	rddreg [dreg:$0x12]  }
0x240: {  	s6 =	sshll.u32 s6, $0x1;
	s31 =	sld [smem:s4+$0x10];
	s4 =	sxor.u32 s23, s29  }
0x241: {  	[smem:$0x3F66] =	sst s2;
	s7 =	sshra.s32 s3, $0x1F;
	s5 =	sshll.u32 s4, $0x18  }
0x242: {  	s6 =	sand.u32 $0xFE, s6;
	s11 =	sshll.u32 s4, $0x1;
	s14 =	sshra.s32 s5, $0x1F  }
0x243: {  	s7 =	sand.u32 $0x1B, s7;
	s0 =	sand.u32 $0xFE, s11;
	s20 =	sand.u32 $0x1B, s14  }
0x244: {  	s6 =	sxor.u32 s7, s6;
	s14 =	rddreg [dreg:$0x16];
	s0 =	sxor.u32 s20, s0  }
0x245: {  	s20 =	sxor.u32 s15, s22;
	s1 =	sxor.u32 s29, s31;
	s15 =	sld [smem:s21+$0x10]  }
0x246: {  	s6 =	sxor.u32 s20, s6;
	s3 =	sshll.u32 s1, $0x18;
	s7 =	sshll.u32 s1, $0x1  }
0x247: {  	[smem:$0x3F72] =	sst s20;
	s21 =	sshra.s32 s3, $0x1F;
	s3 =	sxor.u32 s13, s26  }
0x248: {  	s7 =	sand.u32 $0xFE, s7;
	s6 =	sxor.u32 s12, s6;
	s12 =	sxor.u32 s14, s18  }
0x249: {  	s2 =	sxor.u32 s3, s0;
	s5 =	sand.u32 $0x1B, s21;
	[smem:$0x3F68] =	sst s6  }
0x24a: {  	s6 =	sxor.u32 s31, s4;
	s21 =	smov.u32 s18;
	s0 =	sxor.u32 s5, s7  }
0x24b: {  	s2 =	sxor.u32 s23, s2;
	s7 =	sxor.u32 s31, s15;
	s11 =	sxor.u32 s15, s6  }
0x24c: {  	s31 =	sxor.u32 s23, s15;
	s0 =	sxor.u32 s12, s0;
	s5 =	sshll.u32 s7, $0x18  }
0x24d: {  	s18 =	sxor.u32 s11, s2;
	s12 =	sld [smem:s12+$0x10];
	s29 =	sxor.u32 s29, s0  }
0x24e: {  	s1 =	sshra.s32 s5, $0x1F;
	s0 =	sshll.u32 s31, $0x18;
	s29 =	sxor.u32 s11, s29  }
0x24f: {  	s11 =	sshll.u32 s7, $0x1;
	s7 =	sshll.u32 s31, $0x1;
	s31 =	sld [smem:$0x115]  }
0x250: {  	s1 =	sand.u32 $0x1B, s1;
	s2 =	sand.u32 $0xFE, s11;
	s11 =	rddreg [dreg:$0x1c]  }
0x251: {  	s7 =	sand.u32 $0xFE, s7;
	s5 =	sxor.u32 s1, s2;
	s2 =	sld [smem:s3+$0x10]  }
0x252: {  	s3 =	sshra.s32 s0, $0x1F;
	s23 =	sxor.u32 s11, s19;
	s1 =	rddreg [dreg:$0x4]  }
0x253: {  	s3 =	sand.u32 $0x1B, s3;
	s0 =	sxor.u32 s1, s20;
	s1 =	sld [smem:s23+$0x10]  }
0x254: {  	s5 =	sxor.u32 s23, s5;
	s3 =	sxor.u32 s3, s7;
	s23 =	sld [smem:s0+$0x10]  }
0x255: {  	s4 =	sxor.u32 s4, s5;
	s0 =	sxor.u32 s0, s3;
	s3 =	sld [smem:s8+$0x10]  }
0x256: {  	s4 =	sxor.u32 s15, s4;
	s8 =	sxor.u32 s31, s12;
	s15 =	sld [smem:$0x3F63]  }
0x257: {  	s12 =	sxor.u32 s25, s8;
	s25 =	sxor.u32 s9, s8;
	s9 =	sld [smem:$0x3F62]  }
0x258: {  	s4 =	sld [smem:s4+$0x10]  }
0x259: {  	s0 =	sxor.u32 s6, s0;
	[smem:$0x3F6A] =	sst s12  }
0x25a: {  	s0 =	sld [smem:s0+$0x10]  }
0x25b: {  	s24 =	sxor.u32 s24, s23;
	s6 =	sxor.u32 s28, s23;
	s23 =	sxor.u32 s22, s2  }
0x25c: {  	s5 =	sld [smem:s9+$0x10];
	s9 =	sxor.u32 s17, s1;
	s17 =	sxor.u32 s30, s3  }
0x25d: {  	s22 =	sxor.u32 s16, s2;
	s15 =	sxor.u32 s15, s1;
	s28 =	sshll.u32 s17, $0x18  }
0x25e: {  	[smem:$0x3F6B] =	sst s9;
	s1 =	sshll.u32 s17, $0x1;
	s2 =	sshra.s32 s28, $0x1F  }
0x25f: {  	s17 =	sxor.u32 s3, s0;
	s1 =	sand.u32 $0xFE, s1;
	s2 =	sand.u32 $0x1B, s2  }
0x260: {  	s28 =	sshll.u32 s17, $0x18;
	s7 =	sxor.u32 s5, s30;
	s1 =	sxor.u32 s2, s1  }
0x261: {  	s31 =	sshll.u32 s7, $0x18;
	s16 =	sshll.u32 s7, $0x1;
	s1 =	sxor.u32 s9, s1  }
0x262: {  	s9 =	sld [smem:s10+$0x10];
	s3 =	sxor.u32 s3, s7;
	s8 =	sshra.s32 s31, $0x1F  }
0x263: {  	s31 =	sld [smem:$0x3F64];
	s2 =	sand.u32 $0x1B, s8;
	s8 =	sand.u32 $0xFE, s16  }
0x264: {  	s16 =	sshll.u32 s17, $0x1;
	s2 =	sxor.u32 s2, s8;
	s8 =	sshra.s32 s28, $0x1F  }
0x265: {  	s1 =	sxor.u32 s30, s1;
	s16 =	sand.u32 $0xFE, s16;
	s8 =	sand.u32 $0x1B, s8  }
0x266: {  	s2 =	sxor.u32 s12, s2;
	s12 =	sxor.u32 s0, s3;
	s28 =	sxor.u32 s9, s4  }
0x267: {  	s17 =	sld [smem:s31+$0x10];
	s2 =	sxor.u32 s5, s2;
	s5 =	sxor.u32 s5, s0  }
0x268: {  	s8 =	sxor.u32 s8, s16;
	s1 =	sxor.u32 s12, s1;
	s30 =	sshll.u32 s5, $0x18  }
0x269: {  	s2 =	sxor.u32 s12, s2;
	s31 =	sshll.u32 s5, $0x1;
	[dreg:$0xb] =	wrdreg s1  }
0x26a: {  	s8 =	sxor.u32 s24, s8;
	[smem:$0x3F69] =	sst s2;
	s10 =	sshra.s32 s30, $0x1F  }
0x26b: {  	s2 =	sand.u32 $0xFE, s31;
	s12 =	sxor.u32 s7, s8;
	s30 =	sld [smem:$0x3F65]  }
0x26c: {  	s31 =	sshll.u32 s28, $0x18;
	s5 =	sand.u32 $0x1B, s10;
	s0 =	sxor.u32 s0, s12  }
0x26d: {  	s2 =	sxor.u32 s5, s2;
	[dreg:$0x19] =	wrdreg s0;
	s8 =	sxor.u32 s17, s9  }
0x26e: {  	s16 =	sxor.u32 s23, s2;
	s2 =	sshll.u32 s28, $0x1;
	s1 =	sshll.u32 s8, $0x18  }
0x26f: {  	s7 =	sshll.u32 s8, $0x1;
	s0 =	sxor.u32 s3, s16;
	s16 =	sld [smem:s29+$0x10]  }
0x270: {  	s3 =	sshra.s32 s31, $0x1F;
	s2 =	sand.u32 $0xFE, s2;
	[smem:$0x3F6C] =	sst s0  }
0x271: {  	s5 =	sshra.s32 s1, $0x1F;
	s0 =	sld [smem:s30+$0x10];
	s3 =	sand.u32 $0x1B, s3  }
0x272: {  	s2 =	sxor.u32 s3, s2;
	s3 =	sand.u32 $0x1B, s5;
	s5 =	sand.u32 $0xFE, s7  }
0x273: {  	s30 =	sld [smem:$0x3F66];
	s3 =	sxor.u32 s3, s5;
	s2 =	sxor.u32 s15, s2  }
0x274: {  	s7 =	rddreg [dreg:$0x17];
	s2 =	sxor.u32 s9, s2;
	s3 =	sxor.u32 s25, s3  }
0x275: {  	s10 =	sxor.u32 s4, s0;
	s4 =	sxor.u32 s4, s8;
	s3 =	sxor.u32 s17, s3  }
0x276: {  	s31 =	sxor.u32 s17, s0;
	s17 =	sld [smem:s7+$0x10];
	s12 =	sshll.u32 s10, $0x18  }
0x277: {  	s28 =	sshll.u32 s10, $0x1;
	s10 =	sld [smem:s30+$0x10];
	s30 =	sshll.u32 s31, $0x1  }
0x278: {  	s5 =	sshra.s32 s12, $0x1F;
	s9 =	sand.u32 $0xFE, s28;
	s28 =	sxor.u32 s0, s4  }
0x279: {  	s12 =	sshll.u32 s31, $0x18;
	s5 =	sand.u32 $0x1B, s5;
	s7 =	sxor.u32 s28, s3  }
0x27a: {  	s31 =	sshra.s32 s12, $0x1F;
	s3 =	sand.u32 $0xFE, s30;
	s5 =	sxor.u32 s5, s9  }
0x27b: {  	s9 =	sand.u32 $0x1B, s31;
	s1 =	sxor.u32 s6, s5;
	s5 =	sxor.u32 s28, s2  }
0x27c: {  	s3 =	sxor.u32 s9, s3;
	s9 =	sld [smem:$0x3F67];
	s29 =	sxor.u32 s10, s16  }
0x27d: {  	s8 =	sxor.u32 s8, s1;
	s12 =	sxor.u32 s22, s3;
	s31 =	sshll.u32 s29, $0x18  }
0x27e: {  	s1 =	sshll.u32 s29, $0x1;
	s3 =	sxor.u32 s16, s17;
	s5 =	sld [smem:s5+$0x10]  }
0x27f: {  	s0 =	sxor.u32 s0, s8;
	s30 =	sxor.u32 s4, s12;
	s2 =	sand.u32 $0xFE, s1  }
0x280: {  	s8 =	sshll.u32 s3, $0x18;
	[dreg:$0x1a] =	wrdreg s0;
	s0 =	sshra.s32 s31, $0x1F  }
0x281: {  	s4 =	sshll.u32 s3, $0x1;
	s28 =	sld [smem:s9+$0x10];
	s0 =	sand.u32 $0x1B, s0  }
0x282: {  	s3 =	rddreg [dreg:$0x7];
	s9 =	sshra.s32 s8, $0x1F;
	s0 =	sxor.u32 s0, s2  }
0x283: {  	s4 =	sand.u32 $0xFE, s4;
	s2 =	sand.u32 $0x1B, s9;
	s0 =	sxor.u32 s26, s0  }
0x284: {  	[smem:$0x3F6E] =	sst s30;
	s2 =	sxor.u32 s2, s4;
	s0 =	sxor.u32 s25, s0  }
0x285: {  	s2 =	sxor.u32 s21, s2;
	s21 =	rddreg [dreg:$0x13];
	s12 =	sxor.u32 s17, s28  }
0x286: {  	s17 =	sxor.u32 s17, s29;
	s0 =	sxor.u32 s10, s0;
	s2 =	sxor.u32 s15, s2  }
0x287: {  	s26 =	sld [smem:s21+$0x10];
	s31 =	sshll.u32 s12, $0x18;
	s8 =	sxor.u32 s28, s17  }
0x288: {  	s9 =	sshll.u32 s12, $0x1;
	s30 =	sshra.s32 s31, $0x1F;
	s0 =	sxor.u32 s8, s0  }
0x289: {  	s9 =	sand.u32 $0xFE, s9;
	s1 =	sand.u32 $0x1B, s30;
	[smem:$0x3F6D] =	sst s0  }
0x28a: {  	s2 =	sxor.u32 s16, s2;
	s4 =	sxor.u32 s1, s9;
	s9 =	sld [smem:s18+$0x10]  }
0x28b: {  	s8 =	sxor.u32 s8, s2;
	s18 =	sld [smem:s3+$0x10]  }
0x28c: {  	s8 =	sld [smem:s8+$0x10];
	s4 =	sxor.u32 s19, s4  }
0x28d: {  	s3 =	sld [smem:$0x3F68];
	s19 =	sxor.u32 s10, s28;
	s4 =	sxor.u32 s6, s4  }
0x28e: {  	s0 =	sshll.u32 s19, $0x1;
	s12 =	sxor.u32 s29, s4;
	s29 =	sshll.u32 s19, $0x18  }
0x28f: {  	s0 =	sand.u32 $0xFE, s0;
	s30 =	sxor.u32 s28, s12;
	s28 =	sxor.u32 s9, s18  }
0x290: {  	s16 =	sshra.s32 s29, $0x1F;
	s2 =	sxor.u32 s18, s26;
	s31 =	sshll.u32 s28, $0x18  }
0x291: {  	s16 =	sand.u32 $0x1B, s16;
	s1 =	sshll.u32 s28, $0x1;
	s4 =	sshll.u32 s2, $0x18  }
0x292: {  	s29 =	sshra.s32 s31, $0x1F;
	s31 =	sand.u32 $0xFE, s1;
	s0 =	sxor.u32 s16, s0  }
0x293: {  	s1 =	sld [smem:s3+$0x10];
	s16 =	sshll.u32 s2, $0x1;
	s21 =	sshra.s32 s4, $0x1F  }
0x294: {  	s2 =	sld [smem:$0x116];
	s29 =	sand.u32 $0x1B, s29;
	s0 =	sxor.u32 s20, s0  }
0x295: {  	s12 =	sand.u32 $0x1B, s21;
	s16 =	sand.u32 $0xFE, s16;
	s21 =	sxor.u32 s13, s25  }
0x296: {  	s13 =	sxor.u32 s14, s15;
	s14 =	smov.u32 s6;
	s29 =	sxor.u32 s29, s31  }
0x297: {  	s0 =	sxor.u32 s22, s0;
	s16 =	sxor.u32 s12, s16;
	s31 =	sxor.u32 s26, s28  }
0x298: {  	s0 =	sxor.u32 s17, s0;
	s19 =	sxor.u32 s21, s29;
	s17 =	rddreg [dreg:$0x4]  }
0x299: {  	s16 =	sxor.u32 s13, s16;
	[smem:$0x3F73] =	sst s0;
	s29 =	sxor.u32 s9, s19  }
0x29a: {  	s10 =	sxor.u32 s26, s1;
	s20 =	sxor.u32 s1, s31;
	s16 =	sxor.u32 s18, s16  }
0x29b: {  	s18 =	sld [smem:s30+$0x10];
	s9 =	sxor.u32 s9, s1;
	s30 =	sxor.u32 s17, s22  }
0x29c: {  	s29 =	sxor.u32 s20, s29;
	s26 =	sshll.u32 s10, $0x18;
	s12 =	sxor.u32 s20, s16  }
0x29d: {  	s10 =	sshll.u32 s10, $0x1;
	s4 =	sshll.u32 s9, $0x1;
	s3 =	sld [smem:s30+$0x10]  }
0x29e: {  	s9 =	sshll.u32 s9, $0x18;
	s20 =	sld [smem:s21+$0x10];
	s0 =	sshra.s32 s26, $0x1F  }
0x29f: {  	s10 =	sand.u32 $0xFE, s10;
	s9 =	sshra.s32 s9, $0x1F;
	s26 =	sld [smem:$0x3F69]  }
0x2a0: {  	s16 =	sand.u32 $0x1B, s0;
	s9 =	sand.u32 $0x1B, s9;
	s0 =	sand.u32 $0xFE, s4  }
0x2a1: {  	s10 =	sxor.u32 s16, s10;
	s16 =	sxor.u32 s11, s6;
	s11 =	sld [smem:s13+$0x10]  }
0x2a2: {  	s0 =	sxor.u32 s9, s0;
	s4 =	sxor.u32 s5, s18;
	s19 =	sld [smem:s16+$0x10]  }
0x2a3: {  	s10 =	sxor.u32 s16, s10;
	s0 =	sxor.u32 s30, s0;
	s6 =	sld [smem:s26+$0x10]  }
0x2a4: {  	s24 =	sxor.u32 s24, s3;
	s10 =	sxor.u32 s28, s10;
	s28 =	sld [smem:$0x3F6A]  }
0x2a5: {  	s9 =	sshll.u32 s4, $0x18;
	s0 =	sxor.u32 s31, s0;
	s31 =	sld [smem:$0x3F6B]  }
0x2a6: {  	s23 =	sxor.u32 s23, s20;
	s3 =	sshra.s32 s9, $0x1F;
	s0 =	sld [smem:s0+$0x10]  }
0x2a7: {  	s1 =	sxor.u32 s1, s10;
	s3 =	sand.u32 $0x1B, s3;
	s2 =	sxor.u32 s11, s2  }
0x2a8: {  	s1 =	sld [smem:s1+$0x10];
	s28 =	sxor.u32 s28, s2;
	s2 =	sshll.u32 s4, $0x1  }
0x2a9: {  	s26 =	sxor.u32 s31, s19;
	s4 =	sxor.u32 s6, s5;
	s2 =	sand.u32 $0xFE, s2  }
0x2aa: {  	s10 =	sshll.u32 s4, $0x18;
	s17 =	sshll.u32 s4, $0x1;
	s19 =	sxor.u32 s18, s0  }
0x2ab: {  	s18 =	sxor.u32 s18, s4;
	s2 =	sxor.u32 s3, s2;
	s11 =	sshra.s32 s10, $0x1F  }
0x2ac: {  	s9 =	sand.u32 $0xFE, s17;
	s20 =	sshll.u32 s19, $0x18;
	s31 =	sshll.u32 s19, $0x1  }
0x2ad: {  	s10 =	sld [smem:s7+$0x10];
	s3 =	sand.u32 $0x1B, s11;
	s2 =	sxor.u32 s26, s2  }
0x2ae: {  	s11 =	sxor.u32 s0, s18;
	s3 =	sxor.u32 s3, s9;
	s9 =	sshra.s32 s20, $0x1F  }
0x2af: {  	s2 =	sxor.u32 s5, s2;
	s5 =	sand.u32 $0xFE, s31;
	s9 =	sand.u32 $0x1B, s9  }
0x2b0: {  	s3 =	sxor.u32 s28, s3;
	s2 =	sxor.u32 s11, s2;
	s9 =	sxor.u32 s9, s5  }
0x2b1: {  	s3 =	sxor.u32 s6, s3;
	s6 =	sxor.u32 s6, s0;
	[dreg:$0x8] =	wrdreg s2  }
0x2b2: {  	s17 =	sshll.u32 s6, $0x18;
	s3 =	sxor.u32 s11, s3;
	s31 =	sshll.u32 s6, $0x1  }
0x2b3: {  	s9 =	sxor.u32 s24, s9;
	s11 =	sxor.u32 s8, s1;
	[smem:$0x3F74] =	sst s3  }
0x2b4: {  	s5 =	sshra.s32 s17, $0x1F;
	s3 =	sand.u32 $0xFE, s31;
	s7 =	sxor.u32 s4, s9  }
0x2b5: {  	s17 =	sld [smem:$0x3F6C];
	s2 =	sshll.u32 s11, $0x1;
	s6 =	sand.u32 $0x1B, s5  }
0x2b6: {  	s4 =	sxor.u32 s10, s8;
	s0 =	sxor.u32 s0, s7;
	s3 =	sxor.u32 s6, s3  }
0x2b7: {  	s2 =	sand.u32 $0xFE, s2;
	[dreg:$0x15] =	wrdreg s0;
	s9 =	sxor.u32 s23, s3  }
0x2b8: {  	s0 =	sxor.u32 s18, s9;
	s18 =	sshll.u32 s11, $0x18;
	s11 =	sld [smem:$0x3F6D]  }
0x2b9: {  	s19 =	sshll.u32 s4, $0x18;
	s31 =	sshll.u32 s4, $0x1;
	[smem:$0x3F76] =	sst s0  }
0x2ba: {  	s20 =	sshra.s32 s19, $0x1F;
	s0 =	sld [smem:s17+$0x10];
	s3 =	sshra.s32 s18, $0x1F  }
0x2bb: {  	s6 =	sand.u32 $0xFE, s31;
	s31 =	rddreg [dreg:$0x19];
	s3 =	sand.u32 $0x1B, s3  }
0x2bc: {  	s18 =	smov.u32 s14;
	s2 =	sxor.u32 s3, s2;
	s3 =	sand.u32 $0x1B, s20  }
0x2bd: {  	s3 =	sxor.u32 s3, s6;
	s2 =	sxor.u32 s15, s2;
	s20 =	sld [smem:s11+$0x10]  }
0x2be: {  	s5 =	sxor.u32 s1, s0;
	s2 =	sxor.u32 s26, s2;
	s3 =	sxor.u32 s25, s3  }
0x2bf: {  	s17 =	sxor.u32 s10, s0;
	s7 =	sshll.u32 s5, $0x18;
	s9 =	sshll.u32 s5, $0x1  }
0x2c0: {  	s2 =	sxor.u32 s8, s2;
	s8 =	sld [smem:s12+$0x10];
	s12 =	sxor.u32 s28, s3  }
0x2c1: {  	s5 =	sshll.u32 s17, $0x18;
	s3 =	sshll.u32 s17, $0x1;
	s6 =	sshra.s32 s7, $0x1F  }
0x2c2: {  	s9 =	sand.u32 $0xFE, s9;
	s11 =	sshra.s32 s5, $0x1F;
	s6 =	sand.u32 $0x1B, s6  }
0x2c3: {  	s3 =	sand.u32 $0xFE, s3;
	s11 =	sand.u32 $0x1B, s11;
	s6 =	sxor.u32 s6, s9  }
0x2c4: {  	s9 =	sxor.u32 s1, s4;
	s1 =	sxor.u32 s10, s12;
	s12 =	sld [smem:s31+$0x10]  }
0x2c5: {  	s3 =	sxor.u32 s11, s3;
	s10 =	sld [smem:$0x3F6E];
	s19 =	sxor.u32 s0, s9  }
0x2c6: {  	s6 =	sxor.u32 s14, s6;
	s7 =	sxor.u32 s22, s3;
	s3 =	sxor.u32 s20, s8  }
0x2c7: {  	s1 =	sxor.u32 s19, s1;
	s6 =	sxor.u32 s24, s6;
	s17 =	sxor.u32 s19, s2  }
0x2c8: {  	s11 =	sshll.u32 s3, $0x18;
	[smem:$0x3F75] =	sst s1;
	s4 =	sxor.u32 s4, s6  }
0x2c9: {  	s31 =	sshll.u32 s3, $0x1;
	s0 =	sxor.u32 s0, s4;
	s6 =	sld [smem:s10+$0x10]  }
0x2ca: {  	s14 =	sshra.s32 s11, $0x1F;
	s19 =	sxor.u32 s8, s12;
	[dreg:$0xd] =	wrdreg s0  }
0x2cb: {  	s0 =	sxor.u32 s23, s7;
	s1 =	sshll.u32 s19, $0x18;
	s4 =	sshll.u32 s19, $0x1  }
0x2cc: {  	s19 =	rddreg [dreg:$0xb];
	s0 =	sxor.u32 s9, s0;
	s9 =	sand.u32 $0xFE, s31  }
0x2cd: {  	s10 =	sshra.s32 s1, $0x1F;
	s4 =	sand.u32 $0xFE, s4;
	[smem:$0x3F77] =	sst s0  }
0x2ce: {  	s0 =	sand.u32 $0x1B, s14;
	s10 =	sand.u32 $0x1B, s10;
	s2 =	sxor.u32 s12, s6  }
0x2cf: {  	s5 =	sxor.u32 s0, s9;
	s9 =	sld [smem:$0x3F6F];
	s7 =	sshll.u32 s2, $0x18  }
0x2d0: {  	s4 =	sxor.u32 s10, s4;
	s11 =	sshll.u32 s2, $0x1;
	s10 =	sshra.s32 s7, $0x1F  }
0x2d1: {  	s14 =	sld [smem:$0x3F71];
	s11 =	sand.u32 $0xFE, s11;
	s10 =	sand.u32 $0x1B, s10  }
0x2d2: {  	s10 =	sxor.u32 s10, s11;
	s11 =	sld [smem:$0x3F70]  }
0x2d3: {  	s0 =	rddreg [dreg:$0x1a];
	s9 =	sxor.u32 s9, s26  }
0x2d4: {  	s1 =	sxor.u32 s20, s6;
	s7 =	sxor.u32 s12, s3;
	s4 =	sxor.u32 s9, s4  }
0x2d5: {  	s31 =	sxor.u32 s8, s4;
	s8 =	sxor.u32 s14, s24;
	s4 =	sld [smem:s19+$0x10]  }
0x2d6: {  	s12 =	sxor.u32 s6, s7;
	[smem:$0x3F78] =	sst s8;
	s11 =	sxor.u32 s11, s28  }
0x2d7: {  	s10 =	sxor.u32 s8, s10;
	s2 =	sxor.u32 s11, s5;
	s5 =	sld [smem:s0+$0x10]  }
0x2d8: {  	s3 =	sxor.u32 s3, s10;
	s0 =	sld [smem:$0x3F73];
	s2 =	sxor.u32 s20, s2  }
0x2d9: {  	s20 =	sshll.u32 s1, $0x18;
	s19 =	sxor.u32 s12, s2;
	s12 =	sxor.u32 s12, s31  }
0x2da: {  	s2 =	sshll.u32 s1, $0x1;
	s14 =	sshra.s32 s20, $0x1F;
	s31 =	sld [smem:$0x3F72]  }
0x2db: {  	s20 =	sld [smem:s29+$0x10];
	s10 =	sand.u32 $0x1B, s14;
	s2 =	sand.u32 $0xFE, s2  }
0x2dc: {  	s6 =	sxor.u32 s6, s3;
	s3 =	sxor.u32 s10, s2;
	s10 =	sxor.u32 s4, s5  }
0x2dd: {  	s16 =	sxor.u32 s16, s8;
	[smem:$0x3F7E] =	sst s11;
	s14 =	sshll.u32 s10, $0x18  }
0x2de: {  	s10 =	sshll.u32 s10, $0x1;
	s2 =	sxor.u32 s31, s23;
	s31 =	sld [smem:s0+$0x10]  }
0x2df: {  	s29 =	sshra.s32 s14, $0x1F;
	s10 =	sand.u32 $0xFE, s10;
	s0 =	sxor.u32 s20, s4  }
0x2e0: {  	s3 =	sxor.u32 s2, s3;
	s29 =	sand.u32 $0x1B, s29;
	s14 =	sshll.u32 s0, $0x1  }
0x2e1: {  	[smem:$0x3F81] =	sst s2;
	s3 =	sxor.u32 s7, s3;
	s1 =	sxor.u32 s29, s10  }
0x2e2: {  	s10 =	sshll.u32 s0, $0x18;
	s7 =	sxor.u32 s13, s9;
	s13 =	sxor.u32 s21, s11  }
0x2e3: {  	[smem:$0x3F79] =	sst s3;
	s3 =	sshra.s32 s10, $0x1F;
	s10 =	sand.u32 $0xFE, s14  }
0x2e4: {  	s1 =	sxor.u32 s7, s1;
	s7 =	sld [smem:s7+$0x10];
	s3 =	sand.u32 $0x1B, s3  }
0x2e5: {  	s29 =	sxor.u32 s5, s31;
	s4 =	sxor.u32 s4, s1;
	s5 =	sxor.u32 s5, s0  }
0x2e6: {  	s3 =	sxor.u32 s3, s10;
	s14 =	sshll.u32 s29, $0x18;
	s29 =	sshll.u32 s29, $0x1  }
0x2e7: {  	s21 =	sxor.u32 s31, s5;
	s10 =	sshra.s32 s14, $0x1F;
	s1 =	sand.u32 $0xFE, s29  }
0x2e8: {  	s14 =	sxor.u32 s13, s3;
	s3 =	sxor.u32 s21, s4;
	s10 =	sand.u32 $0x1B, s10  }
0x2e9: {  	s13 =	sld [smem:s13+$0x10];
	s10 =	sxor.u32 s10, s1;
	s1 =	sxor.u32 s20, s14  }
0x2ea: {  	s29 =	sxor.u32 s21, s1;
	s21 =	sxor.u32 s30, s2;
	s30 =	sld [smem:$0x117]  }
0x2eb: {  	s14 =	smov.u32 s2;
	s8 =	sxor.u32 s16, s10;
	s16 =	sld [smem:s16+$0x10]  }
0x2ec: {  	s10 =	sxor.u32 s20, s31;
	s2 =	rddreg [dreg:$0x14];
	s0 =	sxor.u32 s0, s8  }
0x2ed: {  	s20 =	sshll.u32 s10, $0x18;
	s4 =	sshll.u32 s10, $0x1;
	s10 =	sld [smem:s17+$0x10]  }
0x2ee: {  	s20 =	sshra.s32 s20, $0x1F;
	s4 =	sand.u32 $0xFE, s4;
	s0 =	sxor.u32 s31, s0  }
0x2ef: {  	s31 =	sld [smem:s21+$0x10];
	s20 =	sand.u32 $0x1B, s20;
	s7 =	sxor.u32 s30, s7  }
0x2f0: {  	s17 =	sxor.u32 s15, s16;
	s15 =	rddreg [dreg:$0x1c];
	s30 =	sxor.u32 s28, s7  }
0x2f1: {  	s8 =	sxor.u32 s25, s7;
	s28 =	sxor.u32 s2, s7;
	s7 =	sld [smem:$0x3F74]  }
0x2f2: {  	s4 =	sxor.u32 s20, s4;
	[smem:$0x3F80] =	sst s17  }
0x2f3: {  	s4 =	sxor.u32 s21, s4;
	[smem:$0x3F7A] =	sst s30  }
0x2f4: {  	s4 =	sxor.u32 s5, s4;
	s5 =	sld [smem:s6+$0x10]  }
0x2f5: {  	s6 =	rddreg [dreg:$0x16]  }
0x2f6: {  	s2 =	sxor.u32 s18, s31;
	s18 =	rddreg [dreg:$0x4]  }
0x2f7: {  	[smem:$0x3F84] =	sst s8  }
0x2f8: {  	s4 =	sld [smem:s4+$0x10]  }
0x2f9: {  	s1 =	sxor.u32 s6, s16;
	[smem:$0x3F88] =	sst s2  }
0x2fa: {  	s21 =	sxor.u32 s24, s31;
	s24 =	sxor.u32 s18, s13;
	[dreg:$0x1e] =	wrdreg s1  }
0x2fb: {  	[smem:$0x3F99] =	sst s24  }
0x2fc: {  	s1 =	sxor.u32 s15, s31;
	s6 =	sld [smem:s7+$0x10]  }
0x2fd: {  	s26 =	sxor.u32 s26, s16;
	s31 =	sxor.u32 s22, s13;
	[smem:$0x3F98] =	sst s1  }
0x2fe: {  	s1 =	sxor.u32 s23, s13;
	[smem:$0x3F8A] =	sst s31;
	s16 =	sxor.u32 s10, s5  }
0x2ff: {  	[smem:$0x3F7C] =	sst s1;
	s20 =	sshll.u32 s16, $0x18  }
0x300: {  	s7 =	sshll.u32 s16, $0x1;
	s18 =	sxor.u32 s5, s4;
	s13 =	sshra.s32 s20, $0x1F  }
0x301: {  	s7 =	sand.u32 $0xFE, s7;
	s15 =	sxor.u32 s6, s10;
	s13 =	sand.u32 $0x1B, s13  }
0x302: {  	s20 =	sshll.u32 s18, $0x18;
	s22 =	sshll.u32 s15, $0x18;
	s7 =	sxor.u32 s13, s7  }
0x303: {  	s25 =	sshll.u32 s15, $0x1;
	s5 =	sxor.u32 s5, s15;
	s23 =	sshra.s32 s22, $0x1F  }
0x304: {  	s16 =	sand.u32 $0xFE, s25;
	s7 =	sxor.u32 s26, s7;
	s22 =	sshll.u32 s18, $0x1  }
0x305: {  	s13 =	sand.u32 $0x1B, s23;
	s7 =	sxor.u32 s10, s7;
	s23 =	sld [smem:$0x3F75]  }
0x306: {  	s10 =	sand.u32 $0xFE, s22;
	s13 =	sxor.u32 s13, s16;
	s16 =	sshra.s32 s20, $0x1F  }
0x307: {  	s22 =	sld [smem:s12+$0x10];
	s16 =	sand.u32 $0x1B, s16;
	s25 =	sxor.u32 s30, s13  }
0x308: {  	s13 =	sld [smem:s0+$0x10];
	s30 =	sxor.u32 s4, s5;
	s10 =	sxor.u32 s16, s10  }
0x309: {  	s12 =	sxor.u32 s6, s25;
	s6 =	sxor.u32 s6, s4;
	s18 =	sld [smem:s23+$0x10]  }
0x30a: {  	s0 =	sshll.u32 s6, $0x18;
	s20 =	sxor.u32 s30, s12;
	s6 =	sshll.u32 s6, $0x1  }
0x30b: {  	s10 =	sxor.u32 s21, s10;
	s30 =	sxor.u32 s30, s7;
	s25 =	sshra.s32 s0, $0x1F  }
0x30c: {  	s6 =	sand.u32 $0xFE, s6;
	s0 =	sxor.u32 s15, s10;
	s15 =	sld [smem:$0x3F76]  }
0x30d: {  	[smem:$0x3F7D] =	sst s30;
	s23 =	sand.u32 $0x1B, s25;
	s7 =	sxor.u32 s4, s0  }
0x30e: {  	s12 =	sxor.u32 s22, s13;
	s6 =	sxor.u32 s23, s6;
	[smem:$0x3F7B] =	sst s7  }
0x30f: {  	s23 =	sshll.u32 s12, $0x18;
	s10 =	sxor.u32 s1, s6;
	s6 =	sshll.u32 s12, $0x1  }
0x310: {  	s4 =	sshra.s32 s23, $0x1F;
	s16 =	sxor.u32 s5, s10;
	s7 =	sld [smem:s15+$0x10]  }
0x311: {  	s10 =	sxor.u32 s18, s22;
	s4 =	sand.u32 $0x1B, s4;
	s6 =	sand.u32 $0xFE, s6  }
0x312: {  	s25 =	sshll.u32 s10, $0x18;
	s4 =	sxor.u32 s4, s6;
	s0 =	sshll.u32 s10, $0x1  }
0x313: {  	s30 =	sshra.s32 s25, $0x1F;
	s15 =	sand.u32 $0xFE, s0;
	s4 =	sxor.u32 s17, s4  }
0x314: {  	s25 =	rddreg [dreg:$0x15];
	s0 =	smov.u32 s2;
	s6 =	sand.u32 $0x1B, s30  }
0x315: {  	s4 =	sxor.u32 s22, s4;
	s1 =	sxor.u32 s13, s7;
	s6 =	sxor.u32 s6, s15  }
0x316: {  	s23 =	sxor.u32 s18, s7;
	s5 =	sshll.u32 s1, $0x18;
	s12 =	sshll.u32 s1, $0x1  }
0x317: {  	s1 =	sld [smem:s19+$0x10];
	s19 =	sxor.u32 s8, s6;
	s6 =	sxor.u32 s13, s10  }
0x318: {  	s13 =	sshll.u32 s23, $0x1;
	s15 =	sshra.s32 s5, $0x1F;
	s22 =	sand.u32 $0xFE, s12  }
0x319: {  	s5 =	smov.u32 s8;
	s30 =	sxor.u32 s7, s6;
	s8 =	sshll.u32 s23, $0x18  }
0x31a: {  	s13 =	sand.u32 $0xFE, s13;
	s23 =	sld [smem:$0x3F77];
	s15 =	sand.u32 $0x1B, s15  }
0x31b: {  	s4 =	sxor.u32 s30, s4;
	s15 =	sxor.u32 s15, s22;
	s22 =	sld [smem:s3+$0x10]  }
0x31c: {  	s3 =	sxor.u32 s18, s19;
	s18 =	sld [smem:s25+$0x10];
	s25 =	sshra.s32 s8, $0x1F  }
0x31d: {  	s8 =	smov.u32 s31;
	s15 =	sxor.u32 s2, s15;
	s25 =	sand.u32 $0x1B, s25  }
0x31e: {  	s3 =	sxor.u32 s30, s3;
	s10 =	sxor.u32 s10, s15;
	s13 =	sxor.u32 s25, s13  }
0x31f: {  	s12 =	sxor.u32 s7, s10;
	s15 =	sxor.u32 s31, s13;
	s7 =	sld [smem:s23+$0x10]  }
0x320: {  	[smem:$0x3F7F] =	sst s12;
	s19 =	sxor.u32 s22, s18;
	s6 =	sxor.u32 s6, s15  }
0x321: {  	s25 =	sshll.u32 s19, $0x18;
	s13 =	sshll.u32 s19, $0x1;
	s19 =	sxor.u32 s1, s22  }
0x322: {  	s15 =	sshra.s32 s25, $0x1F;
	s13 =	sand.u32 $0xFE, s13;
	s30 =	sshll.u32 s19, $0x18  }
0x323: {  	s2 =	sshll.u32 s19, $0x1;
	s15 =	sand.u32 $0x1B, s15;
	s31 =	sshra.s32 s30, $0x1F  }
0x324: {  	s23 =	sand.u32 $0xFE, s2;
	s10 =	sxor.u32 s18, s7;
	s30 =	rddreg [dreg:$0x8]  }
0x325: {  	s18 =	sxor.u32 s18, s19;
	s13 =	sxor.u32 s15, s13;
	s15 =	sand.u32 $0x1B, s31  }
0x326: {  	s12 =	sshll.u32 s10, $0x18;
	s25 =	sshll.u32 s10, $0x1;
	s2 =	sld [smem:s30+$0x10]  }
0x327: {  	s30 =	sld [smem:$0x3F78];
	s31 =	sxor.u32 s7, s18;
	s15 =	sxor.u32 s15, s23  }
0x328: {  	s13 =	sxor.u32 s9, s13;
	s23 =	sshra.s32 s12, $0x1F;
	s25 =	sand.u32 $0xFE, s25  }
0x329: {  	s13 =	sxor.u32 s17, s13;
	s23 =	sand.u32 $0x1B, s23;
	s15 =	sxor.u32 s11, s15  }
0x32a: {  	s11 =	sld [smem:$0x3F79];
	s13 =	sxor.u32 s22, s13;
	s15 =	sxor.u32 s5, s15  }
0x32b: {  	s22 =	sxor.u32 s23, s25;
	s23 =	sld [smem:s29+$0x10];
	s15 =	sxor.u32 s1, s15  }
0x32c: {  	s22 =	sxor.u32 s30, s22;
	s1 =	sxor.u32 s1, s7;
	s25 =	sxor.u32 s31, s13  }
0x32d: {  	s15 =	sxor.u32 s31, s15;
	s22 =	sxor.u32 s0, s22;
	s10 =	sshll.u32 s1, $0x18  }
0x32e: {  	s17 =	sshll.u32 s1, $0x1;
	s5 =	sxor.u32 s19, s22;
	s29 =	sld [smem:s11+$0x10]  }
0x32f: {  	s19 =	sshra.s32 s10, $0x1F;
	s17 =	sand.u32 $0xFE, s17;
	s22 =	rddreg [dreg:$0xd]  }
0x330: {  	s19 =	sand.u32 $0x1B, s19;
	s31 =	sxor.u32 s23, s2;
	s7 =	sxor.u32 s7, s5  }
0x331: {  	s1 =	sld [smem:s22+$0x10];
	s12 =	sxor.u32 s19, s17;
	s19 =	sshll.u32 s31, $0x18  }
0x332: {  	s5 =	sshll.u32 s31, $0x1;
	s17 =	sshra.s32 s19, $0x1F;
	s13 =	sxor.u32 s14, s12  }
0x333: {  	s22 =	sand.u32 $0xFE, s5;
	s5 =	sld [smem:s7+$0x10];
	s13 =	sxor.u32 s8, s13  }
0x334: {  	s17 =	sand.u32 $0x1B, s17;
	s8 =	sxor.u32 s23, s29;
	s10 =	sxor.u32 s18, s13  }
0x335: {  	s17 =	sxor.u32 s17, s22;
	s11 =	sshll.u32 s8, $0x18;
	[smem:$0x3F82] =	sst s10  }
0x336: {  	s12 =	sxor.u32 s2, s1;
	s18 =	sshra.s32 s11, $0x1F;
	s11 =	sld [smem:s4+$0x10]  }
0x337: {  	s10 =	smov.u32 s28;
	s17 =	sxor.u32 s28, s17;
	s28 =	sld [smem:s3+$0x10]  }
0x338: {  	s13 =	sshll.u32 s12, $0x18;
	s14 =	sshll.u32 s12, $0x1;
	s12 =	sld [smem:$0x118]  }
0x339: {  	s0 =	sshra.s32 s13, $0x1F;
	s13 =	sld [smem:s20+$0x10]  }
0x33a: {  	s22 =	sshll.u32 s8, $0x1;
	[smem:$0x3F8C] =	sst s5  }
0x33b: {  	s22 =	sand.u32 $0xFE, s22;
	s18 =	sand.u32 $0x1B, s18;
	[smem:$0x3F94] =	sst s10  }
0x33c: {  	s18 =	sxor.u32 s18, s22;
	s0 =	sand.u32 $0x1B, s0;
	s22 =	sand.u32 $0xFE, s14  }
0x33d: {  	s0 =	sxor.u32 s0, s22;
	s22 =	rddreg [dreg:$0x1e]  }
0x33e: {  	s4 =	sxor.u32 s1, s31;
	s18 =	sxor.u32 s24, s18;
	[smem:$0x3F92] =	sst s11  }
0x33f: {  	s19 =	sxor.u32 s1, s29;
	s18 =	sxor.u32 s4, s18;
	[smem:$0x3F83] =	sst s28  }
0x340: {  	s17 =	sxor.u32 s23, s17;
	s23 =	sshll.u32 s19, $0x18;
	s14 =	sld [smem:s18+$0x10]  }
0x341: {  	s19 =	sshll.u32 s19, $0x1;
	s18 =	sshra.s32 s23, $0x1F;
	s23 =	sld [smem:s22+$0x10]  }
0x342: {  	s8 =	sand.u32 $0xFE, s19;
	[smem:$0x3F87] =	sst s13;
	s1 =	sand.u32 $0x1B, s18  }
0x343: {  	s3 =	sxor.u32 s1, s8;
	s8 =	sld [smem:$0x3F98]  }
0x344: {  	s1 =	sld [smem:s25+$0x10]  }
0x345: {  	s7 =	sxor.u32 s23, s12;
	s12 =	sld [smem:$0x3F7A]  }
0x346: {  	s0 =	sxor.u32 s22, s0;
	[smem:$0x3F86] =	sst s14  }
0x347: {  	s4 =	sxor.u32 s29, s4;
	s3 =	sxor.u32 s8, s3;
	s28 =	sld [smem:s8+$0x10]  }
0x348: {  	s0 =	sxor.u32 s2, s0;
	s25 =	sxor.u32 s31, s3;
	s31 =	sld [smem:s24+$0x10]  }
0x349: {  	s0 =	sxor.u32 s4, s0;
	s7 =	sxor.u32 s12, s7;
	s12 =	sld [smem:s16+$0x10]  }
0x34a: {  	s16 =	sld [smem:s0+$0x10]  }
0x34b: {  	s2 =	sxor.u32 s29, s25;
	s29 =	sxor.u32 s13, s11;
	s11 =	sld [smem:s6+$0x10]  }
0x34c: {  	s20 =	smov.u32 s22;
	s22 =	sld [smem:s2+$0x10]  }
0x34d: {  	s2 =	sld [smem:s10+$0x10]  }
0x34e: {  	s23 =	sxor.u32 s26, s28;
	s28 =	sld [smem:s15+$0x10]  }
0x34f: {  	s5 =	sxor.u32 s5, s29;
	s26 =	sld [smem:$0x3F7B]  }
0x350: {  	[smem:$0x3F89] =	sst s5  }
0x351: {  	s19 =	sshll.u32 s29, $0x18;
	s18 =	sxor.u32 s21, s31;
	s31 =	sld [smem:$0x3F7C]  }
0x352: {  	s5 =	sxor.u32 s14, s5;
	s21 =	sshra.s32 s19, $0x1F;
	s19 =	sld [smem:$0x119]  }
0x353: {  	[smem:$0x3F96] =	sst s5  }
0x354: {  	s9 =	sxor.u32 s9, s23;
	[smem:$0x3F8D] =	sst s12  }
0x355: {  	s0 =	sand.u32 $0x1B, s21;
	[smem:$0x3F85] =	sst s9  }
0x356: {  	s21 =	smov.u32 s23;
	s9 =	sxor.u32 s20, s9;
	s23 =	sld [smem:$0x3F7E]  }
0x357: {  	[smem:$0x3F8B] =	sst s9  }
0x358: {  	s25 =	sshll.u32 s29, $0x1;
	[smem:$0x3F95] =	sst s22  }
0x359: {  	s17 =	sxor.u32 s4, s17;
	s4 =	sand.u32 $0xFE, s25;
	s9 =	sld [smem:s9+$0x10]  }
0x35a: {  	s0 =	sxor.u32 s0, s4;
	s3 =	smov.u32 s22;
	s15 =	sld [smem:s26+$0x10]  }
0x35b: {  	s26 =	sld [smem:s17+$0x10];
	s0 =	sxor.u32 s7, s0;
	s17 =	sxor.u32 s1, s22  }
0x35c: {  	s22 =	sld [smem:$0x3F7D];
	s25 =	sxor.u32 s31, s2;
	s0 =	sxor.u32 s13, s0  }
0x35d: {  	s20 =	sshll.u32 s17, $0x18;
	s2 =	sshll.u32 s17, $0x1;
	s13 =	sld [smem:$0x3F82]  }
0x35e: {  	s6 =	sshra.s32 s20, $0x1F;
	s0 =	sxor.u32 s5, s0;
	s5 =	sld [smem:$0x3F7F]  }
0x35f: {  	s17 =	sxor.u32 s19, s9;
	s9 =	sxor.u32 s30, s18;
	s30 =	sld [smem:$0x3F80]  }
0x360: {  	s2 =	sand.u32 $0xFE, s2;
	s6 =	sand.u32 $0x1B, s6;
	s31 =	sld [smem:s22+$0x10]  }
0x361: {  	s2 =	sxor.u32 s6, s2;
	s6 =	sld [smem:$0x3F81]  }
0x362: {  	s22 =	sld [smem:s5+$0x10]  }
0x363: {  	s5 =	sld [smem:$0x3F83]  }
0x364: {  	s23 =	sxor.u32 s23, s7;
	s0 =	sld [smem:s0+$0x10]  }
0x365: {  	s14 =	sxor.u32 s10, s23;
	s20 =	sxor.u32 s8, s9;
	s13 =	sld [smem:s13+$0x10]  }
0x366: {  	s19 =	sld [smem:s20+$0x10];
	s2 =	sxor.u32 s30, s2;
	s4 =	sxor.u32 s6, s25  }
0x367: {  	[smem:$0x3F91] =	sst s4;
	s4 =	sxor.u32 s24, s4;
	s6 =	sxor.u32 s5, s1  }
0x368: {  	s0 =	sxor.u32 s0, s7;
	s10 =	sld [smem:s4+$0x10];
	s3 =	sxor.u32 s3, s6  }
0x369: {  	s2 =	sxor.u32 s21, s2;
	s0 =	sxor.u32 s17, s0;
	[smem:$0x3F8F] =	sst s3  }
0x36a: {  	s2 =	sxor.u32 s1, s2;
	s8 =	sxor.u32 s12, s3;
	s12 =	sld [smem:s14+$0x10]  }
0x36b: {  	[smem:$0x190] =	sst s0;
	s3 =	sxor.u32 s15, s11;
	s24 =	sxor.u32 s8, s2  }
0x36c: {  	s1 =	smov.u32 s11;
	s11 =	sshll.u32 s3, $0x18;
	s0 =	sld [smem:s24+$0x10]  }
0x36d: {  	[smem:$0x3F90] =	sst s14;
	s2 =	sshll.u32 s3, $0x1;
	s14 =	sshra.s32 s11, $0x1F  }
0x36e: {  	s2 =	sand.u32 $0xFE, s2;
	s14 =	sand.u32 $0x1B, s14  }
0x36f: {  	[smem:$0x3F8E] =	sst s9;
	s3 =	sxor.u32 s28, s16;
	s2 =	sxor.u32 s14, s2  }
0x370: {  	s11 =	smov.u32 s28;
	s2 =	sxor.u32 s9, s2;
	s0 =	sxor.u32 s0, s21  }
0x371: {  	s28 =	smov.u32 s1;
	s2 =	sxor.u32 s3, s2;
	s14 =	sxor.u32 s19, s0  }
0x372: {  	s2 =	sxor.u32 s1, s2;
	s1 =	sxor.u32 s26, s13;
	[smem:$0x191] =	sst s14  }
0x373: {  	s9 =	sshll.u32 s1, $0x18;
	s2 =	sld [smem:s2+$0x10]  }
0x374: {  	s14 =	sshll.u32 s1, $0x1;
	s0 =	sshra.s32 s9, $0x1F  }
0x375: {  	s14 =	sand.u32 $0xFE, s14;
	s0 =	sand.u32 $0x1B, s0  }
0x376: {  	[smem:$0x3F93] =	sst s21;
	s24 =	smov.u32 s18;
	s0 =	sxor.u32 s0, s14  }
0x377: {  	s0 =	sxor.u32 s4, s0;
	s4 =	sshll.u32 s6, $0x1;
	s2 =	sxor.u32 s2, s18  }
0x378: {  	s18 =	sshll.u32 s6, $0x18;
	s14 =	sxor.u32 s10, s2;
	s2 =	sxor.u32 s26, s31  }
0x379: {  	[smem:$0x192] =	sst s14;
	s9 =	sxor.u32 s22, s2;
	s14 =	sshra.s32 s18, $0x1F  }
0x37a: {  	s21 =	sxor.u32 s9, s0;
	s14 =	sand.u32 $0x1B, s14;
	s0 =	sand.u32 $0xFE, s4  }
0x37b: {  	s0 =	sxor.u32 s14, s0;
	s14 =	sld [smem:$0x3F84]  }
0x37c: {  	s1 =	sld [smem:s21+$0x10];
	_ =	sdelay $0x2  }
0x37d: {  	s0 =	sxor.u32 s14, s0  }
0x37e: {  	[smem:$0x3F97] =	sst s6;
	s1 =	sxor.u32 s1, s25;
	s0 =	sxor.u32 s7, s0  }
0x37f: {  	s6 =	sxor.u32 s16, s15;
	s1 =	sxor.u32 s12, s1;
	s0 =	sxor.u32 s5, s0  }
0x380: {  	[smem:$0x193] =	sst s1;
	s0 =	sxor.u32 s8, s0;
	s8 =	sshll.u32 s6, $0x18  }
0x381: {  	s18 =	smov.u32 s12;
	s4 =	sshra.s32 s8, $0x1F;
	s8 =	sld [smem:$0x3F85]  }
0x382: {  	s21 =	smov.u32 s5;
	s12 =	sshll.u32 s6, $0x1;
	s5 =	sld [smem:s0+$0x10]  }
0x383: {  	s1 =	sand.u32 $0xFE, s12;
	s4 =	sand.u32 $0x1B, s4  }
0x384: {  	s6 =	sxor.u32 s4, s1  }
0x385: {  	s14 =	sxor.u32 s14, s17;
	s0 =	sxor.u32 s8, s6  }
0x386: {  	s17 =	sxor.u32 s14, s5;
	s12 =	sxor.u32 s16, s0;
	s0 =	sxor.u32 s15, s3  }
0x387: {  	s16 =	smov.u32 s28;
	s6 =	sxor.u32 s28, s0;
	s28 =	sxor.u32 s22, s13  }
0x388: {  	[smem:$0x194] =	sst s17;
	s1 =	sxor.u32 s6, s12;
	s5 =	sshll.u32 s28, $0x18  }
0x389: {  	s7 =	sshll.u32 s28, $0x1;
	s12 =	sld [smem:$0x3F86];
	s4 =	sshra.s32 s5, $0x1F  }
0x38a: {  	s1 =	sld [smem:s1+$0x10];
	s7 =	sand.u32 $0xFE, s7;
	s4 =	sand.u32 $0x1B, s4  }
0x38b: {  	s4 =	sxor.u32 s4, s7;
	s7 =	sld [smem:$0x3F87];
	_ =	sdelay $0x1  }
0x38c: {  	s30 =	sxor.u32 s30, s19  }
0x38d: {  	s1 =	sxor.u32 s30, s1  }
0x38e: {  	s4 =	sxor.u32 s20, s4;
	[smem:$0x195] =	sst s1;
	s1 =	sxor.u32 s7, s12  }
0x38f: {  	s4 =	sxor.u32 s2, s4;
	s15 =	sshll.u32 s1, $0x18  }
0x390: {  	s4 =	sxor.u32 s13, s4;
	s7 =	sshra.s32 s15, $0x1F;
	s15 =	sld [smem:$0x3F88]  }
0x391: {  	s4 =	sld [smem:s4+$0x10]  }
0x392: {  	s17 =	sld [smem:$0x3F89];
	s1 =	sshll.u32 s1, $0x1  }
0x393: {  	s1 =	sand.u32 $0xFE, s1;
	s7 =	sand.u32 $0x1B, s7  }
0x394: {  	s1 =	sxor.u32 s7, s1;
	s28 =	sxor.u32 s15, s10  }
0x395: {  	s1 =	sxor.u32 s25, s1;
	s10 =	sld [smem:$0x3F8A];
	s4 =	sxor.u32 s28, s4  }
0x396: {  	s19 =	sshll.u32 s3, $0x18;
	s1 =	sxor.u32 s17, s1;
	[smem:$0x196] =	sst s4  }
0x397: {  	s3 =	sshll.u32 s3, $0x1;
	s4 =	sshra.s32 s19, $0x1F;
	s1 =	sld [smem:s1+$0x10]  }
0x398: {  	s3 =	sand.u32 $0xFE, s3;
	s4 =	sand.u32 $0x1B, s4  }
0x399: {  	s3 =	sxor.u32 s4, s3  }
0x39a: {  	s5 =	sld [smem:$0x3F8B];
	s7 =	sxor.u32 s10, s18;
	s3 =	sxor.u32 s23, s3  }
0x39b: {  	s20 =	sxor.u32 s31, s22;
	s3 =	sxor.u32 s11, s3;
	s1 =	sxor.u32 s7, s1  }
0x39c: {  	s22 =	sshll.u32 s20, $0x18;
	s3 =	sxor.u32 s6, s3;
	[smem:$0x197] =	sst s1  }
0x39d: {  	s4 =	sshra.s32 s22, $0x1F;
	s3 =	sld [smem:s3+$0x10]  }
0x39e: {  	s4 =	sand.u32 $0x1B, s4;
	s1 =	sshll.u32 s20, $0x1  }
0x39f: {  	s6 =	sxor.u32 s13, s9;
	s13 =	sld [smem:$0x3F8C];
	s1 =	sand.u32 $0xFE, s1  }
0x3a0: {  	s1 =	sxor.u32 s4, s1  }
0x3a1: {  	s1 =	sxor.u32 s5, s1;
	s3 =	sxor.u32 s3, s23  }
0x3a2: {  	s9 =	sld [smem:$0x3F8D];
	s1 =	sxor.u32 s31, s1;
	s3 =	sxor.u32 s14, s3  }
0x3a3: {  	s17 =	sxor.u32 s13, s12;
	s1 =	sxor.u32 s6, s1;
	[smem:$0x198] =	sst s3  }
0x3a4: {  	s18 =	sshll.u32 s17, $0x18;
	s1 =	sld [smem:s1+$0x10]  }
0x3a5: {  	s5 =	sshra.s32 s18, $0x1F;
	s3 =	sshll.u32 s17, $0x1  }
0x3a6: {  	s5 =	sand.u32 $0x1B, s5;
	s3 =	sand.u32 $0xFE, s3  }
0x3a7: {  	s3 =	sxor.u32 s5, s3  }
0x3a8: {  	s19 =	sxor.u32 s21, s9;
	s3 =	sxor.u32 s24, s3;
	s1 =	sxor.u32 s1, s8  }
0x3a9: {  	s21 =	sld [smem:$0x3F8E];
	s3 =	sxor.u32 s29, s3;
	s1 =	sxor.u32 s30, s1  }
0x3aa: {  	s3 =	sxor.u32 s12, s3;
	[smem:$0x199] =	sst s1  }
0x3ab: {  	s20 =	sshll.u32 s19, $0x18;
	s3 =	sld [smem:s3+$0x10]  }
0x3ac: {  	s5 =	sshra.s32 s20, $0x1F;
	s1 =	sshll.u32 s19, $0x1  }
0x3ad: {  	s22 =	sld [smem:$0x3F8F];
	s5 =	sand.u32 $0x1B, s5;
	s1 =	sand.u32 $0xFE, s1  }
0x3ae: {  	s1 =	sxor.u32 s5, s1  }
0x3af: {  	s29 =	sld [smem:$0x3F91];
	s1 =	sxor.u32 s10, s1;
	s3 =	sxor.u32 s3, s21  }
0x3b0: {  	s1 =	sxor.u32 s25, s1;
	s25 =	sld [smem:$0x3F90];
	s3 =	sxor.u32 s28, s3  }
0x3b1: {  	s1 =	sxor.u32 s22, s1;
	[smem:$0x19A] =	sst s3  }
0x3b2: {  	s23 =	sshll.u32 s2, $0x18;
	s1 =	sld [smem:s1+$0x10]  }
0x3b3: {  	s2 =	sshll.u32 s2, $0x1;
	s3 =	sshra.s32 s23, $0x1F  }
0x3b4: {  	s2 =	sand.u32 $0xFE, s2;
	s3 =	sand.u32 $0x1B, s3  }
0x3b5: {  	s2 =	sxor.u32 s3, s2  }
0x3b6: {  	s31 =	sld [smem:$0x3F92];
	s2 =	sxor.u32 s25, s2;
	s1 =	sxor.u32 s1, s29  }
0x3b7: {  	s12 =	sld [smem:$0x3F94];
	s2 =	sxor.u32 s26, s2;
	s1 =	sxor.u32 s7, s1  }
0x3b8: {  	s2 =	sxor.u32 s6, s2;
	[smem:$0x19B] =	sst s1  }
0x3b9: {  	s2 =	sld [smem:s2+$0x10];
	_ =	sdelay $0x1  }
0x3ba: {  	s10 =	sld [smem:$0x3F93];
	s6 =	sxor.u32 s31, s13  }
0x3bb: {  	s13 =	sld [smem:$0x3F95];
	s8 =	sshll.u32 s6, $0x18;
	s3 =	sshll.u32 s6, $0x1  }
0x3bc: {  	s1 =	sshra.s32 s8, $0x1F;
	s3 =	sand.u32 $0xFE, s3;
	s2 =	sxor.u32 s2, s12  }
0x3bd: {  	s1 =	sand.u32 $0x1B, s1;
	s2 =	sxor.u32 s14, s2;
	s14 =	sld [smem:$0x3F96]  }
0x3be: {  	s1 =	sxor.u32 s1, s3  }
0x3bf: {  	s1 =	sxor.u32 s10, s1  }
0x3c0: {  	s3 =	sxor.u32 s13, s9;
	s1 =	sxor.u32 s31, s1  }
0x3c1: {  	s17 =	sshll.u32 s3, $0x18;
	[smem:$0x19C] =	sst s2;
	s1 =	sxor.u32 s14, s1  }
0x3c2: {  	s3 =	sshll.u32 s3, $0x1;
	s2 =	sshra.s32 s17, $0x1F;
	s1 =	sld [smem:s1+$0x10]  }
0x3c3: {  	s19 =	sld [smem:$0x3F97];
	s3 =	sand.u32 $0xFE, s3;
	s2 =	sand.u32 $0x1B, s2  }
0x3c4: {  	s2 =	sxor.u32 s2, s3  }
0x3c5: {  	s18 =	rddreg [dreg:$0x1e];
	s2 =	sxor.u32 s15, s2  }
0x3c6: {  	s2 =	sxor.u32 s24, s2;
	s1 =	sxor.u32 s1, s18  }
0x3c7: {  	s22 =	sld [smem:$0x3F98];
	s2 =	sxor.u32 s19, s2;
	s1 =	sxor.u32 s30, s1  }
0x3c8: {  	s2 =	sxor.u32 s9, s2;
	[smem:$0x19D] =	sst s1  }
0x3c9: {  	s20 =	sxor.u32 s11, s16;
	s2 =	sld [smem:s2+$0x10]  }
0x3ca: {  	s21 =	sshll.u32 s20, $0x18  }
0x3cb: {  	s3 =	sshra.s32 s21, $0x1F;
	s1 =	sshll.u32 s20, $0x1  }
0x3cc: {  	s3 =	sand.u32 $0x1B, s3;
	s1 =	sand.u32 $0xFE, s1  }
0x3cd: {  	s1 =	sxor.u32 s3, s1;
	s2 =	sxor.u32 s2, s22  }
0x3ce: {  	s23 =	sld [smem:$0x3F99];
	s1 =	sxor.u32 s29, s1;
	s2 =	sxor.u32 s28, s2  }
0x3cf: {  	s0 =	sxor.u32 s0, s1;
	[smem:$0x19E] =	sst s2  }
0x3d0: {  	s0 =	sld [smem:s0+$0x10];
	_ =	sdelay $0x2  }
0x3d1: {  	s25 =	sld [smem:$0x3FD0]  }
0x3d2: {  	s0 =	sxor.u32 s0, s23  }
0x3d3: {  	s0 =	sxor.u32 s7, s0  }
0x3d4: {  	s26 =	simm.s32 $0x190;
	s24 =	simm.s32 $0xA;
	[smem:$0x19F] =	sst s0  }
0x3d5: {  	[hbm:s25], [sflag:s24] =	dma.local [smem:s26], $0x10  }
0x3d6: {  	_ =	swait.ge [sflag:s24], $0x10  }
0x3d7: {  	[sflag:s24] =	ssyncset.done $0x0  }
0x3d8: {  	[sflag:s24] =	ssyncadd.s32 $0xFFFFFFF0  }
0x3d9: {  	_ =	strace $0x90000046  }
0x3da: {  	_ =	sfence  }
0x3db: {  	s28 =	sld [smem:$0x0];
	_ =	sdelay $0x1  }
0x3dc: {  	s29 =	srdreg.scid  }
0x3dd: {  	s30 =	sshll.u32 s29, $0xD;
	s31 =	sshrl.u32 s29, $0x2  }
0x3de: {  	s1 =	sand.u32 $0x1, s29;
	s2 =	sand.u32 $0x4000, s30;
	s0 =	sadd.s32 s31, s28  }
0x3df: {  	s1 =	sor.u32 s2, s1;
	s0 =	sshll.u32 s0, $0x11  }
0x3e0: {  	s0 =	sor.u32 s0, s1  }
0x3e1: {  	s0 =	sadd.s32 $0x8F2B, s0;
	(pc) =	sbr.abs _section_cstart, $3  }
0x3e2: {  	[sflag:s0] =	ssyncadd.remote.s32 $0x1  }
0x3e3: {  	_ =	strace $0x9FFFFFFF  }
0x3e4: {  	(tm) =	ssettm $0x7FFFFFFF  }
0x3e5: {  	_ =	shalt  }

</sc_bundles>
